<compile_context>
chip_gen: v7x
topology: tpu7x:2x2x1
jax: 0.10.2.dev20260603
libtpu: 0.0.44.dev20260713+nightly
codegen_flags: <defaults>
</compile_context>

<pallas_src>
import functools

import jax
import jax.numpy as jnp
from jax import lax
from jax.experimental import pallas as pl

N = 100000
E = 600000
F0 = 128
D1 = 69
D2 = 10
D1P = 80
D2P = 16

BLK = 1000
NBLK = N // BLK


def _prep_kernel(x_ref, pos_ref, wx1_ref, wp1_ref, wp2_ref,
                 u1_ref, v1_ref, v2_ref):
    x = x_ref[...].astype(jnp.bfloat16)
    p0 = pos_ref[:, 0:1]
    p1 = pos_ref[:, 1:2]
    v1 = p0 * wp1_ref[0:1, :] + p1 * wp1_ref[1:2, :]
    u1_ref[...] = jnp.dot(x, wx1_ref[...], preferred_element_type=jnp.float32) + v1
    v1_ref[...] = v1
    v2_ref[...] = p0 * wp2_ref[0:1, :] + p1 * wp2_ref[1:2, :]


def _post1_kernel(m_ref, v_ref, bl_ref, wg_ref, bg_ref, t_ref, s_ref):
    agg = jnp.maximum(m_ref[...] - v_ref[...] + bl_ref[...], 0.0)
    out = jnp.maximum(jnp.dot(agg.astype(jnp.bfloat16), wg_ref[...],
                              preferred_element_type=jnp.float32)
                      + bg_ref[...], 0.0)
    t_ref[...] = out

    @pl.when(pl.program_id(0) == 0)
    def _():
        s_ref[...] = jnp.zeros_like(s_ref)

    s_ref[0:1, :] += jnp.sum(out, axis=0, keepdims=True)


def _csq_kernel(t_ref, s_ref, c_ref):
    mean = s_ref[0:1, :] / N
    d = t_ref[...] - mean

    @pl.when(pl.program_id(0) == 0)
    def _():
        c_ref[...] = jnp.zeros_like(c_ref)

    c_ref[0:1, :] += jnp.sum(d * d, axis=0, keepdims=True)


def _post2_kernel(t_ref, s_ref, c_ref, g_ref, be_ref, wn_ref, bn_ref, v2_ref, u2_ref):
    mean = s_ref[0:1, :] / N
    var = c_ref[0:1, :] / N
    h = jnp.maximum((t_ref[...] - mean) / jnp.sqrt(var + 1e-5) * g_ref[...]
                    + be_ref[...], 0.0)
    u2_ref[...] = (jnp.dot(h.astype(jnp.bfloat16), wn_ref[...],
                           preferred_element_type=jnp.float32)
                   + v2_ref[...])


def _final_kernel(t_ref, s_ref, c_ref, g_ref, be_ref, out_ref):
    mean = s_ref[0:1, :] / N
    var = c_ref[0:1, :] / N
    out_ref[...] = jnp.maximum((t_ref[...] - mean) / jnp.sqrt(var + 1e-5) * g_ref[...]
                               + be_ref[...], 0.0)


def _rowspec(width):
    return pl.BlockSpec((BLK, width), lambda i: (i, 0))


def _fullspec(shape):
    return pl.BlockSpec(shape, lambda i: tuple(0 for _ in shape))


def _pad2(w, rows, cols):
    return jnp.zeros((rows, cols), jnp.float32).at[:w.shape[0], :w.shape[1]].set(w)


def _pad1(b, cols):
    return jnp.zeros((cols,), jnp.float32).at[:b.shape[0]].set(b)


def kernel(x, pos, edge_index, W1l, b1l, W1g, b1g, g1, be1,
           W2l, b2l, W2g, b2g, g2, be2):
    src = edge_index[0]
    dst = edge_index[1]

    wx1 = _pad2(W1l[:F0], F0, D1P).astype(jnp.bfloat16)
    wp1 = _pad2(W1l[F0:F0 + 2], 2, D1P)
    b1 = _pad1(b1l, D1P).reshape(1, D1P)
    wg1 = _pad2(W1g, D1P, D1P).astype(jnp.bfloat16)
    bg1 = _pad1(b1g, D1P).reshape(1, D1P)
    g1p = _pad1(g1, D1P).reshape(1, D1P)
    be1p = _pad1(be1, D1P).reshape(1, D1P)
    wx2 = _pad2(W2l[:D1], D1P, D2P).astype(jnp.bfloat16)
    wp2 = _pad2(W2l[D1:D1 + 2], 2, D2P)
    b2 = _pad1(b2l, D2P).reshape(1, D2P)
    wg2 = _pad2(W2g, D2P, D2P).astype(jnp.bfloat16)
    bg2 = _pad1(b2g, D2P).reshape(1, D2P)
    g2p = _pad1(g2, D2P).reshape(1, D2P)
    be2p = _pad1(be2, D2P).reshape(1, D2P)

    u1, v1, v2 = pl.pallas_call(
        _prep_kernel,
        grid=(NBLK,),
        in_specs=[_rowspec(F0), pl.BlockSpec((BLK, 2), lambda i: (i, 0)),
                  _fullspec((F0, D1P)), _fullspec((2, D1P)),
                  _fullspec((2, D2P))],
        out_specs=[_rowspec(D1P), _rowspec(D1P), _rowspec(D2P)],
        out_shape=[jax.ShapeDtypeStruct((N, D1P), jnp.float32),
                   jax.ShapeDtypeStruct((N, D1P), jnp.float32),
                   jax.ShapeDtypeStruct((N, D2P), jnp.float32)],
    )(x, pos, wx1, wp1, wp2)

    m1 = jax.ops.segment_max(u1[src], dst, num_segments=N)

    t1, s1 = pl.pallas_call(
        _post1_kernel,
        grid=(NBLK,),
        in_specs=[_rowspec(D1P), _rowspec(D1P), _fullspec((1, D1P)),
                  _fullspec((D1P, D1P)), _fullspec((1, D1P))],
        out_specs=[_rowspec(D1P), _fullspec((8, D1P))],
        out_shape=[jax.ShapeDtypeStruct((N, D1P), jnp.float32),
                   jax.ShapeDtypeStruct((8, D1P), jnp.float32)],
    )(m1, v1, b1, wg1, bg1)

    c1 = pl.pallas_call(
        _csq_kernel,
        grid=(NBLK,),
        in_specs=[_rowspec(D1P), _fullspec((8, D1P))],
        out_specs=_fullspec((8, D1P)),
        out_shape=jax.ShapeDtypeStruct((8, D1P), jnp.float32),
    )(t1, s1)

    u2 = pl.pallas_call(
        _post2_kernel,
        grid=(NBLK,),
        in_specs=[_rowspec(D1P), _fullspec((8, D1P)), _fullspec((8, D1P)),
                  _fullspec((1, D1P)), _fullspec((1, D1P)),
                  _fullspec((D1P, D2P)), _fullspec((1, D2P)), _rowspec(D2P)],
        out_specs=_rowspec(D2P),
        out_shape=jax.ShapeDtypeStruct((N, D2P), jnp.float32),
    )(t1, s1, c1, g1p, be1p, wx2, b2, v2)

    m2 = jax.ops.segment_max(u2[src], dst, num_segments=N)

    t2, s2 = pl.pallas_call(
        _post1_kernel,
        grid=(NBLK,),
        in_specs=[_rowspec(D2P), _rowspec(D2P), _fullspec((1, D2P)),
                  _fullspec((D2P, D2P)), _fullspec((1, D2P))],
        out_specs=[_rowspec(D2P), _fullspec((8, D2P))],
        out_shape=[jax.ShapeDtypeStruct((N, D2P), jnp.float32),
                   jax.ShapeDtypeStruct((8, D2P), jnp.float32)],
    )(m2, v2, b2, wg2, bg2)

    c2 = pl.pallas_call(
        _csq_kernel,
        grid=(NBLK,),
        in_specs=[_rowspec(D2P), _fullspec((8, D2P))],
        out_specs=_fullspec((8, D2P)),
        out_shape=jax.ShapeDtypeStruct((8, D2P), jnp.float32),
    )(t2, s2)

    h2 = pl.pallas_call(
        _final_kernel,
        grid=(NBLK,),
        in_specs=[_rowspec(D2P), _fullspec((8, D2P)), _fullspec((8, D2P)),
                  _fullspec((1, D2P)), _fullspec((1, D2P))],
        out_specs=_rowspec(D2P),
        out_shape=jax.ShapeDtypeStruct((N, D2P), jnp.float32),
    )(t2, s2, c2, g2p, be2p)

    return h2[:, :D2]

# --- scband reference (transcript-rebuilt; emitter-appended) ---
"""Pipeline reference for scband-point-net-29506425323597 (READ-ONLY COPY).

The authoritative reference and input builder live on the scoring server;
editing this copy changes nothing except your own understanding.
"""

import jax, jax.numpy as jnp
import numpy as np

N = 100000
E = 600000
F0 = 128   # feat_size = 2 * n_samples
D1 = 69    # graph_planes: [128, 69, 10] (linear reduction, n_graph=2, graph_out=10)
D2 = 10
NDIM = 2


def _w(key, a, b):
    return jax.random.normal(key, (a, b), dtype=jnp.float32) * (1.0 / np.sqrt(a))


def setup_inputs(seed: int = 0) -> dict:
    key = jax.random.key(seed)
    ks = jax.random.split(key, 20)
    x = jax.random.normal(ks[0], (N, F0), dtype=jnp.float32)
    pos = jax.random.uniform(ks[1], (N, NDIM), dtype=jnp.float32) * 6.0
    edge_index = jax.random.randint(ks[2], (2, E), 0, N, dtype=jnp.int32)
    return {
        "x": x,
        "pos": pos,
        "edge_index": edge_index,
        # layer 1: PointConv(local_nn: Linear(F0+2 -> D1)+ReLU, global_nn: Linear(D1 -> D1)+ReLU), BatchNorm(D1)
        "W1l": _w(ks[3], F0 + NDIM, D1), "b1l": jnp.zeros((D1,), jnp.float32),
        "W1g": _w(ks[4], D1, D1),        "b1g": jnp.zeros((D1,), jnp.float32),
        "g1": jnp.ones((D1,), jnp.float32), "be1": jnp.zeros((D1,), jnp.float32),
        # layer 2: PointConv(local_nn: Linear(D1+2 -> D2)+ReLU, global_nn: Linear(D2 -> D2)+ReLU), BatchNorm(D2)
        "W2l": _w(ks[5], D1 + NDIM, D2), "b2l": jnp.zeros((D2,), jnp.float32),
        "W2g": _w(ks[6], D2, D2),        "b2g": jnp.zeros((D2,), jnp.float32),
        "g2": jnp.ones((D2,), jnp.float32), "be2": jnp.zeros((D2,), jnp.float32),
    }


def _point_conv_block(x, pos, src, dst, Wl, bl, Wg, bg, gamma, beta):
    # PyG PointNetConv message: concat([x_j, pos_j - pos_i]) -> local_nn -> max aggregate -> global_nn
    msg = jnp.concatenate([x[src], pos[src] - pos[dst]], axis=-1)
    h = jax.nn.relu(msg @ Wl + bl)                      # local_nn (LinearPlanes w/ ReLU)
    agg = jax.ops.segment_max(h, dst, num_segments=N)   # max aggregation
    agg = jnp.where(jnp.isfinite(agg), agg, 0.0)         # empty segments -> 0
    out = jax.nn.relu(agg @ Wg + bg)                     # global_nn (LinearPlanes w/ ReLU)
    # BatchNorm (training-mode batch statistics over nodes)
    mean = jnp.mean(out, axis=0)
    var = jnp.var(out, axis=0)
    out = (out - mean) / jnp.sqrt(var + 1e-5) * gamma + beta
    return jax.nn.relu(out)                              # self.activation


def reference(x, pos, edge_index, W1l, b1l, W1g, b1g, g1, be1, W2l, b2l, W2g, b2g, g2, be2):
    src = edge_index[0]
    dst = edge_index[1]
    h = _point_conv_block(x, pos, src, dst, W1l, b1l, W1g, b1g, g1, be1)
    h = _point_conv_block(h, pos, src, dst, W2l, b2l, W2g, b2g, g2, be2)
    return h

if __name__ == "__main__":
    import jax
    _d = setup_inputs()
    print(jax.jit(kernel)(*tuple(_d.values())))

</pallas_src>

<mosaic_0001>
module attributes {stable_mosaic.version = 14 : i64} {
  func.func @_prep_kernel(%arg0: i32, %arg1: memref<1000x128xf32, #tpu.memory_space<vmem>>, %arg2: memref<1000x2xf32, #tpu.memory_space<vmem>>, %arg3: memref<128x80xbf16, #tpu.memory_space<vmem>>, %arg4: memref<2x80xf32, #tpu.memory_space<vmem>>, %arg5: memref<2x16xf32, #tpu.memory_space<vmem>>, %arg6: memref<1000x80xf32, #tpu.memory_space<vmem>>, %arg7: memref<1000x80xf32, #tpu.memory_space<vmem>>, %arg8: memref<1000x16xf32, #tpu.memory_space<vmem>>) attributes {dimension_semantics = [#tpu.dimension_semantics<arbitrary>], iteration_bounds = array<i64: 100>, scalar_prefetch = 0 : i64, scratch_operands = 0 : i64, tpu.core_type = #tpu.core_type<tc>, window_params = [{transform_indices = @transform_0, window_bounds = array<i64: 1000, 128>}, {transform_indices = @transform_1, window_bounds = array<i64: 1000, 2>}, {pipeline_mode = #tpu.pipeline_mode<synchronous>, transform_indices = @transform_2, window_bounds = array<i64: 128, 80>}, {pipeline_mode = #tpu.pipeline_mode<synchronous>, transform_indices = @transform_3, window_bounds = array<i64: 2, 80>}, {pipeline_mode = #tpu.pipeline_mode<synchronous>, transform_indices = @transform_4, window_bounds = array<i64: 2, 16>}, {transform_indices = @transform_5, window_bounds = array<i64: 1000, 80>}, {transform_indices = @transform_6, window_bounds = array<i64: 1000, 80>}, {transform_indices = @transform_7, window_bounds = array<i64: 1000, 16>}]} {
    %get3A = arith.constant 0 : index
    %get3A_0 = arith.constant 0 : index
    %get3A_1 = vector.load %arg1[%get3A, %get3A_0] : memref<1000x128xf32, #tpu.memory_space<vmem>>, vector<1000x128xf32>
    %convert_element_type3A = arith.truncf %get3A_1 : vector<1000x128xf32> to vector<1000x128xbf16>
    %get3A_2 = arith.constant 0 : index
    %get3A_3 = arith.constant 0 : index
    %get3A_4 = vector.load %arg2[%get3A_2, %get3A_3] : memref<1000x2xf32, #tpu.memory_space<vmem>>, vector<1000x1xf32>
    %get3A_5 = arith.constant 0 : index
    %get3A_6 = arith.constant 1 : index
    %get3A_7 = vector.load %arg2[%get3A_5, %get3A_6] : memref<1000x2xf32, #tpu.memory_space<vmem>>, vector<1000x1xf32>
    %get3A_8 = arith.constant 0 : index
    %get3A_9 = arith.constant 0 : index
    %get3A_10 = vector.load %arg4[%get3A_8, %get3A_9] : memref<2x80xf32, #tpu.memory_space<vmem>>, vector<1x80xf32>
    %mul3A = vector.broadcast %get3A_4 : vector<1000x1xf32> to vector<1000x80xf32>
    %mul3A_11 = vector.broadcast %get3A_10 : vector<1x80xf32> to vector<1000x80xf32>
    %mul3A_12 = arith.mulf %mul3A, %mul3A_11 : vector<1000x80xf32>
    %get3A_13 = arith.constant 1 : index
    %get3A_14 = arith.constant 0 : index
    %get3A_15 = vector.load %arg4[%get3A_13, %get3A_14] : memref<2x80xf32, #tpu.memory_space<vmem>>, vector<1x80xf32>
    %mul3A_16 = vector.broadcast %get3A_7 : vector<1000x1xf32> to vector<1000x80xf32>
    %mul3A_17 = vector.broadcast %get3A_15 : vector<1x80xf32> to vector<1000x80xf32>
    %mul3A_18 = arith.mulf %mul3A_16, %mul3A_17 : vector<1000x80xf32>
    %add3A = arith.addf %mul3A_12, %mul3A_18 : vector<1000x80xf32>
    %get3A_19 = arith.constant 0 : index
    %get3A_20 = arith.constant 0 : index
    %get3A_21 = vector.load %arg3[%get3A_19, %get3A_20] : memref<128x80xbf16, #tpu.memory_space<vmem>>, vector<128x80xbf16>
    %dot_general3A = arith.constant dense<0.000000e+00> : vector<1000x80xf32>
    %dot_general3A_22 = tpu.matmul %convert_element_type3A, %get3A_21, %dot_general3A {dimension_numbers = #tpu.dot_dimension_numbers<[1], [0], [0], [1], [0, 0, 1, 1], [], []>, transpose_lhs_hint = false} : vector<1000x128xbf16>, vector<128x80xbf16>, vector<1000x80xf32> -> vector<1000x80xf32>
    %add3A_23 = arith.addf %dot_general3A_22, %add3A : vector<1000x80xf32>
    %swap3A = arith.constant 0 : index
    %swap3A_24 = arith.constant 0 : index
    %swap3A_25 = vector.load %arg6[%swap3A, %swap3A_24] : memref<1000x80xf32, #tpu.memory_space<vmem>>, vector<1000x80xf32>
    tpu.vector_store %arg6[%swap3A, %swap3A_24], %add3A_23 {strides = array<i32>} : memref<1000x80xf32, #tpu.memory_space<vmem>>, vector<1000x80xf32>,
    %swap3A_26 = arith.constant 0 : index
    %swap3A_27 = arith.constant 0 : index
    %swap3A_28 = vector.load %arg7[%swap3A_26, %swap3A_27] : memref<1000x80xf32, #tpu.memory_space<vmem>>, vector<1000x80xf32>
    tpu.vector_store %arg7[%swap3A_26, %swap3A_27], %add3A {strides = array<i32>} : memref<1000x80xf32, #tpu.memory_space<vmem>>, vector<1000x80xf32>,
    %get3A_29 = arith.constant 0 : index
    %get3A_30 = arith.constant 0 : index
    %get3A_31 = vector.load %arg5[%get3A_29, %get3A_30] : memref<2x16xf32, #tpu.memory_space<vmem>>, vector<1x16xf32>
    %mul3A_32 = vector.broadcast %get3A_4 : vector<1000x1xf32> to vector<1000x16xf32>
    %mul3A_33 = vector.broadcast %get3A_31 : vector<1x16xf32> to vector<1000x16xf32>
    %mul3A_34 = arith.mulf %mul3A_32, %mul3A_33 : vector<1000x16xf32>
    %get3A_35 = arith.constant 1 : index
    %get3A_36 = arith.constant 0 : index
    %get3A_37 = vector.load %arg5[%get3A_35, %get3A_36] : memref<2x16xf32, #tpu.memory_space<vmem>>, vector<1x16xf32>
    %mul3A_38 = vector.broadcast %get3A_7 : vector<1000x1xf32> to vector<1000x16xf32>
    %mul3A_39 = vector.broadcast %get3A_37 : vector<1x16xf32> to vector<1000x16xf32>
    %mul3A_40 = arith.mulf %mul3A_38, %mul3A_39 : vector<1000x16xf32>
    %add3A_41 = arith.addf %mul3A_34, %mul3A_40 : vector<1000x16xf32>
    %swap3A_42 = arith.constant 0 : index
    %swap3A_43 = arith.constant 0 : index
    %swap3A_44 = vector.load %arg8[%swap3A_42, %swap3A_43] : memref<1000x16xf32, #tpu.memory_space<vmem>>, vector<1000x16xf32>
    tpu.vector_store %arg8[%swap3A_42, %swap3A_43], %add3A_41 {strides = array<i32>} : memref<1000x16xf32, #tpu.memory_space<vmem>>, vector<1000x16xf32>,
    return
  }
  func.func @transform_0(%arg0: i32) -> (i32, i32) {
    %c0_i32 = arith.constant 0 : i32
    %c0_i32_0 = arith.constant 0 : i32
    return %arg0, %c0_i32 : i32, i32
  }
  func.func @transform_1(%arg0: i32) -> (i32, i32) {
    %c0_i32 = arith.constant 0 : i32
    %c0_i32_0 = arith.constant 0 : i32
    return %arg0, %c0_i32 : i32, i32
  }
  func.func @transform_2(%arg0: i32) -> (i32, i32) {
    %c0_i32 = arith.constant 0 : i32
    %c0_i32_0 = arith.constant 0 : i32
    %c0_i32_1 = arith.constant 0 : i32
    return %c0_i32, %c0_i32_0 : i32, i32
  }
  func.func @transform_3(%arg0: i32) -> (i32, i32) {
    %c0_i32 = arith.constant 0 : i32
    %c0_i32_0 = arith.constant 0 : i32
    %c0_i32_1 = arith.constant 0 : i32
    return %c0_i32, %c0_i32_0 : i32, i32
  }
  func.func @transform_4(%arg0: i32) -> (i32, i32) {
    %c0_i32 = arith.constant 0 : i32
    %c0_i32_0 = arith.constant 0 : i32
    %c0_i32_1 = arith.constant 0 : i32
    return %c0_i32, %c0_i32_0 : i32, i32
  }
  func.func @transform_5(%arg0: i32) -> (i32, i32) {
    %c0_i32 = arith.constant 0 : i32
    %c0_i32_0 = arith.constant 0 : i32
    return %arg0, %c0_i32 : i32, i32
  }
  func.func @transform_6(%arg0: i32) -> (i32, i32) {
    %c0_i32 = arith.constant 0 : i32
    %c0_i32_0 = arith.constant 0 : i32
    return %arg0, %c0_i32 : i32, i32
  }
  func.func @transform_7(%arg0: i32) -> (i32, i32) {
    %c0_i32 = arith.constant 0 : i32
    %c0_i32_0 = arith.constant 0 : i32
    return %arg0, %c0_i32 : i32, i32
  }
}

module attributes {stable_mosaic.version = 14 : i64} {
  func.func @_post1_kernel(%arg0: i32, %arg1: memref<1000x80xf32, #tpu.memory_space<vmem>>, %arg2: memref<1000x80xf32, #tpu.memory_space<vmem>>, %arg3: memref<1x80xf32, #tpu.memory_space<vmem>>, %arg4: memref<80x80xbf16, #tpu.memory_space<vmem>>, %arg5: memref<1x80xf32, #tpu.memory_space<vmem>>, %arg6: memref<1000x80xf32, #tpu.memory_space<vmem>>, %arg7: memref<8x80xf32, #tpu.memory_space<vmem>>) attributes {dimension_semantics = [#tpu.dimension_semantics<arbitrary>], iteration_bounds = array<i64: 100>, scalar_prefetch = 0 : i64, scratch_operands = 0 : i64, tpu.core_type = #tpu.core_type<tc>, window_params = [{transform_indices = @transform_0, window_bounds = array<i64: 1000, 80>}, {transform_indices = @transform_1, window_bounds = array<i64: 1000, 80>}, {pipeline_mode = #tpu.pipeline_mode<synchronous>, transform_indices = @transform_2, window_bounds = array<i64: 1, 80>}, {pipeline_mode = #tpu.pipeline_mode<synchronous>, transform_indices = @transform_3, window_bounds = array<i64: 80, 80>}, {pipeline_mode = #tpu.pipeline_mode<synchronous>, transform_indices = @transform_4, window_bounds = array<i64: 1, 80>}, {transform_indices = @transform_5, window_bounds = array<i64: 1000, 80>}, {pipeline_mode = #tpu.pipeline_mode<synchronous>, transform_indices = @transform_6, window_bounds = array<i64: 8, 80>}]} {
    %get3A = arith.constant 0 : index
    %get3A_0 = arith.constant 0 : index
    %get3A_1 = vector.load %arg1[%get3A, %get3A_0] : memref<1000x80xf32, #tpu.memory_space<vmem>>, vector<1000x80xf32>
    %get3A_2 = arith.constant 0 : index
    %get3A_3 = arith.constant 0 : index
    %get3A_4 = vector.load %arg2[%get3A_2, %get3A_3] : memref<1000x80xf32, #tpu.memory_space<vmem>>, vector<1000x80xf32>
    %sub3A = arith.subf %get3A_1, %get3A_4 : vector<1000x80xf32>
    %get3A_5 = arith.constant 0 : index
    %get3A_6 = arith.constant 0 : index
    %get3A_7 = vector.load %arg3[%get3A_5, %get3A_6] : memref<1x80xf32, #tpu.memory_space<vmem>>, vector<1x80xf32>
    %add3A = vector.broadcast %get3A_7 : vector<1x80xf32> to vector<1000x80xf32>
    %add3A_8 = arith.addf %sub3A, %add3A : vector<1000x80xf32>
    %max3A = arith.constant 0.000000e+00 : f32
    %max3A_9 = vector.broadcast %max3A : f32 to vector<1000x80xf32>
    %max3A_10 = arith.maximumf %add3A_8, %max3A_9 : vector<1000x80xf32>
    %convert_element_type3A = arith.truncf %max3A_10 : vector<1000x80xf32> to vector<1000x80xbf16>
    %get3A_11 = arith.constant 0 : index
    %get3A_12 = arith.constant 0 : index
    %get3A_13 = vector.load %arg4[%get3A_11, %get3A_12] : memref<80x80xbf16, #tpu.memory_space<vmem>>, vector<80x80xbf16>
    %dot_general3A = arith.constant dense<0.000000e+00> : vector<1000x80xf32>
    %dot_general3A_14 = tpu.matmul %convert_element_type3A, %get3A_13, %dot_general3A {dimension_numbers = #tpu.dot_dimension_numbers<[1], [0], [0], [1], [0, 0, 1, 1], [], []>, transpose_lhs_hint = false} : vector<1000x80xbf16>, vector<80x80xbf16>, vector<1000x80xf32> -> vector<1000x80xf32>
    %get3A_15 = arith.constant 0 : index
    %get3A_16 = arith.constant 0 : index
    %get3A_17 = vector.load %arg5[%get3A_15, %get3A_16] : memref<1x80xf32, #tpu.memory_space<vmem>>, vector<1x80xf32>
    %add3A_18 = vector.broadcast %get3A_17 : vector<1x80xf32> to vector<1000x80xf32>
    %add3A_19 = arith.addf %dot_general3A_14, %add3A_18 : vector<1000x80xf32>
    %max3A_20 = arith.constant 0.000000e+00 : f32
    %max3A_21 = vector.broadcast %max3A_20 : f32 to vector<1000x80xf32>
    %max3A_22 = arith.maximumf %add3A_19, %max3A_21 : vector<1000x80xf32>
    %swap3A = arith.constant 0 : index
    %swap3A_23 = arith.constant 0 : index
    %swap3A_24 = vector.load %arg6[%swap3A, %swap3A_23] : memref<1000x80xf32, #tpu.memory_space<vmem>>, vector<1000x80xf32>
    tpu.vector_store %arg6[%swap3A, %swap3A_23], %max3A_22 {strides = array<i32>} : memref<1000x80xf32, #tpu.memory_space<vmem>>, vector<1000x80xf32>,
    %eq3A = arith.constant 0 : i32
    %eq3A_25 = arith.cmpi eq, %arg0, %eq3A : i32
    %convert_element_type3A_26 = arith.extui %eq3A_25 : i1 to i32
    %cond3A = arith.constant 0 : i32
    %cond3A_27 = arith.cmpi ne, %convert_element_type3A_26, %cond3A : i32
    scf.if %cond3A_27 {
      %broadcast_in_dim3A_36 = arith.constant 0.000000e+00 : f32
      %broadcast_in_dim3A_37 = vector.broadcast %broadcast_in_dim3A_36 : f32 to vector<8x80xf32>
      %swap3A_38 = arith.constant 0 : index
      %swap3A_39 = arith.constant 0 : index
      %swap3A_40 = vector.load %arg7[%swap3A_38, %swap3A_39] : memref<8x80xf32, #tpu.memory_space<vmem>>, vector<8x80xf32>
      tpu.vector_store %arg7[%swap3A_38, %swap3A_39], %broadcast_in_dim3A_37 {strides = array<i32>} : memref<8x80xf32, #tpu.memory_space<vmem>>, vector<8x80xf32>,
    } else {
    }
    %get3A_28 = arith.constant 0 : index
    %get3A_29 = arith.constant 0 : index
    %get3A_30 = vector.load %arg7[%get3A_28, %get3A_29] : memref<8x80xf32, #tpu.memory_space<vmem>>, vector<1x80xf32>
    %reduce_sum3A = arith.constant dense<0.000000e+00> : vector<80xf32>
    %reduce_sum3A_31 = vector.multi_reduction <add>, %max3A_22, %reduce_sum3A [0] : vector<1000x80xf32> to vector<80xf32>
    %broadcast_in_dim3A = vector.shape_cast %reduce_sum3A_31 : vector<80xf32> to vector<1x80xf32>
    %add3A_32 = arith.addf %get3A_30, %broadcast_in_dim3A : vector<1x80xf32>
    %swap3A_33 = arith.constant 0 : index
    %swap3A_34 = arith.constant 0 : index
    %swap3A_35 = vector.load %arg7[%swap3A_33, %swap3A_34] : memref<8x80xf32, #tpu.memory_space<vmem>>, vector<1x80xf32>
    tpu.vector_store %arg7[%swap3A_33, %swap3A_34], %add3A_32 {strides = array<i32>} : memref<8x80xf32, #tpu.memory_space<vmem>>, vector<1x80xf32>,
    return
  }
  func.func @transform_0(%arg0: i32) -> (i32, i32) {
    %c0_i32 = arith.constant 0 : i32
    %c0_i32_0 = arith.constant 0 : i32
    return %arg0, %c0_i32 : i32, i32
  }
  func.func @transform_1(%arg0: i32) -> (i32, i32) {
    %c0_i32 = arith.constant 0 : i32
    %c0_i32_0 = arith.constant 0 : i32
    return %arg0, %c0_i32 : i32, i32
  }
  func.func @transform_2(%arg0: i32) -> (i32, i32) {
    %c0_i32 = arith.constant 0 : i32
    %c0_i32_0 = arith.constant 0 : i32
    %c0_i32_1 = arith.constant 0 : i32
    return %c0_i32, %c0_i32_0 : i32, i32
  }
  func.func @transform_3(%arg0: i32) -> (i32, i32) {
    %c0_i32 = arith.constant 0 : i32
    %c0_i32_0 = arith.constant 0 : i32
    %c0_i32_1 = arith.constant 0 : i32
    return %c0_i32, %c0_i32_0 : i32, i32
  }
  func.func @transform_4(%arg0: i32) -> (i32, i32) {
    %c0_i32 = arith.constant 0 : i32
    %c0_i32_0 = arith.constant 0 : i32
    %c0_i32_1 = arith.constant 0 : i32
    return %c0_i32, %c0_i32_0 : i32, i32
  }
  func.func @transform_5(%arg0: i32) -> (i32, i32) {
    %c0_i32 = arith.constant 0 : i32
    %c0_i32_0 = arith.constant 0 : i32
    return %arg0, %c0_i32 : i32, i32
  }
  func.func @transform_6(%arg0: i32) -> (i32, i32) {
    %c0_i32 = arith.constant 0 : i32
    %c0_i32_0 = arith.constant 0 : i32
    %c0_i32_1 = arith.constant 0 : i32
    return %c0_i32, %c0_i32_0 : i32, i32
  }
}

module attributes {stable_mosaic.version = 14 : i64} {
  func.func @_csq_kernel(%arg0: i32, %arg1: memref<1000x80xf32, #tpu.memory_space<vmem>>, %arg2: memref<8x80xf32, #tpu.memory_space<vmem>>, %arg3: memref<8x80xf32, #tpu.memory_space<vmem>>) attributes {dimension_semantics = [#tpu.dimension_semantics<arbitrary>], iteration_bounds = array<i64: 100>, scalar_prefetch = 0 : i64, scratch_operands = 0 : i64, tpu.core_type = #tpu.core_type<tc>, window_params = [{transform_indices = @transform_0, window_bounds = array<i64: 1000, 80>}, {pipeline_mode = #tpu.pipeline_mode<synchronous>, transform_indices = @transform_1, window_bounds = array<i64: 8, 80>}, {pipeline_mode = #tpu.pipeline_mode<synchronous>, transform_indices = @transform_2, window_bounds = array<i64: 8, 80>}]} {
    %get3A = arith.constant 0 : index
    %get3A_0 = arith.constant 0 : index
    %get3A_1 = vector.load %arg2[%get3A, %get3A_0] : memref<8x80xf32, #tpu.memory_space<vmem>>, vector<1x80xf32>
    %div3A = arith.constant 1.000000e+05 : f32
    %div3A_2 = vector.broadcast %div3A : f32 to vector<1x80xf32>
    %div3A_3 = arith.divf %get3A_1, %div3A_2 : vector<1x80xf32>
    %get3A_4 = arith.constant 0 : index
    %get3A_5 = arith.constant 0 : index
    %get3A_6 = vector.load %arg1[%get3A_4, %get3A_5] : memref<1000x80xf32, #tpu.memory_space<vmem>>, vector<1000x80xf32>
    %sub3A = vector.broadcast %div3A_3 : vector<1x80xf32> to vector<1000x80xf32>
    %sub3A_7 = arith.subf %get3A_6, %sub3A : vector<1000x80xf32>
    %eq3A = arith.constant 0 : i32
    %eq3A_8 = arith.cmpi eq, %arg0, %eq3A : i32
    %convert_element_type3A = arith.extui %eq3A_8 : i1 to i32
    %cond3A = arith.constant 0 : i32
    %cond3A_9 = arith.cmpi ne, %convert_element_type3A, %cond3A : i32
    scf.if %cond3A_9 {
      %broadcast_in_dim3A_16 = arith.constant 0.000000e+00 : f32
      %broadcast_in_dim3A_17 = vector.broadcast %broadcast_in_dim3A_16 : f32 to vector<8x80xf32>
      %swap3A_18 = arith.constant 0 : index
      %swap3A_19 = arith.constant 0 : index
      %swap3A_20 = vector.load %arg3[%swap3A_18, %swap3A_19] : memref<8x80xf32, #tpu.memory_space<vmem>>, vector<8x80xf32>
      tpu.vector_store %arg3[%swap3A_18, %swap3A_19], %broadcast_in_dim3A_17 {strides = array<i32>} : memref<8x80xf32, #tpu.memory_space<vmem>>, vector<8x80xf32>,
    } else {
    }
    %get3A_10 = arith.constant 0 : index
    %get3A_11 = arith.constant 0 : index
    %get3A_12 = vector.load %arg3[%get3A_10, %get3A_11] : memref<8x80xf32, #tpu.memory_space<vmem>>, vector<1x80xf32>
    %mul3A = arith.mulf %sub3A_7, %sub3A_7 : vector<1000x80xf32>
    %reduce_sum3A = arith.constant dense<0.000000e+00> : vector<80xf32>
    %reduce_sum3A_13 = vector.multi_reduction <add>, %mul3A, %reduce_sum3A [0] : vector<1000x80xf32> to vector<80xf32>
    %broadcast_in_dim3A = vector.shape_cast %reduce_sum3A_13 : vector<80xf32> to vector<1x80xf32>
    %add3A = arith.addf %get3A_12, %broadcast_in_dim3A : vector<1x80xf32>
    %swap3A = arith.constant 0 : index
    %swap3A_14 = arith.constant 0 : index
    %swap3A_15 = vector.load %arg3[%swap3A, %swap3A_14] : memref<8x80xf32, #tpu.memory_space<vmem>>, vector<1x80xf32>
    tpu.vector_store %arg3[%swap3A, %swap3A_14], %add3A {strides = array<i32>} : memref<8x80xf32, #tpu.memory_space<vmem>>, vector<1x80xf32>,
    return
  }
  func.func @transform_0(%arg0: i32) -> (i32, i32) {
    %c0_i32 = arith.constant 0 : i32
    %c0_i32_0 = arith.constant 0 : i32
    return %arg0, %c0_i32 : i32, i32
  }
  func.func @transform_1(%arg0: i32) -> (i32, i32) {
    %c0_i32 = arith.constant 0 : i32
    %c0_i32_0 = arith.constant 0 : i32
    %c0_i32_1 = arith.constant 0 : i32
    return %c0_i32, %c0_i32_0 : i32, i32
  }
  func.func @transform_2(%arg0: i32) -> (i32, i32) {
    %c0_i32 = arith.constant 0 : i32
    %c0_i32_0 = arith.constant 0 : i32
    %c0_i32_1 = arith.constant 0 : i32
    return %c0_i32, %c0_i32_0 : i32, i32
  }
}

module attributes {stable_mosaic.version = 14 : i64} {
  func.func @_post2_kernel(%arg0: i32, %arg1: memref<1000x80xf32, #tpu.memory_space<vmem>>, %arg2: memref<8x80xf32, #tpu.memory_space<vmem>>, %arg3: memref<8x80xf32, #tpu.memory_space<vmem>>, %arg4: memref<1x80xf32, #tpu.memory_space<vmem>>, %arg5: memref<1x80xf32, #tpu.memory_space<vmem>>, %arg6: memref<80x16xbf16, #tpu.memory_space<vmem>>, %arg7: memref<1x16xf32, #tpu.memory_space<vmem>>, %arg8: memref<1000x16xf32, #tpu.memory_space<vmem>>, %arg9: memref<1000x16xf32, #tpu.memory_space<vmem>>) attributes {dimension_semantics = [#tpu.dimension_semantics<arbitrary>], iteration_bounds = array<i64: 100>, scalar_prefetch = 0 : i64, scratch_operands = 0 : i64, tpu.core_type = #tpu.core_type<tc>, window_params = [{transform_indices = @transform_0, window_bounds = array<i64: 1000, 80>}, {pipeline_mode = #tpu.pipeline_mode<synchronous>, transform_indices = @transform_1, window_bounds = array<i64: 8, 80>}, {pipeline_mode = #tpu.pipeline_mode<synchronous>, transform_indices = @transform_2, window_bounds = array<i64: 8, 80>}, {pipeline_mode = #tpu.pipeline_mode<synchronous>, transform_indices = @transform_3, window_bounds = array<i64: 1, 80>}, {pipeline_mode = #tpu.pipeline_mode<synchronous>, transform_indices = @transform_4, window_bounds = array<i64: 1, 80>}, {pipeline_mode = #tpu.pipeline_mode<synchronous>, transform_indices = @transform_5, window_bounds = array<i64: 80, 16>}, {pipeline_mode = #tpu.pipeline_mode<synchronous>, transform_indices = @transform_6, window_bounds = array<i64: 1, 16>}, {transform_indices = @transform_7, window_bounds = array<i64: 1000, 16>}, {transform_indices = @transform_8, window_bounds = array<i64: 1000, 16>}]} {
    %get3A = arith.constant 0 : index
    %get3A_0 = arith.constant 0 : index
    %get3A_1 = vector.load %arg2[%get3A, %get3A_0] : memref<8x80xf32, #tpu.memory_space<vmem>>, vector<1x80xf32>
    %div3A = arith.constant 1.000000e+05 : f32
    %div3A_2 = vector.broadcast %div3A : f32 to vector<1x80xf32>
    %div3A_3 = arith.divf %get3A_1, %div3A_2 : vector<1x80xf32>
    %get3A_4 = arith.constant 0 : index
    %get3A_5 = arith.constant 0 : index
    %get3A_6 = vector.load %arg3[%get3A_4, %get3A_5] : memref<8x80xf32, #tpu.memory_space<vmem>>, vector<1x80xf32>
    %div3A_7 = arith.constant 1.000000e+05 : f32
    %div3A_8 = vector.broadcast %div3A_7 : f32 to vector<1x80xf32>
    %div3A_9 = arith.divf %get3A_6, %div3A_8 : vector<1x80xf32>
    %get3A_10 = arith.constant 0 : index
    %get3A_11 = arith.constant 0 : index
    %get3A_12 = vector.load %arg1[%get3A_10, %get3A_11] : memref<1000x80xf32, #tpu.memory_space<vmem>>, vector<1000x80xf32>
    %sub3A = vector.broadcast %div3A_3 : vector<1x80xf32> to vector<1000x80xf32>
    %sub3A_13 = arith.subf %get3A_12, %sub3A : vector<1000x80xf32>
    %add3A = arith.constant 9.99999974E-6 : f32
    %add3A_14 = vector.broadcast %add3A : f32 to vector<1x80xf32>
    %add3A_15 = arith.addf %div3A_9, %add3A_14 : vector<1x80xf32>
    %sqrt3A = math.sqrt %add3A_15 : vector<1x80xf32>
    %div3A_16 = vector.broadcast %sqrt3A : vector<1x80xf32> to vector<1000x80xf32>
    %div3A_17 = arith.divf %sub3A_13, %div3A_16 : vector<1000x80xf32>
    %get3A_18 = arith.constant 0 : index
    %get3A_19 = arith.constant 0 : index
    %get3A_20 = vector.load %arg4[%get3A_18, %get3A_19] : memref<1x80xf32, #tpu.memory_space<vmem>>, vector<1x80xf32>
    %mul3A = vector.broadcast %get3A_20 : vector<1x80xf32> to vector<1000x80xf32>
    %mul3A_21 = arith.mulf %div3A_17, %mul3A : vector<1000x80xf32>
    %get3A_22 = arith.constant 0 : index
    %get3A_23 = arith.constant 0 : index
    %get3A_24 = vector.load %arg5[%get3A_22, %get3A_23] : memref<1x80xf32, #tpu.memory_space<vmem>>, vector<1x80xf32>
    %add3A_25 = vector.broadcast %get3A_24 : vector<1x80xf32> to vector<1000x80xf32>
    %add3A_26 = arith.addf %mul3A_21, %add3A_25 : vector<1000x80xf32>
    %max3A = arith.constant 0.000000e+00 : f32
    %max3A_27 = vector.broadcast %max3A : f32 to vector<1000x80xf32>
    %max3A_28 = arith.maximumf %add3A_26, %max3A_27 : vector<1000x80xf32>
    %convert_element_type3A = arith.truncf %max3A_28 : vector<1000x80xf32> to vector<1000x80xbf16>
    %get3A_29 = arith.constant 0 : index
    %get3A_30 = arith.constant 0 : index
    %get3A_31 = vector.load %arg6[%get3A_29, %get3A_30] : memref<80x16xbf16, #tpu.memory_space<vmem>>, vector<80x16xbf16>
    %dot_general3A = arith.constant dense<0.000000e+00> : vector<1000x16xf32>
    %dot_general3A_32 = tpu.matmul %convert_element_type3A, %get3A_31, %dot_general3A {dimension_numbers = #tpu.dot_dimension_numbers<[1], [0], [0], [1], [0, 0, 1, 1], [], []>, transpose_lhs_hint = false} : vector<1000x80xbf16>, vector<80x16xbf16>, vector<1000x16xf32> -> vector<1000x16xf32>
    %get3A_33 = arith.constant 0 : index
    %get3A_34 = arith.constant 0 : index
    %get3A_35 = vector.load %arg8[%get3A_33, %get3A_34] : memref<1000x16xf32, #tpu.memory_space<vmem>>, vector<1000x16xf32>
    %add3A_36 = arith.addf %dot_general3A_32, %get3A_35 : vector<1000x16xf32>
    %swap3A = arith.constant 0 : index
    %swap3A_37 = arith.constant 0 : index
    %swap3A_38 = vector.load %arg9[%swap3A, %swap3A_37] : memref<1000x16xf32, #tpu.memory_space<vmem>>, vector<1000x16xf32>
    tpu.vector_store %arg9[%swap3A, %swap3A_37], %add3A_36 {strides = array<i32>} : memref<1000x16xf32, #tpu.memory_space<vmem>>, vector<1000x16xf32>,
    return
  }
  func.func @transform_0(%arg0: i32) -> (i32, i32) {
    %c0_i32 = arith.constant 0 : i32
    %c0_i32_0 = arith.constant 0 : i32
    return %arg0, %c0_i32 : i32, i32
  }
  func.func @transform_1(%arg0: i32) -> (i32, i32) {
    %c0_i32 = arith.constant 0 : i32
    %c0_i32_0 = arith.constant 0 : i32
    %c0_i32_1 = arith.constant 0 : i32
    return %c0_i32, %c0_i32_0 : i32, i32
  }
  func.func @transform_2(%arg0: i32) -> (i32, i32) {
    %c0_i32 = arith.constant 0 : i32
    %c0_i32_0 = arith.constant 0 : i32
    %c0_i32_1 = arith.constant 0 : i32
    return %c0_i32, %c0_i32_0 : i32, i32
  }
  func.func @transform_3(%arg0: i32) -> (i32, i32) {
    %c0_i32 = arith.constant 0 : i32
    %c0_i32_0 = arith.constant 0 : i32
    %c0_i32_1 = arith.constant 0 : i32
    return %c0_i32, %c0_i32_0 : i32, i32
  }
  func.func @transform_4(%arg0: i32) -> (i32, i32) {
    %c0_i32 = arith.constant 0 : i32
    %c0_i32_0 = arith.constant 0 : i32
    %c0_i32_1 = arith.constant 0 : i32
    return %c0_i32, %c0_i32_0 : i32, i32
  }
  func.func @transform_5(%arg0: i32) -> (i32, i32) {
    %c0_i32 = arith.constant 0 : i32
    %c0_i32_0 = arith.constant 0 : i32
    %c0_i32_1 = arith.constant 0 : i32
    return %c0_i32, %c0_i32_0 : i32, i32
  }
  func.func @transform_6(%arg0: i32) -> (i32, i32) {
    %c0_i32 = arith.constant 0 : i32
    %c0_i32_0 = arith.constant 0 : i32
    %c0_i32_1 = arith.constant 0 : i32
    return %c0_i32, %c0_i32_0 : i32, i32
  }
  func.func @transform_7(%arg0: i32) -> (i32, i32) {
    %c0_i32 = arith.constant 0 : i32
    %c0_i32_0 = arith.constant 0 : i32
    return %arg0, %c0_i32 : i32, i32
  }
  func.func @transform_8(%arg0: i32) -> (i32, i32) {
    %c0_i32 = arith.constant 0 : i32
    %c0_i32_0 = arith.constant 0 : i32
    return %arg0, %c0_i32 : i32, i32
  }
}

module attributes {stable_mosaic.version = 14 : i64} {
  func.func @_post1_kernel(%arg0: i32, %arg1: memref<1000x16xf32, #tpu.memory_space<vmem>>, %arg2: memref<1000x16xf32, #tpu.memory_space<vmem>>, %arg3: memref<1x16xf32, #tpu.memory_space<vmem>>, %arg4: memref<16x16xbf16, #tpu.memory_space<vmem>>, %arg5: memref<1x16xf32, #tpu.memory_space<vmem>>, %arg6: memref<1000x16xf32, #tpu.memory_space<vmem>>, %arg7: memref<8x16xf32, #tpu.memory_space<vmem>>) attributes {dimension_semantics = [#tpu.dimension_semantics<arbitrary>], iteration_bounds = array<i64: 100>, scalar_prefetch = 0 : i64, scratch_operands = 0 : i64, tpu.core_type = #tpu.core_type<tc>, window_params = [{transform_indices = @transform_0, window_bounds = array<i64: 1000, 16>}, {transform_indices = @transform_1, window_bounds = array<i64: 1000, 16>}, {pipeline_mode = #tpu.pipeline_mode<synchronous>, transform_indices = @transform_2, window_bounds = array<i64: 1, 16>}, {pipeline_mode = #tpu.pipeline_mode<synchronous>, transform_indices = @transform_3, window_bounds = array<i64: 16, 16>}, {pipeline_mode = #tpu.pipeline_mode<synchronous>, transform_indices = @transform_4, window_bounds = array<i64: 1, 16>}, {transform_indices = @transform_5, window_bounds = array<i64: 1000, 16>}, {pipeline_mode = #tpu.pipeline_mode<synchronous>, transform_indices = @transform_6, window_bounds = array<i64: 8, 16>}]} {
    %get3A = arith.constant 0 : index
    %get3A_0 = arith.constant 0 : index
    %get3A_1 = vector.load %arg1[%get3A, %get3A_0] : memref<1000x16xf32, #tpu.memory_space<vmem>>, vector<1000x16xf32>
    %get3A_2 = arith.constant 0 : index
    %get3A_3 = arith.constant 0 : index
    %get3A_4 = vector.load %arg2[%get3A_2, %get3A_3] : memref<1000x16xf32, #tpu.memory_space<vmem>>, vector<1000x16xf32>
    %sub3A = arith.subf %get3A_1, %get3A_4 : vector<1000x16xf32>
    %get3A_5 = arith.constant 0 : index
    %get3A_6 = arith.constant 0 : index
    %get3A_7 = vector.load %arg3[%get3A_5, %get3A_6] : memref<1x16xf32, #tpu.memory_space<vmem>>, vector<1x16xf32>
    %add3A = vector.broadcast %get3A_7 : vector<1x16xf32> to vector<1000x16xf32>
    %add3A_8 = arith.addf %sub3A, %add3A : vector<1000x16xf32>
    %max3A = arith.constant 0.000000e+00 : f32
    %max3A_9 = vector.broadcast %max3A : f32 to vector<1000x16xf32>
    %max3A_10 = arith.maximumf %add3A_8, %max3A_9 : vector<1000x16xf32>
    %convert_element_type3A = arith.truncf %max3A_10 : vector<1000x16xf32> to vector<1000x16xbf16>
    %get3A_11 = arith.constant 0 : index
    %get3A_12 = arith.constant 0 : index
    %get3A_13 = vector.load %arg4[%get3A_11, %get3A_12] : memref<16x16xbf16, #tpu.memory_space<vmem>>, vector<16x16xbf16>
    %dot_general3A = arith.constant dense<0.000000e+00> : vector<1000x16xf32>
    %dot_general3A_14 = tpu.matmul %convert_element_type3A, %get3A_13, %dot_general3A {dimension_numbers = #tpu.dot_dimension_numbers<[1], [0], [0], [1], [0, 0, 1, 1], [], []>, transpose_lhs_hint = false} : vector<1000x16xbf16>, vector<16x16xbf16>, vector<1000x16xf32> -> vector<1000x16xf32>
    %get3A_15 = arith.constant 0 : index
    %get3A_16 = arith.constant 0 : index
    %get3A_17 = vector.load %arg5[%get3A_15, %get3A_16] : memref<1x16xf32, #tpu.memory_space<vmem>>, vector<1x16xf32>
    %add3A_18 = vector.broadcast %get3A_17 : vector<1x16xf32> to vector<1000x16xf32>
    %add3A_19 = arith.addf %dot_general3A_14, %add3A_18 : vector<1000x16xf32>
    %max3A_20 = arith.constant 0.000000e+00 : f32
    %max3A_21 = vector.broadcast %max3A_20 : f32 to vector<1000x16xf32>
    %max3A_22 = arith.maximumf %add3A_19, %max3A_21 : vector<1000x16xf32>
    %swap3A = arith.constant 0 : index
    %swap3A_23 = arith.constant 0 : index
    %swap3A_24 = vector.load %arg6[%swap3A, %swap3A_23] : memref<1000x16xf32, #tpu.memory_space<vmem>>, vector<1000x16xf32>
    tpu.vector_store %arg6[%swap3A, %swap3A_23], %max3A_22 {strides = array<i32>} : memref<1000x16xf32, #tpu.memory_space<vmem>>, vector<1000x16xf32>,
    %eq3A = arith.constant 0 : i32
    %eq3A_25 = arith.cmpi eq, %arg0, %eq3A : i32
    %convert_element_type3A_26 = arith.extui %eq3A_25 : i1 to i32
    %cond3A = arith.constant 0 : i32
    %cond3A_27 = arith.cmpi ne, %convert_element_type3A_26, %cond3A : i32
    scf.if %cond3A_27 {
      %broadcast_in_dim3A_36 = arith.constant 0.000000e+00 : f32
      %broadcast_in_dim3A_37 = vector.broadcast %broadcast_in_dim3A_36 : f32 to vector<8x16xf32>
      %swap3A_38 = arith.constant 0 : index
      %swap3A_39 = arith.constant 0 : index
      %swap3A_40 = vector.load %arg7[%swap3A_38, %swap3A_39] : memref<8x16xf32, #tpu.memory_space<vmem>>, vector<8x16xf32>
      tpu.vector_store %arg7[%swap3A_38, %swap3A_39], %broadcast_in_dim3A_37 {strides = array<i32>} : memref<8x16xf32, #tpu.memory_space<vmem>>, vector<8x16xf32>,
    } else {
    }
    %get3A_28 = arith.constant 0 : index
    %get3A_29 = arith.constant 0 : index
    %get3A_30 = vector.load %arg7[%get3A_28, %get3A_29] : memref<8x16xf32, #tpu.memory_space<vmem>>, vector<1x16xf32>
    %reduce_sum3A = arith.constant dense<0.000000e+00> : vector<16xf32>
    %reduce_sum3A_31 = vector.multi_reduction <add>, %max3A_22, %reduce_sum3A [0] : vector<1000x16xf32> to vector<16xf32>
    %broadcast_in_dim3A = vector.shape_cast %reduce_sum3A_31 : vector<16xf32> to vector<1x16xf32>
    %add3A_32 = arith.addf %get3A_30, %broadcast_in_dim3A : vector<1x16xf32>
    %swap3A_33 = arith.constant 0 : index
    %swap3A_34 = arith.constant 0 : index
    %swap3A_35 = vector.load %arg7[%swap3A_33, %swap3A_34] : memref<8x16xf32, #tpu.memory_space<vmem>>, vector<1x16xf32>
    tpu.vector_store %arg7[%swap3A_33, %swap3A_34], %add3A_32 {strides = array<i32>} : memref<8x16xf32, #tpu.memory_space<vmem>>, vector<1x16xf32>,
    return
  }
  func.func @transform_0(%arg0: i32) -> (i32, i32) {
    %c0_i32 = arith.constant 0 : i32
    %c0_i32_0 = arith.constant 0 : i32
    return %arg0, %c0_i32 : i32, i32
  }
  func.func @transform_1(%arg0: i32) -> (i32, i32) {
    %c0_i32 = arith.constant 0 : i32
    %c0_i32_0 = arith.constant 0 : i32
    return %arg0, %c0_i32 : i32, i32
  }
  func.func @transform_2(%arg0: i32) -> (i32, i32) {
    %c0_i32 = arith.constant 0 : i32
    %c0_i32_0 = arith.constant 0 : i32
    %c0_i32_1 = arith.constant 0 : i32
    return %c0_i32, %c0_i32_0 : i32, i32
  }
  func.func @transform_3(%arg0: i32) -> (i32, i32) {
    %c0_i32 = arith.constant 0 : i32
    %c0_i32_0 = arith.constant 0 : i32
    %c0_i32_1 = arith.constant 0 : i32
    return %c0_i32, %c0_i32_0 : i32, i32
  }
  func.func @transform_4(%arg0: i32) -> (i32, i32) {
    %c0_i32 = arith.constant 0 : i32
    %c0_i32_0 = arith.constant 0 : i32
    %c0_i32_1 = arith.constant 0 : i32
    return %c0_i32, %c0_i32_0 : i32, i32
  }
  func.func @transform_5(%arg0: i32) -> (i32, i32) {
    %c0_i32 = arith.constant 0 : i32
    %c0_i32_0 = arith.constant 0 : i32
    return %arg0, %c0_i32 : i32, i32
  }
  func.func @transform_6(%arg0: i32) -> (i32, i32) {
    %c0_i32 = arith.constant 0 : i32
    %c0_i32_0 = arith.constant 0 : i32
    %c0_i32_1 = arith.constant 0 : i32
    return %c0_i32, %c0_i32_0 : i32, i32
  }
}

module attributes {stable_mosaic.version = 14 : i64} {
  func.func @_final_kernel(%arg0: i32, %arg1: memref<1000x16xf32, #tpu.memory_space<vmem>>, %arg2: memref<8x16xf32, #tpu.memory_space<vmem>>, %arg3: memref<8x16xf32, #tpu.memory_space<vmem>>, %arg4: memref<1x16xf32, #tpu.memory_space<vmem>>, %arg5: memref<1x16xf32, #tpu.memory_space<vmem>>, %arg6: memref<1000x16xf32, #tpu.memory_space<vmem>>) attributes {dimension_semantics = [#tpu.dimension_semantics<arbitrary>], iteration_bounds = array<i64: 100>, scalar_prefetch = 0 : i64, scratch_operands = 0 : i64, tpu.core_type = #tpu.core_type<tc>, window_params = [{transform_indices = @transform_0, window_bounds = array<i64: 1000, 16>}, {pipeline_mode = #tpu.pipeline_mode<synchronous>, transform_indices = @transform_1, window_bounds = array<i64: 8, 16>}, {pipeline_mode = #tpu.pipeline_mode<synchronous>, transform_indices = @transform_2, window_bounds = array<i64: 8, 16>}, {pipeline_mode = #tpu.pipeline_mode<synchronous>, transform_indices = @transform_3, window_bounds = array<i64: 1, 16>}, {pipeline_mode = #tpu.pipeline_mode<synchronous>, transform_indices = @transform_4, window_bounds = array<i64: 1, 16>}, {transform_indices = @transform_5, window_bounds = array<i64: 1000, 16>}]} {
    %get3A = arith.constant 0 : index
    %get3A_0 = arith.constant 0 : index
    %get3A_1 = vector.load %arg2[%get3A, %get3A_0] : memref<8x16xf32, #tpu.memory_space<vmem>>, vector<1x16xf32>
    %div3A = arith.constant 1.000000e+05 : f32
    %div3A_2 = vector.broadcast %div3A : f32 to vector<1x16xf32>
    %div3A_3 = arith.divf %get3A_1, %div3A_2 : vector<1x16xf32>
    %get3A_4 = arith.constant 0 : index
    %get3A_5 = arith.constant 0 : index
    %get3A_6 = vector.load %arg3[%get3A_4, %get3A_5] : memref<8x16xf32, #tpu.memory_space<vmem>>, vector<1x16xf32>
    %div3A_7 = arith.constant 1.000000e+05 : f32
    %div3A_8 = vector.broadcast %div3A_7 : f32 to vector<1x16xf32>
    %div3A_9 = arith.divf %get3A_6, %div3A_8 : vector<1x16xf32>
    %get3A_10 = arith.constant 0 : index
    %get3A_11 = arith.constant 0 : index
    %get3A_12 = vector.load %arg1[%get3A_10, %get3A_11] : memref<1000x16xf32, #tpu.memory_space<vmem>>, vector<1000x16xf32>
    %sub3A = vector.broadcast %div3A_3 : vector<1x16xf32> to vector<1000x16xf32>
    %sub3A_13 = arith.subf %get3A_12, %sub3A : vector<1000x16xf32>
    %add3A = arith.constant 9.99999974E-6 : f32
    %add3A_14 = vector.broadcast %add3A : f32 to vector<1x16xf32>
    %add3A_15 = arith.addf %div3A_9, %add3A_14 : vector<1x16xf32>
    %sqrt3A = math.sqrt %add3A_15 : vector<1x16xf32>
    %div3A_16 = vector.broadcast %sqrt3A : vector<1x16xf32> to vector<1000x16xf32>
    %div3A_17 = arith.divf %sub3A_13, %div3A_16 : vector<1000x16xf32>
    %get3A_18 = arith.constant 0 : index
    %get3A_19 = arith.constant 0 : index
    %get3A_20 = vector.load %arg4[%get3A_18, %get3A_19] : memref<1x16xf32, #tpu.memory_space<vmem>>, vector<1x16xf32>
    %mul3A = vector.broadcast %get3A_20 : vector<1x16xf32> to vector<1000x16xf32>
    %mul3A_21 = arith.mulf %div3A_17, %mul3A : vector<1000x16xf32>
    %get3A_22 = arith.constant 0 : index
    %get3A_23 = arith.constant 0 : index
    %get3A_24 = vector.load %arg5[%get3A_22, %get3A_23] : memref<1x16xf32, #tpu.memory_space<vmem>>, vector<1x16xf32>
    %add3A_25 = vector.broadcast %get3A_24 : vector<1x16xf32> to vector<1000x16xf32>
    %add3A_26 = arith.addf %mul3A_21, %add3A_25 : vector<1000x16xf32>
    %max3A = arith.constant 0.000000e+00 : f32
    %max3A_27 = vector.broadcast %max3A : f32 to vector<1000x16xf32>
    %max3A_28 = arith.maximumf %add3A_26, %max3A_27 : vector<1000x16xf32>
    %swap3A = arith.constant 0 : index
    %swap3A_29 = arith.constant 0 : index
    %swap3A_30 = vector.load %arg6[%swap3A, %swap3A_29] : memref<1000x16xf32, #tpu.memory_space<vmem>>, vector<1000x16xf32>
    tpu.vector_store %arg6[%swap3A, %swap3A_29], %max3A_28 {strides = array<i32>} : memref<1000x16xf32, #tpu.memory_space<vmem>>, vector<1000x16xf32>,
    return
  }
  func.func @transform_0(%arg0: i32) -> (i32, i32) {
    %c0_i32 = arith.constant 0 : i32
    %c0_i32_0 = arith.constant 0 : i32
    return %arg0, %c0_i32 : i32, i32
  }
  func.func @transform_1(%arg0: i32) -> (i32, i32) {
    %c0_i32 = arith.constant 0 : i32
    %c0_i32_0 = arith.constant 0 : i32
    %c0_i32_1 = arith.constant 0 : i32
    return %c0_i32, %c0_i32_0 : i32, i32
  }
  func.func @transform_2(%arg0: i32) -> (i32, i32) {
    %c0_i32 = arith.constant 0 : i32
    %c0_i32_0 = arith.constant 0 : i32
    %c0_i32_1 = arith.constant 0 : i32
    return %c0_i32, %c0_i32_0 : i32, i32
  }
  func.func @transform_3(%arg0: i32) -> (i32, i32) {
    %c0_i32 = arith.constant 0 : i32
    %c0_i32_0 = arith.constant 0 : i32
    %c0_i32_1 = arith.constant 0 : i32
    return %c0_i32, %c0_i32_0 : i32, i32
  }
  func.func @transform_4(%arg0: i32) -> (i32, i32) {
    %c0_i32 = arith.constant 0 : i32
    %c0_i32_0 = arith.constant 0 : i32
    %c0_i32_1 = arith.constant 0 : i32
    return %c0_i32, %c0_i32_0 : i32, i32
  }
  func.func @transform_5(%arg0: i32) -> (i32, i32) {
    %c0_i32 = arith.constant 0 : i32
    %c0_i32_0 = arith.constant 0 : i32
    return %arg0, %c0_i32 : i32, i32
  }
}

module attributes {stable_mosaic.version = 14 : i64} {
  func.func @_csq_kernel(%arg0: i32, %arg1: memref<1000x16xf32, #tpu.memory_space<vmem>>, %arg2: memref<8x16xf32, #tpu.memory_space<vmem>>, %arg3: memref<8x16xf32, #tpu.memory_space<vmem>>) attributes {dimension_semantics = [#tpu.dimension_semantics<arbitrary>], iteration_bounds = array<i64: 100>, scalar_prefetch = 0 : i64, scratch_operands = 0 : i64, tpu.core_type = #tpu.core_type<tc>, window_params = [{transform_indices = @transform_0, window_bounds = array<i64: 1000, 16>}, {pipeline_mode = #tpu.pipeline_mode<synchronous>, transform_indices = @transform_1, window_bounds = array<i64: 8, 16>}, {pipeline_mode = #tpu.pipeline_mode<synchronous>, transform_indices = @transform_2, window_bounds = array<i64: 8, 16>}]} {
    %get3A = arith.constant 0 : index
    %get3A_0 = arith.constant 0 : index
    %get3A_1 = vector.load %arg2[%get3A, %get3A_0] : memref<8x16xf32, #tpu.memory_space<vmem>>, vector<1x16xf32>
    %div3A = arith.constant 1.000000e+05 : f32
    %div3A_2 = vector.broadcast %div3A : f32 to vector<1x16xf32>
    %div3A_3 = arith.divf %get3A_1, %div3A_2 : vector<1x16xf32>
    %get3A_4 = arith.constant 0 : index
    %get3A_5 = arith.constant 0 : index
    %get3A_6 = vector.load %arg1[%get3A_4, %get3A_5] : memref<1000x16xf32, #tpu.memory_space<vmem>>, vector<1000x16xf32>
    %sub3A = vector.broadcast %div3A_3 : vector<1x16xf32> to vector<1000x16xf32>
    %sub3A_7 = arith.subf %get3A_6, %sub3A : vector<1000x16xf32>
    %eq3A = arith.constant 0 : i32
    %eq3A_8 = arith.cmpi eq, %arg0, %eq3A : i32
    %convert_element_type3A = arith.extui %eq3A_8 : i1 to i32
    %cond3A = arith.constant 0 : i32
    %cond3A_9 = arith.cmpi ne, %convert_element_type3A, %cond3A : i32
    scf.if %cond3A_9 {
      %broadcast_in_dim3A_16 = arith.constant 0.000000e+00 : f32
      %broadcast_in_dim3A_17 = vector.broadcast %broadcast_in_dim3A_16 : f32 to vector<8x16xf32>
      %swap3A_18 = arith.constant 0 : index
      %swap3A_19 = arith.constant 0 : index
      %swap3A_20 = vector.load %arg3[%swap3A_18, %swap3A_19] : memref<8x16xf32, #tpu.memory_space<vmem>>, vector<8x16xf32>
      tpu.vector_store %arg3[%swap3A_18, %swap3A_19], %broadcast_in_dim3A_17 {strides = array<i32>} : memref<8x16xf32, #tpu.memory_space<vmem>>, vector<8x16xf32>,
    } else {
    }
    %get3A_10 = arith.constant 0 : index
    %get3A_11 = arith.constant 0 : index
    %get3A_12 = vector.load %arg3[%get3A_10, %get3A_11] : memref<8x16xf32, #tpu.memory_space<vmem>>, vector<1x16xf32>
    %mul3A = arith.mulf %sub3A_7, %sub3A_7 : vector<1000x16xf32>
    %reduce_sum3A = arith.constant dense<0.000000e+00> : vector<16xf32>
    %reduce_sum3A_13 = vector.multi_reduction <add>, %mul3A, %reduce_sum3A [0] : vector<1000x16xf32> to vector<16xf32>
    %broadcast_in_dim3A = vector.shape_cast %reduce_sum3A_13 : vector<16xf32> to vector<1x16xf32>
    %add3A = arith.addf %get3A_12, %broadcast_in_dim3A : vector<1x16xf32>
    %swap3A = arith.constant 0 : index
    %swap3A_14 = arith.constant 0 : index
    %swap3A_15 = vector.load %arg3[%swap3A, %swap3A_14] : memref<8x16xf32, #tpu.memory_space<vmem>>, vector<1x16xf32>
    tpu.vector_store %arg3[%swap3A, %swap3A_14], %add3A {strides = array<i32>} : memref<8x16xf32, #tpu.memory_space<vmem>>, vector<1x16xf32>,
    return
  }
  func.func @transform_0(%arg0: i32) -> (i32, i32) {
    %c0_i32 = arith.constant 0 : i32
    %c0_i32_0 = arith.constant 0 : i32
    return %arg0, %c0_i32 : i32, i32
  }
  func.func @transform_1(%arg0: i32) -> (i32, i32) {
    %c0_i32 = arith.constant 0 : i32
    %c0_i32_0 = arith.constant 0 : i32
    %c0_i32_1 = arith.constant 0 : i32
    return %c0_i32, %c0_i32_0 : i32, i32
  }
  func.func @transform_2(%arg0: i32) -> (i32, i32) {
    %c0_i32 = arith.constant 0 : i32
    %c0_i32_0 = arith.constant 0 : i32
    %c0_i32_1 = arith.constant 0 : i32
    return %c0_i32, %c0_i32_0 : i32, i32
  }
}

</mosaic_0001>

<sc_bundles>
// kernel: scatter_offload_async_start.1
scs
__scs_entry_jumppad:
0x0: {  	(pc) =	sbr.rel $0x88, $3  }
0x1: {  	(tag) =	ssettag $0x0;
	lr =	simm.s32 $0x1  }
0x2: {  	[smem:$0x3F92] =	sst lr;
	_ =	strace $0xD0000000  }
0x3: {  	_ = 	snop  }
0x4: {  	_ = 	snop  }
0x5: {  	_ = 	snop  }
0x6: {  	_ = 	snop  }
0x7: {  	_ = 	snop  }
__scs_overlays_trampoline_lowered:
0x8: {  	[smem:$0x3FA1] =	sst s0  }
0x9: {  	[smem:$0x3FA2] =	sst s1  }
0xa: {  	[smem:$0x3FA3] =	sst s2  }
0xb: {  	[smem:$0x3FA4] =	sst s3  }
0xc: {  	[smem:$0x3FA5] =	sst s4  }
0xd: {  	[smem:$0x3FA6] =	sst s5  }
0xe: {  	[smem:$0x3FA7] =	sst s6  }
0xf: {  	[smem:$0x3FA8] =	sst s7  }
0x10: {  	[smem:$0x3FA9] =	sst s8  }
0x11: {  	[smem:$0x3FAA] =	sst s9;
	s0 =	simm.s32 @!p0 $0x0  }
0x12: {  	s1 =	sld [smem:$0x3F90];
	s0 =	simm.s32 @p0 $0x1  }
0x13: {  	[smem:$0x3FAB] =	sst s0;
	s0 =	simm.s32 @!p1 $0x0  }
0x14: {  	s2 =	sld [smem:$0x3F8F];
	s0 =	simm.s32 @p1 $0x1  }
0x15: {  	[smem:$0x3FAC] =	sst s0;
	s0 =	simm.s32 @!p2 $0x0  }
0x16: {  	s3 =	sld [smem:$0x3FDB];
	s0 =	simm.s32 @p2 $0x1  }
0x17: {  	s4 =	simm.s32 $0x1BF5;
	[smem:$0x3FAE] =	sst s0  }
0x18: {  	s0 =	sld [smem:$0x3F91];
	_ =	swait.ge [sflag:s4], $0x0  }
0x19: {  	s7 =	sld [smem:$0x3F92]  }
0x1a: {  	s8 =	sadd.s32 $0xFFFFE003, lr  }
0x1b: {  	s9 =	sadd.s32 $0xFFFFFEF7, lr;
	s5 =	simm.s32 $0xFFFFFFFF;
	p2 =	slt.u32 s8, $0xFFFFF086  }
0x1c: {  	p1 =	slt.u32 s9, $0xF7A;
	s5 =	simm.s32 @!p2 $0x0  }
0x1d: {  	s5 =	simm.s32 @p1 $0x1;
	p0 =	seq.s32 s7, s2  }
0x1e: {  	s7 =	smul.u32 @!p0 $0xF7A, s2;
	p2 =	seq.s32 @!p0 s5, $0x0  }
0x1f: {  	s9 =	smul.u32 $0xF7A, s1;
	s8 =	simm.s32 @!p0 $0x1BF5;
	p2 =	por !p2, p0  }
0x20: {  	[sflag:s8] =	ssyncset.s32 @!p0 $0xFFFFF086;
	s6 =	sadd.s32 @!p0 s3, s7;
	s7 =	simm.s32 @!p0 $0x108  }
0x21: {  	s3 =	sadd.s32 s3, s9;
	s6 =	sadd.s32 @!p0 $0x88, s6;
	s7 =	simm.s32 @p2 $0x1082  }
0x22: {  	[simem:s7], [sflag:s8] =	dma.local @!p0 [hbm:s6], $0xF7A  }
0x23: {  	s9 =	sor.u32 $0xD0000000, s2;
	s6 =	simm.s32 $0x108;
	_ =	swait.ge @!p0 [sflag:s8], $0x0  }
0x24: {  	s3 =	sadd.s32 $0x88, s3;
	s6 =	simm.s32 @!p1 $0x1082;
	[sflag:s4] =	ssyncset.s32 $0xFFFFF086  }
0x25: {  	[simem:s6], [sflag:s4] =	dma.local [hbm:s3], $0xF7A  }
0x26: {  	[smem:$0x3F92] =	sst s1;
	(tag) =	ssettag s2;
	_ =	strace s9  }
0x27: {  	s1 =	sld [smem:$0x3FA2]  }
0x28: {  	s2 =	sld [smem:$0x3FA3]  }
0x29: {  	s4 =	sld [smem:$0x3FA5]  }
0x2a: {  	p0 =	seq.s32 s5, $0x0;
	s5 =	sld [smem:$0x3FA6]  }
0x2b: {  	s6 =	sld [smem:$0x3FA7]  }
0x2c: {  	s7 =	sld [smem:$0x3FA8]  }
0x2d: {  	s3 =	simm.s32 $0x108;
	s8 =	sld [smem:$0x3FA9]  }
0x2e: {  	s3 =	simm.s32 @!p0 $0x1082;
	s9 =	sld [smem:$0x3FAA]  }
0x2f: {  	lr =	sadd.s32 s0, s3;
	s0 =	sld [smem:$0x3FA1]  }
0x30: {  	s3 =	sld [smem:$0x3FA4]  }
0x31: {  	[smem:$0x3FAD] =	sst s10  }
0x32: {  	s10 =	sld [smem:$0x3FAB];
	_ =	sdelay $0x3  }
0x33: {  	p0 =	seq.s32 s10, $0x1;
	s10 =	sld [smem:$0x3FAD];
	_ =	sdelay $0x3  }
0x34: {  	[smem:$0x3FAD] =	sst s10  }
0x35: {  	s10 =	sld [smem:$0x3FAC];
	_ =	sdelay $0x3  }
0x36: {  	p1 =	seq.s32 s10, $0x1;
	s10 =	sld [smem:$0x3FAD];
	_ =	sdelay $0x3  }
0x37: {  	[smem:$0x3FAD] =	sst s10  }
0x38: {  	s10 =	sld [smem:$0x3FAE]  }
0x39: {  	_ = 	snop;
	(pc) =	sbr.ind lr, $3  }
0x3a: {  	_ = 	snop  }
0x3b: {  	_ = 	snop  }
0x3c: {  	p2 =	seq.s32 s10, $0x1;
	s10 =	sld [smem:$0x3FAD]  }
0x3d: {  	_ =	shalt  }
0x3e: {  	_ =	shalt  }
0x3f: {  	_ =	shalt  }
0x40: {  	_ =	shalt  }
0x41: {  	_ =	shalt  }
0x42: {  	_ =	shalt  }
0x43: {  	_ =	shalt  }
0x44: {  	_ =	shalt  }
0x45: {  	_ =	shalt  }
0x46: {  	_ =	shalt  }
0x47: {  	_ =	shalt  }
0x48: {  	_ =	shalt  }
0x49: {  	_ =	shalt  }
0x4a: {  	_ =	shalt  }
0x4b: {  	_ =	shalt  }
0x4c: {  	_ =	shalt  }
0x4d: {  	_ =	shalt  }
0x4e: {  	_ =	shalt  }
0x4f: {  	_ =	shalt  }
0x50: {  	_ =	shalt  }
0x51: {  	_ =	shalt  }
0x52: {  	_ =	shalt  }
0x53: {  	_ =	shalt  }
0x54: {  	_ =	shalt  }
0x55: {  	_ =	shalt  }
0x56: {  	_ =	shalt  }
0x57: {  	_ =	shalt  }
0x58: {  	_ =	shalt  }
0x59: {  	_ =	shalt  }
0x5a: {  	_ =	shalt  }
0x5b: {  	_ =	shalt  }
0x5c: {  	_ =	shalt  }
0x5d: {  	_ =	shalt  }
0x5e: {  	_ =	shalt  }
0x5f: {  	_ =	shalt  }
0x60: {  	_ =	shalt  }
0x61: {  	_ =	shalt  }
0x62: {  	_ =	shalt  }
0x63: {  	_ =	shalt  }
0x64: {  	_ =	shalt  }
0x65: {  	_ =	shalt  }
0x66: {  	_ =	shalt  }
0x67: {  	_ =	shalt  }
0x68: {  	_ =	shalt  }
0x69: {  	_ =	shalt  }
0x6a: {  	_ =	shalt  }
0x6b: {  	_ =	shalt  }
0x6c: {  	_ =	shalt  }
0x6d: {  	_ =	shalt  }
0x6e: {  	_ =	shalt  }
0x6f: {  	_ =	shalt  }
0x70: {  	_ =	shalt  }
0x71: {  	_ =	shalt  }
0x72: {  	_ =	shalt  }
0x73: {  	_ =	shalt  }
0x74: {  	_ =	shalt  }
0x75: {  	_ =	shalt  }
0x76: {  	_ =	shalt  }
0x77: {  	_ =	shalt  }
0x78: {  	_ =	shalt  }
0x79: {  	_ =	shalt  }
0x7a: {  	_ =	shalt  }
0x7b: {  	_ =	shalt  }
0x7c: {  	_ =	shalt  }
0x7d: {  	_ =	shalt  }
0x7e: {  	_ =	shalt  }
0x7f: {  	_ =	shalt  }
0x80: {  	_ =	shalt  }
0x81: {  	_ =	shalt  }
0x82: {  	_ =	shalt  }
0x83: {  	_ =	shalt  }
0x84: {  	_ =	shalt  }
0x85: {  	_ =	shalt  }
0x86: {  	_ =	shalt  }
0x87: {  	_ =	shalt  }
.Lfunc_end0:
.L_simem_size_0:
called_computation.1_lowered:
.L_overlay_start_0:
0x88: {  	s2 =	sld [smem:$0x3FD9]  }
0x89: {  	s3 =	sld [smem:$0x3FFE];
	_ =	sdelay $0x1  }
0x8a: {  	s1 =	srdreg.scid  }
0x8b: {  	s0 =	sand.u32 $0x1, s1  }
0x8c: {  	s16 =	sshll.u32 s0, $0xA;
	s2 =	sadd.s32 s3, s2  }
0x8d: {  	s2 =	sadd.s32 s2, s16  }
0x8e: {  	[smem:$0x3FB9] =	sst s2  }
0x8f: {  	_ = 	snop  }
0x90: {  	s2 =	sld [smem:$0x3FD0];
	(tm) =	ssettm $0x1  }
0x91: {  	s17 =	sld [smem:$0x3FFB];
	_ =	sdelay $0x3  }
0x92: {  	_ =	strace s17  }
0x93: {  	s3 =	sld [smem:$0x3FFC];
	_ =	sdelay $0x3  }
0x94: {  	_ =	strace s3  }
0x95: {  	s3 =	sld [smem:$0x3FFD];
	_ =	sdelay $0x3  }
0x96: {  	_ =	strace s3  }
0x97: {  	_ =	strace $0x8FFFFFFF  }
0x98: {  	s18 =	sld [smem:$0x3FDB];
	_ =	sdelay $0x1  }
0x99: {  	s4 =	simm.s32 $_scs_section_size  }
0x9a: {  	s5 =	simm.s32 $_size__tile_overlayer_lowered;
	s6 =	simm.s32 $_tile_overlayer_lowered  }
0x9b: {  	s21 =	simm.s32 $0x1BFF;
	s20 =	sshll.u32 s6, $0x1;
	s3 =	sadd.s32 s4, s18  }
0x9c: {  	s7 =	simm.s32 $0x0;
	s19 =	sshll.u32 s5, $0x1;
	s5 =	sadd.s32 s20, s3  }
0x9d: {  	[timem:s7], [sflag:s21] =	dma.local [hbm:s5], s19  }
0x9e: {  	_ =	swait.ge [sflag:s21], s19  }
0x9f: {  	s4 =	ssub.s32 $0x0, s19;
	[sflag:s21] =	ssyncset.done $0x0  }
0xa0: {  	[sflag:s21] =	ssyncadd.s32 s4;
	_ =	sdelay $0x1  }
0xa1: {  	s22 =	simm.s32 $0x1B8B  }
0xa2: {  	_ =	swait.ge [sflag:s22], $0x1  }
0xa3: {  	[sflag:s22] =	ssyncset.done $0x0  }
0xa4: {  	s23 =	sld [smem:$0x3FFE];
	[sflag:s22] =	ssyncadd.s32 $0xFFFFFFFF  }
0xa5: {  	s25 =	simm.s32 $0x1B8E;
	s24 =	sld [smem:$0x0]  }
0xa6: {  	s26 =	simm.s32 $execute0_lowered;
	[smem:$0x3FD2] =	sst s25  }
0xa7: {  	s6 =	sshll.u32 s26, $0x1;
	_ =	strace $0x80000049;
	[dreg:$0x1] =	wrdreg $0xFFFFFFFF  }
0xa8: {  	s28 =	simm.s32 $_size_execute0_lowered;
	s3 =	sadd.s32 s3, s6;
	[dreg:$0x0] =	wrdreg $0x0  }
0xa9: {  	s6 =	sshll.u32 s28, $0x1;
	[dreg:$0x2] =	wrdreg s3  }
0xaa: {  	[dreg:$0x3] =	wrdreg s6  }
0xab: {  	[dreg:$0x4] =	wrdreg $0xC0  }
0xac: {  	_ =	task [dreg:s7], $0x5FFFF  }
0xad: {  	[dreg:$0x1] =	wrdreg $0xFFFFFFFF  }
0xae: {  	[dreg:$0x0] =	wrdreg $0x60  }
0xaf: {  	[dreg:$0x2] =	wrdreg s23  }
0xb0: {  	[dreg:$0x3] =	wrdreg s2  }
0xb1: {  	[dreg:$0x4] =	wrdreg s1  }
0xb2: {  	[dreg:$0x5] =	wrdreg s24  }
0xb3: {  	[dreg:$0x6] =	wrdreg $0x9  }
0xb4: {  	_ =	task.clear_ibuf [dreg:s7], $0x7FFFF;
	_ =	strace $0x90000049  }
0xb5: {  	s29 =	simm.s32 $0x9;
	_ =	strace $0x8000004B  }
0xb6: {  	_ =	swait.ge [sflag:s29], $0x1  }
0xb7: {  	[sflag:s29] =	ssyncadd.s32 $0xFFFFFFFF  }
0xb8: {  	_ =	strace $0x9000004B  }
0xb9: {  	_ =	sfence  }
0xba: {  	s30 =	sld [smem:$0x0];
	_ =	sdelay $0x2  }
0xbb: {  	s31 =	sshll.u32 s1, $0xD;
	s1 =	sshrl.u32 s1, $0x2  }
0xbc: {  	s3 =	sand.u32 $0x4000, s31;
	s1 =	sadd.s32 s1, s30  }
0xbd: {  	s0 =	sor.u32 s3, s0;
	s1 =	sshll.u32 s1, $0x11  }
0xbe: {  	s0 =	sor.u32 s1, s0  }
0xbf: {  	s0 =	sadd.s32 $0x8F2B, s0  }
0xc0: {  	[sflag:s0] =	ssyncadd.remote.s32 $0x1  }
0xc1: {  	_ =	sfence.sel $0xFFFF  }
0xc2: {  	[dreg:$0x0] =	wrdreg $0xFFFFFFFF;
	(pc) =	sbr.abs _section_cstart, $3  }
0xc3: {  	[dreg:$0x1] =	wrdreg $0xFFFFFFFF  }
0xc4: {  	_ =	task.clear_ibuf [dreg:s7], $0x2FFFF;
	_ =	strace $0x9FFFFFFF  }
0xc5: {  	(tm) =	ssettm $0x7FFFFFFF  }
tec
execute0_lowered:
.L_overlay_start_1:
0x0: {  	(tag) =	ssettag $0x1  }
0x1: {  	s12 =	rddreg [dreg:$0x0]  }
0x2: {  	s14 =	rddreg [dreg:$0x1]  }
0x3: {  	s2 =	rddreg [dreg:$0x2];
	_ =	strace $0x8000004A;
	s13 =	simm.s32 $0x1  }
0x4: {  	v0 =	vimm.s32 $0x0;
	[sflag:s13] =	ssyncpa.u1 $0x0  }
0x5: {  	[tilespmem:$0x28] =	vst v0  }
0x6: {  	[tilespmem:$0x38] =	vst v0  }
0x7: {  	[tilespmem:$0x48] =	vst v0  }
0x8: {  	[tilespmem:$0x58] =	vst v0  }
0x9: {  	[tilespmem:$0x68] =	vst v0  }
0xa: {  	[tilespmem:$0x78] =	vst v0  }
0xb: {  	[tilespmem:$0x88] =	vst v0  }
0xc: {  	[tilespmem:$0x98] =	vst v0  }
0xd: {  	[tilespmem:$0xA8] =	vst v0  }
0xe: {  	[tilespmem:$0xB8] =	vst v0  }
0xf: {  	[tilespmem:$0xC8] =	vst v0  }
0x10: {  	[tilespmem:$0xD8] =	vst v0  }
0x11: {  	[tilespmem:$0xE8] =	vst v0  }
0x12: {  	[tilespmem:$0xF8] =	vst v0  }
0x13: {  	[tilespmem:$0x108] =	vst v0  }
0x14: {  	[tilespmem:$0x118] =	vst v0  }
0x15: {  	[tilespmem:$0x128] =	vst v0  }
0x16: {  	[tilespmem:$0x138] =	vst v0  }
0x17: {  	[tilespmem:$0x148] =	vst v0  }
0x18: {  	[tilespmem:$0x158] =	vst v0  }
0x19: {  	[tilespmem:$0x168] =	vst v0  }
0x1a: {  	[tilespmem:$0x178] =	vst v0  }
0x1b: {  	[tilespmem:$0x188] =	vst v0  }
0x1c: {  	[tilespmem:$0x198] =	vst v0  }
0x1d: {  	[tilespmem:$0x1A8] =	vst v0  }
0x1e: {  	[tilespmem:$0x1B8] =	vst v0  }
0x1f: {  	[tilespmem:$0x1C8] =	vst v0  }
0x20: {  	[tilespmem:$0x1D8] =	vst v0  }
0x21: {  	[tilespmem:$0x1E8] =	vst v0  }
0x22: {  	[tilespmem:$0x1F8] =	vst v0  }
0x23: {  	[tilespmem:$0x208] =	vst v0  }
0x24: {  	[tilespmem:$0x218] =	vst v0  }
0x25: {  	[tilespmem:$0x228] =	vst v0  }
0x26: {  	[tilespmem:$0x238] =	vst v0  }
0x27: {  	[tilespmem:$0x248] =	vst v0  }
0x28: {  	[tilespmem:$0x258] =	vst v0  }
0x29: {  	[tilespmem:$0x268] =	vst v0  }
0x2a: {  	[tilespmem:$0x278] =	vst v0  }
0x2b: {  	[tilespmem:$0x288] =	vst v0  }
0x2c: {  	[tilespmem:$0x298] =	vst v0  }
0x2d: {  	[tilespmem:$0x2A8] =	vst v0  }
0x2e: {  	[tilespmem:$0x2B8] =	vst v0  }
0x2f: {  	[tilespmem:$0x2C8] =	vst v0  }
0x30: {  	[tilespmem:$0x2D8] =	vst v0  }
0x31: {  	[tilespmem:$0x2E8] =	vst v0  }
0x32: {  	[tilespmem:$0x2F8] =	vst v0  }
0x33: {  	[tilespmem:$0x308] =	vst v0  }
0x34: {  	[tilespmem:$0x318] =	vst v0  }
0x35: {  	[tilespmem:$0x328] =	vst v0  }
0x36: {  	[tilespmem:$0x338] =	vst v0  }
0x37: {  	[tilespmem:$0x348] =	vst v0  }
0x38: {  	[tilespmem:$0x358] =	vst v0  }
0x39: {  	[tilespmem:$0x368] =	vst v0  }
0x3a: {  	[tilespmem:$0x378] =	vst v0  }
0x3b: {  	[tilespmem:$0x388] =	vst v0  }
0x3c: {  	[tilespmem:$0x398] =	vst v0  }
0x3d: {  	[tilespmem:$0x3A8] =	vst v0  }
0x3e: {  	[tilespmem:$0x3B8] =	vst v0  }
0x3f: {  	[tilespmem:$0x3C8] =	vst v0  }
0x40: {  	[tilespmem:$0x3D8] =	vst v0  }
0x41: {  	[tilespmem:$0x3E8] =	vst v0  }
0x42: {  	[tilespmem:$0x3F8] =	vst v0  }
0x43: {  	[tilespmem:$0x408] =	vst v0  }
0x44: {  	[tilespmem:$0x418] =	vst v0  }
0x45: {  	[tilespmem:$0x428] =	vst v0  }
0x46: {  	[tilespmem:$0x438] =	vst v0  }
0x47: {  	[tilespmem:$0x448] =	vst v0  }
0x48: {  	[tilespmem:$0x458] =	vst v0  }
0x49: {  	[tilespmem:$0x468] =	vst v0  }
0x4a: {  	[tilespmem:$0x478] =	vst v0  }
0x4b: {  	[tilespmem:$0x488] =	vst v0  }
0x4c: {  	[tilespmem:$0x498] =	vst v0  }
0x4d: {  	[tilespmem:$0x4A8] =	vst v0  }
0x4e: {  	[tilespmem:$0x4B8] =	vst v0  }
0x4f: {  	[tilespmem:$0x4C8] =	vst v0  }
0x50: {  	[tilespmem:$0x4D8] =	vst v0  }
0x51: {  	[tilespmem:$0x4E8] =	vst v0  }
0x52: {  	[tilespmem:$0x4F8] =	vst v0  }
0x53: {  	[tilespmem:$0x508] =	vst v0  }
0x54: {  	[tilespmem:$0x518] =	vst v0  }
0x55: {  	[tilespmem:$0x528] =	vst v0  }
0x56: {  	[tilespmem:$0x538] =	vst v0  }
0x57: {  	[tilespmem:$0x548] =	vst v0  }
0x58: {  	[tilespmem:$0x558] =	vst v0  }
0x59: {  	[tilespmem:$0x568] =	vst v0  }
0x5a: {  	[tilespmem:$0x578] =	vst v0  }
0x5b: {  	[tilespmem:$0x588] =	vst v0  }
0x5c: {  	[tilespmem:$0x598] =	vst v0  }
0x5d: {  	[tilespmem:$0x5A8] =	vst v0  }
0x5e: {  	[tilespmem:$0x5B8] =	vst v0  }
0x5f: {  	[tilespmem:$0x5C8] =	vst v0  }
0x60: {  	[tilespmem:$0x5D8] =	vst v0  }
0x61: {  	[tilespmem:$0x5E8] =	vst v0  }
0x62: {  	[tilespmem:$0x5F8] =	vst v0  }
0x63: {  	[tilespmem:$0x608] =	vst v0  }
0x64: {  	[tilespmem:$0x618] =	vst v0  }
0x65: {  	[tilespmem:$0x628] =	vst v0  }
0x66: {  	[tilespmem:$0x638] =	vst v0  }
0x67: {  	[tilespmem:$0x648] =	vst v0  }
0x68: {  	[tilespmem:$0x658] =	vst v0  }
0x69: {  	[tilespmem:$0x668] =	vst v0  }
0x6a: {  	[tilespmem:$0x678] =	vst v0  }
0x6b: {  	[tilespmem:$0x688] =	vst v0  }
0x6c: {  	[tilespmem:$0x698] =	vst v0  }
0x6d: {  	[tilespmem:$0x6A8] =	vst v0  }
0x6e: {  	[tilespmem:$0x6B8] =	vst v0  }
0x6f: {  	[tilespmem:$0x6C8] =	vst v0  }
0x70: {  	[tilespmem:$0x6D8] =	vst v0  }
0x71: {  	[tilespmem:$0x6E8] =	vst v0  }
0x72: {  	[tilespmem:$0x6F8] =	vst v0  }
0x73: {  	[tilespmem:$0x708] =	vst v0  }
0x74: {  	[tilespmem:$0x718] =	vst v0  }
0x75: {  	[tilespmem:$0x728] =	vst v0  }
0x76: {  	[tilespmem:$0x738] =	vst v0  }
0x77: {  	[tilespmem:$0x748] =	vst v0  }
0x78: {  	[tilespmem:$0x758] =	vst v0  }
0x79: {  	[tilespmem:$0x768] =	vst v0  }
0x7a: {  	[tilespmem:$0x778] =	vst v0  }
0x7b: {  	[tilespmem:$0x788] =	vst v0  }
0x7c: {  	[tilespmem:$0x798] =	vst v0  }
0x7d: {  	[tilespmem:$0x7A8] =	vst v0  }
0x7e: {  	[tilespmem:$0x7B8] =	vst v0  }
0x7f: {  	[tilespmem:$0x7C8] =	vst v0  }
0x80: {  	[tilespmem:$0x7D8] =	vst v0  }
0x81: {  	[tilespmem:$0x7E8] =	vst v0  }
0x82: {  	[tilespmem:$0x7F8] =	vst v0  }
0x83: {  	[tilespmem:$0x808] =	vst v0  }
0x84: {  	[tilespmem:$0x818] =	vst v0  }
0x85: {  	[tilespmem:$0x828] =	vst v0  }
0x86: {  	[tilespmem:$0x838] =	vst v0  }
0x87: {  	[tilespmem:$0x848] =	vst v0  }
0x88: {  	[tilespmem:$0x858] =	vst v0  }
0x89: {  	[tilespmem:$0x868] =	vst v0  }
0x8a: {  	[tilespmem:$0x878] =	vst v0  }
0x8b: {  	[tilespmem:$0x888] =	vst v0  }
0x8c: {  	[tilespmem:$0x898] =	vst v0  }
0x8d: {  	[tilespmem:$0x8A8] =	vst v0  }
0x8e: {  	[tilespmem:$0x8B8] =	vst v0  }
0x8f: {  	[tilespmem:$0x8C8] =	vst v0  }
0x90: {  	[tilespmem:$0x8D8] =	vst v0  }
0x91: {  	[tilespmem:$0x8E8] =	vst v0  }
0x92: {  	[tilespmem:$0x8F8] =	vst v0  }
0x93: {  	[tilespmem:$0x908] =	vst v0  }
0x94: {  	[tilespmem:$0x918] =	vst v0  }
0x95: {  	[tilespmem:$0x928] =	vst v0  }
0x96: {  	[tilespmem:$0x938] =	vst v0  }
0x97: {  	[tilespmem:$0x948] =	vst v0  }
0x98: {  	[tilespmem:$0x958] =	vst v0  }
0x99: {  	[tilespmem:$0x968] =	vst v0  }
0x9a: {  	[tilespmem:$0x978] =	vst v0  }
0x9b: {  	[tilespmem:$0x988] =	vst v0  }
0x9c: {  	[tilespmem:$0x998] =	vst v0  }
0x9d: {  	[tilespmem:$0x9A8] =	vst v0  }
0x9e: {  	[tilespmem:$0x9B8] =	vst v0  }
0x9f: {  	[tilespmem:$0x9C8] =	vst v0  }
0xa0: {  	[tilespmem:$0x9D8] =	vst v0  }
0xa1: {  	[tilespmem:$0x9E8] =	vst v0  }
0xa2: {  	[tilespmem:$0x9F8] =	vst v0  }
0xa3: {  	[tilespmem:$0xA08] =	vst v0  }
0xa4: {  	[tilespmem:$0xA18] =	vst v0  }
0xa5: {  	[tilespmem:$0xA28] =	vst v0  }
0xa6: {  	[tilespmem:$0xA38] =	vst v0  }
0xa7: {  	[tilespmem:$0xA48] =	vst v0  }
0xa8: {  	[tilespmem:$0xA58] =	vst v0  }
0xa9: {  	[tilespmem:$0xA68] =	vst v0  }
0xaa: {  	[tilespmem:$0xA78] =	vst v0  }
0xab: {  	[tilespmem:$0xA88] =	vst v0  }
0xac: {  	[tilespmem:$0xA98] =	vst v0  }
0xad: {  	[tilespmem:$0xAA8] =	vst v0  }
0xae: {  	[tilespmem:$0xAB8] =	vst v0  }
0xaf: {  	[tilespmem:$0xAC8] =	vst v0  }
0xb0: {  	[tilespmem:$0xAD8] =	vst v0  }
0xb1: {  	[tilespmem:$0xAE8] =	vst v0  }
0xb2: {  	[tilespmem:$0xAF8] =	vst v0  }
0xb3: {  	[tilespmem:$0xB08] =	vst v0  }
0xb4: {  	[tilespmem:$0xB18] =	vst v0  }
0xb5: {  	[tilespmem:$0xB28] =	vst v0  }
0xb6: {  	[tilespmem:$0xB38] =	vst v0  }
0xb7: {  	[tilespmem:$0xB48] =	vst v0  }
0xb8: {  	[tilespmem:$0xB58] =	vst v0  }
0xb9: {  	[tilespmem:$0xB68] =	vst v0  }
0xba: {  	[tilespmem:$0xB78] =	vst v0  }
0xbb: {  	[tilespmem:$0xB88] =	vst v0  }
0xbc: {  	[tilespmem:$0xB98] =	vst v0  }
0xbd: {  	[tilespmem:$0xBA8] =	vst v0  }
0xbe: {  	[tilespmem:$0xBB8] =	vst v0  }
0xbf: {  	[tilespmem:$0xBC8] =	vst v0  }
0xc0: {  	[tilespmem:$0xBD8] =	vst v0  }
0xc1: {  	[tilespmem:$0xBE8] =	vst v0  }
0xc2: {  	[tilespmem:$0xBF8] =	vst v0  }
0xc3: {  	[tilespmem:$0xC08] =	vst v0  }
0xc4: {  	[tilespmem:$0xC18] =	vst v0  }
0xc5: {  	[tilespmem:$0xC28] =	vst v0  }
0xc6: {  	[tilespmem:$0xC38] =	vst v0  }
0xc7: {  	[tilespmem:$0xC48] =	vst v0  }
0xc8: {  	[tilespmem:$0xC58] =	vst v0  }
0xc9: {  	[tilespmem:$0xC68] =	vst v0  }
0xca: {  	[tilespmem:$0xC78] =	vst v0  }
0xcb: {  	[tilespmem:$0xC88] =	vst v0  }
0xcc: {  	[tilespmem:$0xC98] =	vst v0  }
0xcd: {  	[tilespmem:$0xCA8] =	vst v0  }
0xce: {  	[tilespmem:$0xCB8] =	vst v0  }
0xcf: {  	[tilespmem:$0xCC8] =	vst v0  }
0xd0: {  	[tilespmem:$0xCD8] =	vst v0  }
0xd1: {  	[tilespmem:$0xCE8] =	vst v0  }
0xd2: {  	[tilespmem:$0xCF8] =	vst v0  }
0xd3: {  	[tilespmem:$0xD08] =	vst v0  }
0xd4: {  	[tilespmem:$0xD18] =	vst v0  }
0xd5: {  	[tilespmem:$0xD28] =	vst v0  }
0xd6: {  	[tilespmem:$0xD38] =	vst v0  }
0xd7: {  	[tilespmem:$0xD48] =	vst v0  }
0xd8: {  	[tilespmem:$0xD58] =	vst v0  }
0xd9: {  	[tilespmem:$0xD68] =	vst v0  }
0xda: {  	[tilespmem:$0xD78] =	vst v0  }
0xdb: {  	[tilespmem:$0xD88] =	vst v0  }
0xdc: {  	[tilespmem:$0xD98] =	vst v0  }
0xdd: {  	[tilespmem:$0xDA8] =	vst v0  }
0xde: {  	[tilespmem:$0xDB8] =	vst v0  }
0xdf: {  	[tilespmem:$0xDC8] =	vst v0  }
0xe0: {  	[tilespmem:$0xDD8] =	vst v0  }
0xe1: {  	[tilespmem:$0xDE8] =	vst v0  }
0xe2: {  	[tilespmem:$0xDF8] =	vst v0  }
0xe3: {  	[tilespmem:$0xE08] =	vst v0  }
0xe4: {  	[tilespmem:$0xE18] =	vst v0  }
0xe5: {  	[tilespmem:$0xE28] =	vst v0  }
0xe6: {  	[tilespmem:$0xE38] =	vst v0  }
0xe7: {  	[tilespmem:$0xE48] =	vst v0  }
0xe8: {  	[tilespmem:$0xE58] =	vst v0  }
0xe9: {  	[tilespmem:$0xE68] =	vst v0  }
0xea: {  	[tilespmem:$0xE78] =	vst v0  }
0xeb: {  	[tilespmem:$0xE88] =	vst v0  }
0xec: {  	[tilespmem:$0xE98] =	vst v0  }
0xed: {  	[tilespmem:$0xEA8] =	vst v0  }
0xee: {  	[tilespmem:$0xEB8] =	vst v0  }
0xef: {  	[tilespmem:$0xEC8] =	vst v0  }
0xf0: {  	[tilespmem:$0xED8] =	vst v0  }
0xf1: {  	[tilespmem:$0xEE8] =	vst v0  }
0xf2: {  	[tilespmem:$0xEF8] =	vst v0  }
0xf3: {  	[tilespmem:$0xF08] =	vst v0  }
0xf4: {  	[tilespmem:$0xF18] =	vst v0  }
0xf5: {  	[tilespmem:$0xF28] =	vst v0  }
0xf6: {  	[tilespmem:$0xF38] =	vst v0  }
0xf7: {  	[tilespmem:$0xF48] =	vst v0  }
0xf8: {  	[tilespmem:$0xF58] =	vst v0  }
0xf9: {  	[tilespmem:$0xF68] =	vst v0  }
0xfa: {  	[tilespmem:$0xF78] =	vst v0  }
0xfb: {  	[tilespmem:$0xF88] =	vst v0  }
0xfc: {  	[tilespmem:$0xF98] =	vst v0  }
0xfd: {  	[tilespmem:$0xFA8] =	vst v0  }
0xfe: {  	[tilespmem:$0xFB8] =	vst v0  }
0xff: {  	[tilespmem:$0xFC8] =	vst v0  }
0x100: {  	[tilespmem:$0xFD8] =	vst v0  }
0x101: {  	[tilespmem:$0xFE8] =	vst v0  }
0x102: {  	[tilespmem:$0xFF8] =	vst v0  }
0x103: {  	[tilespmem:$0x1018] =	vst v0  }
0x104: {  	[tilespmem:$0x10D8] =	vst v0  }
0x105: {  	[tilespmem:$0x1048] =	vst v0  }
0x106: {  	[tilespmem:$0x1B28] =	vst v0  }
0x107: {  	[tilespmem:$0x1B18] =	vst v0  }
0x108: {  	[tilespmem:$0x1B08] =	vst v0  }
0x109: {  	[tilespmem:$0x1AF8] =	vst v0  }
0x10a: {  	[tilespmem:$0x1AE8] =	vst v0  }
0x10b: {  	[tilespmem:$0x1AD8] =	vst v0  }
0x10c: {  	[tilespmem:$0x1AC8] =	vst v0  }
0x10d: {  	[tilespmem:$0x1AB8] =	vst v0  }
0x10e: {  	[tilespmem:$0x1AA8] =	vst v0  }
0x10f: {  	[tilespmem:$0x1A98] =	vst v0  }
0x110: {  	[tilespmem:$0x1A88] =	vst v0  }
0x111: {  	[tilespmem:$0x1A78] =	vst v0  }
0x112: {  	[tilespmem:$0x1A68] =	vst v0  }
0x113: {  	[tilespmem:$0x1A58] =	vst v0  }
0x114: {  	[tilespmem:$0x1A48] =	vst v0  }
0x115: {  	[tilespmem:$0x1A38] =	vst v0  }
0x116: {  	[tilespmem:$0x1A28] =	vst v0  }
0x117: {  	[tilespmem:$0x1A18] =	vst v0  }
0x118: {  	[tilespmem:$0x1A08] =	vst v0  }
0x119: {  	[tilespmem:$0x19F8] =	vst v0  }
0x11a: {  	[tilespmem:$0x19E8] =	vst v0  }
0x11b: {  	[tilespmem:$0x19D8] =	vst v0  }
0x11c: {  	[tilespmem:$0x19C8] =	vst v0  }
0x11d: {  	[tilespmem:$0x19B8] =	vst v0  }
0x11e: {  	[tilespmem:$0x19A8] =	vst v0  }
0x11f: {  	[tilespmem:$0x1998] =	vst v0  }
0x120: {  	[tilespmem:$0x1988] =	vst v0  }
0x121: {  	[tilespmem:$0x1978] =	vst v0  }
0x122: {  	[tilespmem:$0x1968] =	vst v0  }
0x123: {  	[tilespmem:$0x1958] =	vst v0  }
0x124: {  	[tilespmem:$0x1948] =	vst v0  }
0x125: {  	[tilespmem:$0x1938] =	vst v0  }
0x126: {  	[tilespmem:$0x1928] =	vst v0  }
0x127: {  	[tilespmem:$0x1918] =	vst v0  }
0x128: {  	[tilespmem:$0x1908] =	vst v0  }
0x129: {  	[tilespmem:$0x18F8] =	vst v0  }
0x12a: {  	[tilespmem:$0x18E8] =	vst v0  }
0x12b: {  	[tilespmem:$0x18D8] =	vst v0  }
0x12c: {  	[tilespmem:$0x18C8] =	vst v0  }
0x12d: {  	[tilespmem:$0x18B8] =	vst v0  }
0x12e: {  	[tilespmem:$0x18A8] =	vst v0  }
0x12f: {  	[tilespmem:$0x1898] =	vst v0  }
0x130: {  	[tilespmem:$0x1888] =	vst v0  }
0x131: {  	[tilespmem:$0x1878] =	vst v0  }
0x132: {  	[tilespmem:$0x1868] =	vst v0  }
0x133: {  	[tilespmem:$0x1858] =	vst v0  }
0x134: {  	[tilespmem:$0x1848] =	vst v0  }
0x135: {  	[tilespmem:$0x1838] =	vst v0  }
0x136: {  	[tilespmem:$0x1828] =	vst v0  }
0x137: {  	[tilespmem:$0x1818] =	vst v0  }
0x138: {  	[tilespmem:$0x1808] =	vst v0  }
0x139: {  	[tilespmem:$0x17F8] =	vst v0  }
0x13a: {  	[tilespmem:$0x17E8] =	vst v0  }
0x13b: {  	[tilespmem:$0x17D8] =	vst v0  }
0x13c: {  	[tilespmem:$0x17C8] =	vst v0  }
0x13d: {  	[tilespmem:$0x17B8] =	vst v0  }
0x13e: {  	[tilespmem:$0x17A8] =	vst v0  }
0x13f: {  	[tilespmem:$0x1798] =	vst v0  }
0x140: {  	[tilespmem:$0x1788] =	vst v0  }
0x141: {  	[tilespmem:$0x1778] =	vst v0  }
0x142: {  	[tilespmem:$0x1768] =	vst v0  }
0x143: {  	[tilespmem:$0x1758] =	vst v0  }
0x144: {  	[tilespmem:$0x1748] =	vst v0  }
0x145: {  	[tilespmem:$0x1738] =	vst v0  }
0x146: {  	[tilespmem:$0x1728] =	vst v0  }
0x147: {  	[tilespmem:$0x1718] =	vst v0  }
0x148: {  	[tilespmem:$0x1708] =	vst v0  }
0x149: {  	[tilespmem:$0x16F8] =	vst v0  }
0x14a: {  	[tilespmem:$0x16E8] =	vst v0  }
0x14b: {  	[tilespmem:$0x16D8] =	vst v0  }
0x14c: {  	[tilespmem:$0x16C8] =	vst v0  }
0x14d: {  	[tilespmem:$0x16B8] =	vst v0  }
0x14e: {  	[tilespmem:$0x16A8] =	vst v0  }
0x14f: {  	[tilespmem:$0x1698] =	vst v0  }
0x150: {  	[tilespmem:$0x1688] =	vst v0  }
0x151: {  	[tilespmem:$0x1678] =	vst v0  }
0x152: {  	[tilespmem:$0x1668] =	vst v0  }
0x153: {  	[tilespmem:$0x1658] =	vst v0  }
0x154: {  	[tilespmem:$0x1648] =	vst v0  }
0x155: {  	[tilespmem:$0x1638] =	vst v0  }
0x156: {  	[tilespmem:$0x1628] =	vst v0  }
0x157: {  	[tilespmem:$0x1618] =	vst v0  }
0x158: {  	[tilespmem:$0x1608] =	vst v0  }
0x159: {  	[tilespmem:$0x15F8] =	vst v0  }
0x15a: {  	[tilespmem:$0x15E8] =	vst v0  }
0x15b: {  	[tilespmem:$0x15D8] =	vst v0  }
0x15c: {  	[tilespmem:$0x15C8] =	vst v0  }
0x15d: {  	[tilespmem:$0x15B8] =	vst v0  }
0x15e: {  	[tilespmem:$0x15A8] =	vst v0  }
0x15f: {  	[tilespmem:$0x1598] =	vst v0  }
0x160: {  	[tilespmem:$0x1588] =	vst v0  }
0x161: {  	[tilespmem:$0x1578] =	vst v0  }
0x162: {  	[tilespmem:$0x1568] =	vst v0  }
0x163: {  	[tilespmem:$0x1558] =	vst v0  }
0x164: {  	[tilespmem:$0x1548] =	vst v0  }
0x165: {  	[tilespmem:$0x1538] =	vst v0  }
0x166: {  	[tilespmem:$0x1528] =	vst v0  }
0x167: {  	[tilespmem:$0x1518] =	vst v0  }
0x168: {  	[tilespmem:$0x1508] =	vst v0  }
0x169: {  	[tilespmem:$0x14F8] =	vst v0  }
0x16a: {  	[tilespmem:$0x14E8] =	vst v0  }
0x16b: {  	[tilespmem:$0x14D8] =	vst v0  }
0x16c: {  	[tilespmem:$0x14C8] =	vst v0  }
0x16d: {  	[tilespmem:$0x14B8] =	vst v0  }
0x16e: {  	[tilespmem:$0x14A8] =	vst v0  }
0x16f: {  	[tilespmem:$0x1498] =	vst v0  }
0x170: {  	[tilespmem:$0x1488] =	vst v0  }
0x171: {  	[tilespmem:$0x1478] =	vst v0  }
0x172: {  	[tilespmem:$0x1468] =	vst v0  }
0x173: {  	[tilespmem:$0x1458] =	vst v0  }
0x174: {  	[tilespmem:$0x1448] =	vst v0  }
0x175: {  	[tilespmem:$0x1438] =	vst v0  }
0x176: {  	[tilespmem:$0x1428] =	vst v0  }
0x177: {  	[tilespmem:$0x1418] =	vst v0  }
0x178: {  	[tilespmem:$0x1408] =	vst v0  }
0x179: {  	[tilespmem:$0x13F8] =	vst v0  }
0x17a: {  	[tilespmem:$0x13E8] =	vst v0  }
0x17b: {  	[tilespmem:$0x13D8] =	vst v0  }
0x17c: {  	[tilespmem:$0x13C8] =	vst v0  }
0x17d: {  	[tilespmem:$0x13B8] =	vst v0  }
0x17e: {  	[tilespmem:$0x13A8] =	vst v0  }
0x17f: {  	[tilespmem:$0x1398] =	vst v0  }
0x180: {  	[tilespmem:$0x1388] =	vst v0  }
0x181: {  	[tilespmem:$0x1378] =	vst v0  }
0x182: {  	[tilespmem:$0x1368] =	vst v0  }
0x183: {  	[tilespmem:$0x1358] =	vst v0  }
0x184: {  	[tilespmem:$0x1348] =	vst v0  }
0x185: {  	[tilespmem:$0x1338] =	vst v0  }
0x186: {  	[tilespmem:$0x1328] =	vst v0  }
0x187: {  	[tilespmem:$0x1318] =	vst v0  }
0x188: {  	[tilespmem:$0x1308] =	vst v0  }
0x189: {  	[tilespmem:$0x12F8] =	vst v0  }
0x18a: {  	[tilespmem:$0x12E8] =	vst v0  }
0x18b: {  	[tilespmem:$0x12D8] =	vst v0  }
0x18c: {  	[tilespmem:$0x12C8] =	vst v0  }
0x18d: {  	[tilespmem:$0x12B8] =	vst v0  }
0x18e: {  	[tilespmem:$0x12A8] =	vst v0  }
0x18f: {  	[tilespmem:$0x1298] =	vst v0  }
0x190: {  	[tilespmem:$0x1288] =	vst v0  }
0x191: {  	[tilespmem:$0x1278] =	vst v0  }
0x192: {  	[tilespmem:$0x1268] =	vst v0  }
0x193: {  	[tilespmem:$0x1258] =	vst v0  }
0x194: {  	[tilespmem:$0x1248] =	vst v0  }
0x195: {  	[tilespmem:$0x1238] =	vst v0  }
0x196: {  	[tilespmem:$0x1228] =	vst v0  }
0x197: {  	[tilespmem:$0x1218] =	vst v0  }
0x198: {  	[tilespmem:$0x1208] =	vst v0  }
0x199: {  	[tilespmem:$0x11F8] =	vst v0  }
0x19a: {  	[tilespmem:$0x11E8] =	vst v0  }
0x19b: {  	[tilespmem:$0x11D8] =	vst v0  }
0x19c: {  	[tilespmem:$0x11C8] =	vst v0  }
0x19d: {  	[tilespmem:$0x11B8] =	vst v0  }
0x19e: {  	[tilespmem:$0x11A8] =	vst v0  }
0x19f: {  	[tilespmem:$0x1198] =	vst v0  }
0x1a0: {  	[tilespmem:$0x1188] =	vst v0  }
0x1a1: {  	[tilespmem:$0x1178] =	vst v0  }
0x1a2: {  	[tilespmem:$0x1168] =	vst v0  }
0x1a3: {  	[tilespmem:$0x1158] =	vst v0  }
0x1a4: {  	[tilespmem:$0x1148] =	vst v0  }
0x1a5: {  	[tilespmem:$0x1138] =	vst v0  }
0x1a6: {  	[tilespmem:$0x1128] =	vst v0  }
0x1a7: {  	s4 =	stileid.u32;
	[tilespmem:$0x1118] =	vst v0  }
0x1a8: {  	s0 =	smul.u32 $0x2B, s4;
	[tilespmem:$0x1108] =	vst v0  }
0x1a9: {  	s1 =	smin.u32 s4, $0x7;
	[tilespmem:$0x10F8] =	vst v0  }
0x1aa: {  	[tilespmem:$0x10E8] =	vst v0;
	s0 =	sadd.s32 s1, s0  }
0x1ab: {  	p0 =	slt.u32 s4, $0x7;
	[tilespmem:$0x10B8] =	vst v0;
	s1 =	simm.s32 $0x4A40;
	s6 =	smul.u32 $0x1B0, s0  }
0x1ac: {  	s1 =	simm.s32 @!p0 $0x4890;
	[tilespmem:$0x10C8] =	vst v0  }
0x1ad: {  	[tilespmem:$0x10A8] =	vst v0;
	s0 =	sadd.s32 s1, s6  }
0x1ae: {  	s8 =	simm.s32 $0x2;
	[tilespmem:$0x1038] =	vst v0;
	s7 =	smin.u32 s0, $0x493E0  }
0x1af: {  	s28 =	simm.s32 $0x9;
	s11 =	simm.s32 $0xA;
	[tilespmem:$0x1098] =	vst v0;
	s0 =	ssub.s32 s7, s6  }
0x1b0: {  	s29 =	simm.s32 $0xB;
	s16 =	simm.s32 $0x0;
	[tilespmem:$0x1088] =	vst v0;
	p0 =	sgt.s32 s0, $0x0  }
0x1b1: {  	p4 =	por $0x0, $0x0;
	s17 =	simm.s32 $0xC;
	[tilespmem:$0x1078] =	vst v0;
	s0 =	simm.s32 @!p0 $0x0  }
0x1b2: {  	s21 =	simm.s32 $0x0;
	s18 =	simm.s32 $0x0;
	[tilespmem:$0x1068] =	vst v0;
	s25 =	smulhi.u32 $0x4BDA12F7, s0  }
0x1b3: {  	s20 =	simm.s32 $0x0;
	s3 =	sadd.s32 $0x1000, s12;
	s5 =	sand.u32 $0x1, s2;
	[tilespmem:$0x1058] =	vst v0  }
0x1b4: {  	[dreg:$0x6] =	wrdreg s5;
	s5 =	smul.u32 $0x927C, s5;
	[tilespmem:$0x1028] =	vst v0;
	s1 =	sshrl.u32 s25, $0x7  }
0x1b5: {  	s9 =	sadd.s32 $0x62E000, s12;
	[tilespmem:$0x1008] =	vst v0;
	[sflag:s8] =	ssyncpa.u1 $0x0;
	v0 =	vimm.s32 $0xFFFFFFFF;
	s26 =	smul.u32 $0x1B0, s1  }
.Ltmp0:
0x1b6: {  	s31 =	sshll.u32 s4, $0x5;
	[tilespmem:$0x3648] =	vst v0;
	[sflag:s28] =	ssyncpa.u1 $0x0;
	(pc) =	sbr.rel .LBB2_1-.Ltmp0, $4  }
0x1b7: {  	[dreg:$0x5] =	wrdreg s31;
	[sflag:s11] =	ssyncpa.u1 $0x0;
	p0 =	sne.s32 s0, s26  }
0x1b8: {  	s30 =	sadd.s32 s5, s12;
	s14 =	sadd.s32 s5, s14;
	s13 =	simm.s32 @!p0 $0x0  }
0x1b9: {  	[sflag:s29] =	ssyncpa.u1 $0x0;
	s19 =	smov.u32 s6;
	s12 =	sadd.s32 s13, s1  }
0x1ba: {  	v0 =	vlaneseq.u32;
	p0 =	por $0x1, $0x1;
	s13 =	sadd.s32 $0x19A200, s30;
	s15 =	sadd.s32 $0x1, s12  }
.LBB2_18:
0x1bb: {  	s0 =	simm.s32 $0x2  }
0x1bc: {  	_ =	swait.ge [sflag:s0], $0x0  }
0x1bd: {  	[sflag:s0] =	ssyncset.done $0x0;
	s0 =	simm.s32 $0x0  }
.LBB2_19:
0x1be: {  	_ =	swait.ge [sflag:s17], s0  }
0x1bf: {  	s31 =	ssub.s32 $0x0, s0;
	v1 =	vmov s23;
	vm0 =	veq.s32 v0, $0x0;
	[sflag:s17] =	ssyncset.done $0x0  }
0x1c0: {  	vm15 =	veq.s32 v0, $0x2;
	v1 =	vsel vm0, s28, v1;
	[sflag:s17] =	ssyncadd.s32 s31  }
0x1c1: {  	v1 =	vsel vm15, s21, v1;
	[sflag:s17] =	ssyncpa.u1 $0x1  }
0x1c2: {  	[tilespmem:$0x3648] =	vst v1  }
.LBB2_20:
0x1c3: {  	s0 =	sadd.s32 $0x1B0, s19  }
0x1c4: {  	s1 =	smov.u32 s6;
	p1 =	slt.s32 s0, s7  }
0x1c5: {  	s1 =	smov.u32 @p1 s0;
	p1 =	sne.s32 s20, s15  }
.Ltmp1:
0x1c6: {  	_ = 	snop;
	(pc) =	sbr.rel @!p1 .LBB2_21-.Ltmp1, $4  }
0x1c7: {  	_ = 	snop  }
0x1c8: {  	s21 =	smov.u32 s18  }
0x1c9: {  	s31 =	sadd.s32 $0x1, s20;
	s18 =	smov.u32 s19;
	p0 =	por !p0, !p0  }
0x1ca: {  	p4 =	por !p4, !p4;
	s20 =	smov.u32 s31;
	s19 =	smov.u32 s1  }
.LBB2_1:
0x1cb: {  	p2 =	sge.u32 s20, s12  }
0x1cc: {  	s0 =	smulhi.u32 @!p2 $0xAAAAAAAB, s20  }
0x1cd: {  	s1 =	smov.u32 s19;
	p3 =	sgt.s32 @!p2 s19, $0x49230  }
0x1ce: {  	s2 =	sshra.s32 @!p2 s19, $0x1F;
	p3 =	por !p3, p2;
	s0 =	sshrl.u32 @!p2 s0, $0x1  }
0x1cf: {  	s2 =	sand.u32 @!p2 s2, s19;
	s1 =	simm.s32 @p3 $0x49230;
	s0 =	smul.u32 @!p2 $0x3, s0  }
0x1d0: {  	s1 =	ssub.s32 @!p2 s1, s2  }
0x1d1: {  	s23 =	sadd.s32 $0xFFFFFFFF, s20;
	s1 =	sadd.s32 @!p2 $0xFFFB6DD0, s1;
	s0 =	ssub.s32 @!p2 s20, s0  }
0x1d2: {  	s2 =	sshll.u32 @!p2 s1, $0x2;
	p3 =	sgt.s32 @!p2 s1, $0x1AF;
	s0 =	smul.u32 @!p2 $0x6C0, s0  }
0x1d3: {  	s5 =	sand.u32 @!p2 $0x7, s19;
	s1 =	ssub.s32 @!p2 $0x6C0, s2;
	p3 =	por !p3, p2  }
0x1d4: {  	s2 =	sshrl.u32 @!p2 s19, $0x3;
	s1 =	sshrl.u32 @!p2 s1, $0x2;
	s0 =	sshrl.u32 @!p2 s0, $0x2  }
0x1d5: {  	s2 =	sadd.s32 @!p2 s2, s13;
	s1 =	simm.s32 @!p3 $0x0;
	s0 =	sadd.s32 @!p2 $0x3888, s0  }
0x1d6: {  	[tilespmem:s0], [sflag:$0xA] =	stream.linear.gather @!p2 [hbm4b:s2+s5], s1, $0x38;
	[tilespmem:$0x1F0F8] =	vst v63  }
0x1d7: {  	p2 =	sge.u32 s23, s12  }
0x1d8: {  	p3 =	sgt.s32 @!p2 s18, $0x49230  }
0x1d9: {  	s0 =	smov.u32 s18;
	s1 =	sshra.s32 @!p2 s18, $0x1F;
	p3 =	por !p3, p2  }
0x1da: {  	s1 =	sand.u32 @!p2 s1, s18;
	s0 =	simm.s32 @p3 $0x49230  }
0x1db: {  	s0 =	ssub.s32 @!p2 s0, s1  }
0x1dc: {  	s0 =	sadd.s32 @!p2 $0xFFFB6DD0, s0  }
0x1dd: {  	s1 =	sshll.u32 @!p2 s0, $0x2  }
0x1de: {  	p3 =	sgt.s32 @!p2 s0, $0x1AF;
	s0 =	ssub.s32 @!p2 $0x6C0, s1  }
0x1df: {  	s22 =	ssub.s32 @!p2 $0x493E0, s18;
	p3 =	por !p3, p2;
	s0 =	sshrl.u32 @!p2 s0, $0x2  }
0x1e0: {  	s1 =	sand.u32 @!p2 $0x1, s23;
	s0 =	simm.s32 @!p3 $0x0;
	p3 =	slt.s32 @!p2 s22, $0x1  }
0x1e1: {  	s2 =	simm.s32 @!p2 $0xA;
	s1 =	smul.u32 @!p2 $0x6C0, s1;
	p3 =	por p2, p3  }
.Ltmp2:
0x1e2: {  	_ =	swait.ge @!p2 [sflag:s2], s0;
	(pc) =	sbr.rel @p3 .LBB2_7-.Ltmp2, $4  }
0x1e3: {  	s5 =	ssub.s32 @!p2 $0x0, s0;
	[sflag:s2] =	ssyncset.done @!p2 $0x0  }
0x1e4: {  	s1 =	sshrl.u32 @!p2 s1, $0x2;
	[sflag:s2] =	ssyncadd.s32 @!p2 s5;
	s2 =	sshrl.u32 @!p2 s18, $0x3  }
0x1e5: {  	s1 =	sadd.s32 @!p2 $0x3D98, s1;
	s5 =	sand.u32 @!p2 $0x7, s18;
	s2 =	sadd.s32 @!p2 s2, s14  }
0x1e6: {  	[tilespmem:s1], [sflag:$0xB] =	stream.linear.gather @!p2 [hbm4b:s2+s5], s0, $0x38;
	[tilespmem:$0x1F0F8] =	vst v63  }
0x1e7: {  	s0 =	smulhi.u32 $0xAAAAAAAB, s23;
	_ =	sdelay $0x1  }
0x1e8: {  	s0 =	sshrl.u32 s0, $0x1  }
0x1e9: {  	s0 =	smul.u32 $0x3, s0;
	_ =	sdelay $0x1  }
0x1ea: {  	s0 =	ssub.s32 s23, s0  }
0x1eb: {  	s1 =	simm.s32 $0x1;
	s0 =	smul.u32 $0x6C0, s0  }
.Ltmp3:
0x1ec: {  	s1 =	simm.s32 @!p0 $0x0;
	(pc) =	sbr.rel .LBB2_4-.Ltmp3, $4  }
0x1ed: {  	s1 =	smul.u32 $0x36000, s1  }
0x1ee: {  	p3 =	slt.s32 @!p2 s22, $0x1B0;
	s0 =	sshrl.u32 s0, $0x2  }
0x1ef: {  	p2 =	por !p3, p2;
	s1 =	sshrl.u32 s1, $0x2;
	s0 =	sadd.s32 $0x3888, s0  }
0x1f0: {  	s24 =	simm.s32 $0x0;
	s22 =	simm.s32 @p2 $0x1B0;
	s23 =	sadd.s32 $0x40F8, s1;
	v1 =	vmov s0  }
.LBB2_3:
0x1f1: {  	p2 =	sge.s32 s24, s22  }
.Ltmp4:
0x1f2: {  	_ = 	snop;
	(pc) =	sbr.rel @p2 .LBB2_7-.Ltmp4, $2  }
0x1f3: {  	_ =	sdelay $0x2  }
0x1f4: {  	s23 =	sadd.s32 $0x800, s23  }
.LBB2_4:
0x1f5: {  	p2 =	sle.s32 s22, s24  }
.Ltmp5:
0x1f6: {  	_ = 	snop;
	(pc) =	sbr.rel @p2 .LBB2_3-.Ltmp5, $2  }
0x1f7: {  	_ =	sdelay $0x2  }
0x1f8: {  	s0 =	smov.u32 s24;
	s24 =	sadd.s32 $0x10, s24  }
0x1f9: {  	s1 =	ssub.s32 s22, s0  }
0x1fa: {  	p2 =	slt.s32 s1, $0x10  }
0x1fb: {  	s1 =	simm.s32 @!p2 $0x10  }
0x1fc: {  	v2 =	vmov s1  }
0x1fd: {  	vm0 =	vgt.s32 v2, v0;
	_ =	sdelay $0x5  }
0x1fe: {  	v2 =	vld.idx.msk [tilespmem:v1+s0+$0x0 ss:$0x1], vm0;
	_ =	sdelay $0x2  }
0x1ff: {  	p2 =	slt.s32 s24, s22;
	s1 =	smov.u32 s22  }
0x200: {  	s2 =	smov.u32 s23;
	s25 =	simm.s32 $0x0;
	s1 =	smov.u32 @p2 s24  }
.LBB2_6:
0x201: {  	(v2sf) =	vpush v2, s25;
	_ =	sdelay $0xc  }
0x202: {  	s25 =	sadd.s32 $0x1, s25  }
0x203: {  	s31 =	sadd.s32 s25, s0  }
0x204: {  	p2 =	slt.s32 s31, s1;
	s5 =	spop (v2sf)  }
.Ltmp6:
0x205: {  	s5 =	sshll.u32 s5, $0x4;
	(pc) =	sbr.rel @p2 .LBB2_6-.Ltmp6, $4  }
0x206: {  	s5 =	sand.u32 $0x1FFFFFF0, s5  }
0x207: {  	s5 =	sadd.s32 s9, s5  }
0x208: {  	[tilespmem:s2], [sflag:$0x9] =	stream.linear.gather [hbm4b:s5+s16], $0x10, $0x38;
	[tilespmem:$0x1F0F8] =	vst v63  }
0x209: {  	s2 =	sadd.s32 $0x80, s2  }
.Ltmp7:
0x20a: {  	_ = 	snop;
	(pc) =	sbr.rel .LBB2_3-.Ltmp7, $1  }
0x20b: {  	_ =	sdelay $0x3  }
.LBB2_7:
0x20c: {  	p2 =	slt.u32 s20, $0x2  }
.Ltmp8:
0x20d: {  	_ = 	snop;
	(pc) =	sbr.rel @p2 .LBB2_20-.Ltmp8, $1  }
0x20e: {  	_ =	sdelay $0x3  }
0x20f: {  	p2 =	sgt.s32 s21, $0x49230  }
0x210: {  	s0 =	smov.u32 s21;
	s1 =	sshra.s32 s21, $0x1F;
	s2 =	ssub.s32 $0x493E0, s21  }
0x211: {  	s0 =	simm.s32 @!p2 $0x49230;
	s1 =	sand.u32 s1, s21;
	p2 =	slt.s32 s2, $0x1B0  }
0x212: {  	s0 =	ssub.s32 s0, s1;
	s2 =	simm.s32 @!p2 $0x1B0  }
0x213: {  	s0 =	sadd.s32 $0xFFFB6DD0, s0;
	s24 =	sshll.u32 s2, $0x4  }
0x214: {  	s28 =	simm.s32 $0x9;
	s25 =	sshll.u32 s0, $0x2;
	s1 =	sand.u32 $0x3FFFFFF0, s24  }
0x215: {  	p2 =	sgt.s32 s0, $0x1AF;
	s26 =	ssub.s32 $0x6C0, s25;
	_ =	swait.ge [sflag:s28], s1  }
0x216: {  	s1 =	ssub.s32 $0x0, s1;
	[sflag:s28] =	ssyncset.done $0x0;
	s0 =	sshrl.u32 s26, $0x2  }
0x217: {  	s30 =	simm.s32 $0xB;
	[sflag:s28] =	ssyncadd.s32 s1;
	s0 =	simm.s32 @p2 $0x0  }
0x218: {  	_ =	swait.ge [sflag:s30], s0  }
0x219: {  	s0 =	ssub.s32 $0x0, s0;
	[sflag:s30] =	ssyncset.done $0x0  }
0x21a: {  	[sflag:s30] =	ssyncadd.s32 s0  }
0x21b: {  	v1 =	vld [tilespmem:$0x3648];
	_ =	sdelay $0x4  }
0x21c: {  	(v2sf) =	vpush v1, $0x0  }
0x21d: {  	(v2sf) =	vpush v1, $0x1  }
0x21e: {  	(v2sf) =	vpush v1, $0x2;
	_ =	sdelay $0x3  }
0x21f: {  	s0 =	sadd.s32 $0x1B0, s21  }
0x220: {  	s1 =	ssub.s32 $0x927C0, s21;
	p2 =	slt.s32 s7, s0  }
0x221: {  	s0 =	smov.u32 @p2 s7;
	p2 =	sgt.s32 s1, $0x0  }
0x222: {  	s25 =	ssub.s32 s0, s21;
	s1 =	simm.s32 @!p2 $0x0  }
0x223: {  	p2 =	slt.s32 s1, s25  }
0x224: {  	s25 =	smov.u32 @p2 s1  }
0x225: {  	s24 =	simm.s32 $0x1;
	p2 =	slt.s32 s25, $0x1  }
.Ltmp9:
0x226: {  	s24 =	simm.s32 @!p4 $0x0;
	(pc) =	sbr.rel @p2 .LBB2_12-.Ltmp9, $4  }
0x227: {  	s31 =	smul.u32 $0x6C0, s24  }
0x228: {  	s26 =	spop (v2sf)  }
0x229: {  	s0 =	sshrl.u32 s31, $0x2;
	s29 =	spop (v2sf)  }
0x22a: {  	s22 =	sadd.s32 $0x3D98, s0;
	s21 =	spop (v2sf)  }
0x22b: {  	s0 =	smin.u32 s25, $0x10  }
0x22c: {  	v1 =	vmov s0  }
0x22d: {  	p3 =	sgt.s32 s25, $0x10;
	vm1 =	vgt.u32 v1, v0  }
.Ltmp10:
0x22e: {  	_ = 	snop;
	(pc) =	sbr.rel @!p3 .LBB2_11-.Ltmp10, $2  }
0x22f: {  	_ =	sdelay $0x2  }
0x230: {  	s23 =	simm.s32 $0x10;
	s28 =	sadd.s32 $0xFFFFFFF0, s25;
	s0 =	smov.u32 s22;
	vm0 =	vmmov vm1  }
.LBB2_10:
0x231: {  	s1 =	smin.u32 s28, $0x10;
	s23 =	sadd.s32 $0x10, s23;
	v1 =	vld.msk [tilespmem:s0+$0x0 ss:$0x1], vm1  }
0x232: {  	v2 =	vmov s1;
	p3 =	slt.s32 s23, s25  }
0x233: {  	vm1 =	vgt.u32 v2, v0  }
.Ltmp11:
0x234: {  	(pc) =	sbr.rel @p3 .LBB2_10-.Ltmp11, $3  }
0x235: {  	_ =	sdelay $0x1  }
0x236: {  	v1 =	vshll.u32 v1, $0x4  }
0x237: {  	s28 =	sadd.s32 $0xFFFFFFF0, s28;
	[tilespmem:s0+$0x0] =	vst.msk vm0, v1;
	s0 =	sadd.s32 $0x10, s0;
	vm0 =	vmmov vm1  }
.LBB2_11:
0x238: {  	_ =	sdelay $0x4  }
0x239: {  	v1 =	vld.msk [tilespmem:s0+$0x0 ss:$0x1], vm1;
	_ =	sdelay $0x4  }
0x23a: {  	v1 =	vshll.u32 v1, $0x4  }
0x23b: {  	[tilespmem:s0+$0x0] =	vst.msk vm0, v1  }
.LBB2_12:
0x23c: {  	s0 =	sand.u32 $0x1, s20  }
0x23d: {  	s1 =	smul.u32 $0x1B0, s0  }
0x23e: {  	p3 =	sne.s32 s29, $0xFFFFFFFF  }
0x23f: {  	v1 =	vld.msk @!p3 [tilespmem:s1+$0x3D98], $0x1;
	_ =	sdelay $0x4  }
0x240: {  	(v2sf) =	vpush @!p3 v1, $0x0;
	_ =	sdelay $0x9  }
0x241: {  	s0 =	smul.u32 $0xD800, s0;
	_ =	sdelay $0x1  }
0x242: {  	v1 =	vld @!p3 [tilespmem:s0+$0x40F8]  }
.Ltmp12:
0x243: {  	_ = 	snop;
	(pc) =	sbr.rel @p2 .LBB2_18-.Ltmp12, $4  }
0x244: {  	_ = 	snop  }
0x245: {  	s28 =	spop @!p3 (v2sf)  }
0x246: {  	s21 =	simm.s32 @!p3 $0x0;
	s23 =	smov.u32 s28  }
0x247: {  	[tilespmem:$0x28] =	vst @!p3 v1;
	[sflag:s17] =	ssyncpa.u1 $0x0;
	s28 =	smov.u32 @p3 s26;
	s23 =	smov.u32 @p3 s29  }
0x248: {  	v1 =	vld.msk [tilespmem:s22+$0x0], $0x1;
	_ =	sdelay $0x4  }
0x249: {  	(v2sf) =	vpush v1, $0x0;
	_ =	sdelay $0xe  }
0x24a: {  	s0 =	simm.s32 @!p4 $0x0;
	s26 =	smul.u32 $0x36000, s24;
	s31 =	spop (v2sf)  }
0x24b: {  	s29 =	ssub.s32 $0x0, s25;
	s0 =	simm.s32 @p4 $0x1;
	p2 =	seq.s32 s28, s31  }
0x24c: {  	s1 =	smov.u32 s28;
	[smem:$0x7FD] =	sst s0;
	p3 =	sgt.s32 @!p2 s28, $0x0  }
0x24d: {  	s0 =	sshrl.u32 s26, $0x2;
	s26 =	sadd.s32 $0x1, s29;
	p3 =	por !p3, p2  }
0x24e: {  	s1 =	simm.s32 @p3 $0x0;
	p3 =	seq.s32 s26, $0x0  }
.Ltmp13:
0x24f: {  	_ = 	snop;
	(pc) =	sbr.rel @p3 .LBB2_15-.Ltmp13, $4  }
0x250: {  	s25 =	simm.s32 $0x0  }
0x251: {  	s24 =	sadd.s32 $0x40F8, s0;
	s0 =	simm.s32 @!p2 $0x1;
	s2 =	smin.u32 @!p2 s1, $0x1869FE  }
0x252: {  	s30 =	sadd.s32 $0x1, s22;
	s0 =	smov.u32 @p2 s25;
	s5 =	sand.u32 @!p2 $0x1FFFF8, s2  }
0x253: {  	s1 =	simm.s32 @!p2 $0x1B38;
	s2 =	sand.u32 @!p2 $0x7, s2;
	s5 =	sadd.s32 @!p2 s3, s5  }
.LBB2_14:
0x254: {  	s4 =	smov.u32 s0  }
0x255: {  	[tilespmem:s1], [sflag:$0x2] =	stream.linear.gather @!p2 [hbm4b:s5+s2], $0x10, $0x38;
	[tilespmem:$0x1F0F8] =	vst v63  }
0x256: {  	s26 =	sadd.s32 $0x1, s26;
	s2 =	smov.u32 s31;
	v1 =	vld.msk [tilespmem:s30+$0x0], $0x1  }
0x257: {  	p3 =	seq.s32 s26, $0x0;
	_ =	sdelay $0x3  }
0x258: {  	(v2sf) =	vpush v1, $0x0;
	_ =	sdelay $0xe  }
0x259: {  	s31 =	spop (v2sf)  }
0x25a: {  	p2 =	seq.s32 s2, s31  }
0x25b: {  	p4 =	sgt.s32 @!p2 s2, $0x0;
	s1 =	sshll.u32 @!p2 s0, $0x6;
	s0 =	sadd.s32 @!p2 $0x1, s0  }
.Ltmp14:
0x25c: {  	p4 =	por !p4, p2;
	s1 =	sshra.s32 @!p2 s1, $0x2;
	(pc) =	sbr.rel @!p3 .LBB2_14-.Ltmp14, $4  }
0x25d: {  	s0 =	smov.u32 @p2 s4;
	s2 =	simm.s32 @p4 $0x0;
	s1 =	sadd.s32 @!p2 $0x1B38, s1  }
0x25e: {  	s2 =	smin.u32 @!p2 s2, $0x1869FE  }
0x25f: {  	s4 =	sand.u32 @!p2 $0x1FFFF8, s2;
	s2 =	sand.u32 @!p2 $0x7, s2  }
0x260: {  	s30 =	sadd.s32 $0x1, s30;
	s5 =	sadd.s32 @!p2 s3, s4  }
.LBB2_15:
0x261: {  	[tilespmem:s1], [sflag:$0x2] =	stream.linear.gather @!p2 [hbm4b:s5+s2], $0x10, $0x38;
	[tilespmem:$0x1F0F8] =	vst v63  }
0x262: {  	s0 =	sshll.u32 s0, $0x4  }
0x263: {  	s31 =	simm.s32 $0x2;
	s0 =	sand.u32 $0x3FFFFFF0, s0  }
0x264: {  	_ =	swait.ge [sflag:s31], s0  }
0x265: {  	s0 =	ssub.s32 $0x0, s0;
	[sflag:s31] =	ssyncset.done $0x0  }
0x266: {  	[sflag:s31] =	ssyncadd.s32 s0  }
0x267: {  	v1 =	vld.msk [tilespmem:s22+$0x0], $0x1;
	_ =	sdelay $0x4  }
0x268: {  	(v2sf) =	vpush v1, $0x0;
	_ =	sdelay $0xe  }
0x269: {  	s26 =	spop (v2sf)  }
0x26a: {  	p2 =	sne.s32 s28, s26  }
0x26b: {  	p4 =	sne.s32 @p2 s28, s23  }
0x26c: {  	p3 =	por !p4, !p2  }
0x26d: {  	s0 =	sshll.u32 @!p3 s21, $0x6;
	s1 =	simm.s32 @!p3 $0x0  }
0x26e: {  	s0 =	sshra.s32 @!p3 s0, $0x2;
	v1 =	vld @!p3 [tilespmem:s1+$0x1B38]  }
0x26f: {  	v2 =	vld @!p3 [tilespmem:s0+$0x28];
	_ =	sdelay $0x1  }
0x270: {  	p5 =	sgt.u32 @!p3 s28, $0x1869FE  }
0x271: {  	p6 =	por @p2 p5, !p4  }
0x272: {  	p1 =	por p6, !p2;
	p6 =	por p4, !p2  }
0x273: {  	s2 =	sadd.s32 @!p3 $0x28, s0;
	s1 =	sand.u32 @!p1 $0x1FFFF8, s28;
	s4 =	sshll.u32 @!p6 s21, $0x6;
	v1 =	vmax.f32 @!p3 v1, v2  }
0x274: {  	s28 =	sand.u32 @!p1 $0x7, s28;
	s1 =	sadd.s32 @!p1 s3, s1;
	[tilespmem:s0+$0x28] =	vst @!p3 v1;
	s0 =	sshra.s32 @!p6 s4, $0x2  }
0x275: {  	[hbm4b:s1+s28] =	stream.linear.scatter @!p1 [tilespmem:s2], [sflag:$0xC], $0x10, $0x38;
	[tilespmem:$0x1F0F8] =	vst v63  }
0x276: {  	s5 =	rddreg [dreg:$0x5];
	s0 =	sadd.s32 @!p6 $0x28, s0;
	s1 =	simm.s32 @!p6 $0x1  }
0x277: {  	[spmem:s5] =	stream.linear.scatter @!p6 [tilespmem:s0], [sflag:$0x1], $0x10, $0x38;
	[tilespmem:$0x1F0F8] =	vst v63  }
0x278: {  	s0 =	sadd.s32 @p2 $0x1, s21;
	_ =	swait.ge @!p6 [sflag:s1], $0x10  }
0x279: {  	s2 =	sshrl.u32 @p2 s0, $0x4;
	[sflag:s1] =	ssyncset.done @!p6 $0x0  }
0x27a: {  	s2 =	smulhi.u32 @p2 $0x97B425F, s2;
	[sflag:s1] =	ssyncadd.s32 @!p6 $0xFFFFFFF0  }
0x27b: {  	v1 =	vld @p2 [tilespmem:s24+$0x0]  }
0x27c: {  	s28 =	sadd.s32 $0x1, s29;
	p1 =	por @p2 !p5, !p4;
	s1 =	smul.u32 @p2 $0x1B0, s2  }
0x27d: {  	p1 =	por !p1, !p2;
	p6 =	seq.s32 s28, $0x0  }
.Ltmp15:
0x27e: {  	s2 =	simm.s32 @!p3 $0x0;
	s1 =	ssub.s32 @p2 s0, s1;
	(pc) =	sbr.rel @p6 .LBB2_17-.Ltmp15, $4  }
0x27f: {  	s2 =	simm.s32 @!p1 $0x40;
	s4 =	sshll.u32 @p2 s1, $0x4  }
0x280: {  	s29 =	simm.s32 $0x0;
	s0 =	sshll.u32 @!p2 s21, $0x6;
	s2 =	sadd.s32 @!p3 $0x0, s2;
	[tilespmem:s4+$0x28] =	vst @p2 v1  }
0x281: {  	s5 =	simm.s32 @p2 $0x1;
	s2 =	smov.u32 @p3 s25;
	s0 =	sshra.s32 @!p2 s0, $0x2;
	v1 =	vld @!p2 [tilespmem:s24+$0x0]  }
0x282: {  	s29 =	smov.u32 @p2 s5;
	s21 =	smov.u32 @p2 s1;
	s25 =	smov.u32 @p2 s2;
	v2 =	vld @!p2 [tilespmem:s0+$0x28]  }
.LBB2_16:
0x283: {  	_ =	sdelay $0x3  }
0x284: {  	v1 =	vmax.f32 @!p2 v1, v2  }
0x285: {  	s22 =	sadd.s32 $0x1, s22;
	[tilespmem:s0+$0x28] =	vst @!p2 v1  }
0x286: {  	v1 =	vld.msk [tilespmem:s22+$0x0], $0x1;
	_ =	sdelay $0x4  }
0x287: {  	(v2sf) =	vpush v1, $0x0;
	_ =	sdelay $0xe  }
0x288: {  	s30 =	smov.u32 s26;
	s26 =	spop (v2sf)  }
0x289: {  	p2 =	sne.s32 s30, s26  }
0x28a: {  	p5 =	sne.s32 @p2 s30, s23  }
0x28b: {  	s0 =	sadd.s32 @p2 $0x1, s21;
	p4 =	por !p5, !p2  }
0x28c: {  	s31 =	sshll.u32 @!p2 s21, $0x6;
	s2 =	sadd.s32 @p2 $0x1, s29;
	s4 =	sshll.u32 @!p4 s29, $0x6  }
0x28d: {  	s1 =	sshrl.u32 @p2 s0, $0x4;
	s5 =	sshll.u32 @!p4 s21, $0x6;
	s4 =	sshra.s32 @!p4 s4, $0x2  }
0x28e: {  	p1 =	sgt.u32 @!p4 s30, $0x1869FE;
	s1 =	smulhi.u32 @p2 $0x97B425F, s1;
	s5 =	sshra.s32 @!p4 s5, $0x2;
	v1 =	vld @!p4 [tilespmem:s4+$0x1B38]  }
0x28f: {  	s8 =	simm.s32 @!p4 $0x0;
	s29 =	smov.u32 @p2 s2;
	p6 =	por @p2 p1, !p5;
	v2 =	vld @!p4 [tilespmem:s5+$0x28]  }
0x290: {  	p1 =	por @p2 !p1, !p5;
	p5 =	por p5, !p2;
	s4 =	sadd.s32 @!p4 $0x28, s5  }
0x291: {  	p6 =	por p6, !p2;
	p1 =	por !p1, !p2;
	s1 =	smul.u32 @p2 $0x1B0, s1  }
0x292: {  	s11 =	sshll.u32 @!p5 s21, $0x6;
	s10 =	sand.u32 @!p6 $0x1FFFF8, s30;
	s8 =	simm.s32 @!p1 $0x40  }
0x293: {  	s30 =	sand.u32 @!p6 $0x7, s30;
	s10 =	sadd.s32 @!p6 s3, s10;
	s2 =	sadd.s32 @!p4 s8, s25  }
0x294: {  	s8 =	rddreg [dreg:$0x5];
	s0 =	ssub.s32 @p2 s0, s1;
	s2 =	smov.u32 @p4 s25;
	v1 =	vmax.f32 @!p4 v1, v2  }
0x295: {  	s1 =	sshll.u32 @p2 s0, $0x4;
	s25 =	smov.u32 @p2 s2;
	s2 =	sshra.s32 @!p5 s11, $0x2;
	[tilespmem:s5+$0x28] =	vst @!p4 v1  }
0x296: {  	[hbm4b:s10+s30] =	stream.linear.scatter @!p6 [tilespmem:s4], [sflag:$0xC], $0x10, $0x38;
	[tilespmem:$0x1F0F8] =	vst v63  }
0x297: {  	s21 =	smov.u32 @p2 s0;
	s0 =	sadd.s32 @!p5 $0x28, s2;
	s2 =	simm.s32 @!p5 $0x1  }
0x298: {  	[spmem:s8] =	stream.linear.scatter @!p5 [tilespmem:s0], [sflag:$0x1], $0x10, $0x38;
	[tilespmem:$0x1F0F8] =	vst v63  }
0x299: {  	_ =	swait.ge @!p5 [sflag:s2], $0x10  }
0x29a: {  	[sflag:s2] =	ssyncset.done @!p5 $0x0  }
0x29b: {  	s24 =	sadd.s32 $0x80, s24;
	[sflag:s2] =	ssyncadd.s32 @!p5 $0xFFFFFFF0  }
0x29c: {  	v1 =	vld @p2 [tilespmem:s24+$0x0]  }
0x29d: {  	s28 =	sadd.s32 $0x1, s28  }
0x29e: {  	p3 =	seq.s32 s28, $0x0  }
.Ltmp16:
0x29f: {  	_ = 	snop;
	(pc) =	sbr.rel @!p3 .LBB2_16-.Ltmp16, $4  }
0x2a0: {  	_ = 	snop  }
0x2a1: {  	[tilespmem:s1+$0x28] =	vst @p2 v1  }
0x2a2: {  	s0 =	sshra.s32 @!p2 s31, $0x2;
	v1 =	vld @!p2 [tilespmem:s24+$0x0]  }
0x2a3: {  	v2 =	vld @!p2 [tilespmem:s0+$0x28]  }
.LBB2_17:
0x2a4: {  	_ = 	snop  }
.Ltmp17:
0x2a5: {  	_ = 	snop;
	(pc) =	sbr.rel .LBB2_19-.Ltmp17, $3  }
0x2a6: {  	s1 =	sld [smem:$0x7FD];
	_ =	sdelay $0x1  }
0x2a7: {  	v1 =	vmax.f32 @!p2 v1, v2  }
0x2a8: {  	s28 =	smov.u32 s26;
	p4 =	seq.s32 s1, $0x1;
	[tilespmem:s0+$0x28] =	vst @!p2 v1;
	s0 =	sshrl.u32 s25, $0x2  }
.LBB2_21:
0x2a9: {  	_ =	sfence.sel $0x180000  }
0x2aa: {  	s0 =	simm.s32 $0x9;
	[bflag:$0x0] =	sbarrier.arrive $0xFFFF  }
0x2ab: {  	s24 =	simm.s32 $0xA;
	[sflag:s0] =	ssyncpa.u1 $0x1  }
0x2ac: {  	s25 =	simm.s32 $0xB;
	[sflag:s24] =	ssyncpa.u1 $0x1  }
0x2ad: {  	s26 =	simm.s32 $0x2;
	[sflag:s25] =	ssyncpa.u1 $0x1  }
0x2ae: {  	[sflag:s26] =	ssyncpa.u1 $0x1  }
0x2af: {  	v0 =	vld [tilespmem:$0x3648];
	_ =	sdelay $0x4  }
0x2b0: {  	(v2sf) =	vpush v0, $0x0  }
0x2b1: {  	(v2sf) =	vpush v0, $0x1;
	_ =	sdelay $0x1  }
0x2b2: {  	(v2sf) =	vpush v0, $0x2;
	_ =	sdelay $0xb  }
0x2b3: {  	s0 =	spop (v2sf)  }
0x2b4: {  	s1 =	spop (v2sf)  }
0x2b5: {  	s2 =	smov.u32 s0;
	p0 =	sne.s32 s0, s1  }
0x2b6: {  	s4 =	spop (v2sf);
	s2 =	simm.s32 @!p0 $0xFFFFFFFF  }
0x2b7: {  	v2 =	vimm.s32 $0x1;
	v3 =	vlaneseq.u32;
	p0 =	seq.s32 s4, $0xFFFFFFFF;
	v1 =	vmov s2  }
0x2b8: {  	s16 =	stileid.u32;
	v0 =	vperm.xlane v0, v2;
	p1 =	sne.s32 @!p0 s0, s1;
	v1 =	vperm.xlane v1, v3  }
0x2b9: {  	vm0 =	vcmask $0x3F04;
	s6 =	simm.s32 $0x3648;
	s0 =	simm.s32 @!p0 $0x1;
	p1 =	por !p1, p0  }
0x2ba: {  	s2 =	sshll.u32 s16, $0x1;
	s1 =	sshll.u32 @!p0 s4, $0x6;
	s0 =	simm.s32 @p1 $0x0;
	v0 =	vsel vm0, v1, v0  }
0x2bb: {  	s5 =	sor.u32 $0x200, s2;
	s1 =	sshra.s32 @!p0 s1, $0x2;
	s0 =	sor.u32 @!p0 s0, s2;
	[tilespmem:$0x3648] =	vst v0  }
0x2bc: {  	[spmem:s5] =	stream.linear.scatter [tilespmem:s6], [sflag:$0x1], $0x2, $0x38;
	[tilespmem:$0x1F0F8] =	vst v63  }
0x2bd: {  	s1 =	sadd.s32 @!p0 $0x28, s1;
	s0 =	sshll.u32 @!p0 s0, $0x4  }
0x2be: {  	[spmem:s0] =	stream.linear.scatter @!p0 [tilespmem:s1], [sflag:$0x1], $0x10, $0x38;
	[tilespmem:$0x1F0F8] =	vst v63  }
0x2bf: {  	s0 =	simm.s32 @!p0 $0x12  }
0x2c0: {  	s28 =	simm.s32 $0x1;
	s0 =	simm.s32 @p0 $0x2  }
0x2c1: {  	_ =	swait.ge [sflag:s28], s0  }
0x2c2: {  	s0 =	ssub.s32 $0x0, s0;
	[sflag:s28] =	ssyncset.done $0x0  }
0x2c3: {  	p0 =	sne.s32 s16, $0x0;
	[sflag:s28] =	ssyncadd.s32 s0  }
.Ltmp18:
0x2c4: {  	_ =	sfence.stream.spmem;
	(pc) =	sbr.rel @p0 .LBB2_38-.Ltmp18, $4  }
0x2c5: {  	s29 =	simm.s32 $0x3;
	[bflag:$0x0] =	sbarrier.arrive $0xFFFF  }
0x2c6: {  	s30 =	simm.s32 $0x4;
	[sflag:s29] =	ssyncpa.u1 $0x1  }
0x2c7: {  	s31 =	simm.s32 $0x3C;
	[sflag:s30] =	ssyncpa.u1 $0x1  }
0x2c8: {  	s17 =	rddreg [dreg:$0x6];
	[sflag:s31] =	ssyncpa.u1 $0x1  }
0x2c9: {  	_ =	sfence.stream.spmem;
	s0 =	simm.s32 $0x5  }
0x2ca: {  	s1 =	simm.s32 $0x200;
	s2 =	simm.s32 $0x3658;
	[sflag:s0] =	ssyncpa.u1 $0x0  }
0x2cb: {  	[tilespmem:s2], [sflag:$0x5] =	stream.linear.gather [spmem:s1], $0x20, $0x38;
	[tilespmem:$0x1F0F8] =	vst v63  }
0x2cc: {  	s26 =	simm.s32 $0x0;
	s28 =	simm.s32 $0x3678  }
0x2cd: {  	[tilespmem:s28], [sflag:$0x5] =	stream.linear.gather [spmem:s26], $0x200, $0x38;
	[tilespmem:$0x1F0F8] =	vst v63  }
0x2ce: {  	_ =	swait.ge [sflag:s0], $0x220  }
0x2cf: {  	[sflag:s0] =	ssyncset.done $0x0  }
0x2d0: {  	s29 =	simm.s32 $0x0;
	[sflag:s0] =	ssyncadd.s32 $0xFFFFFDE0  }
0x2d1: {  	v0 =	vld.msk [tilespmem:s29+$0x3658], $0x1;
	_ =	sdelay $0x1  }
0x2d2: {  	s30 =	simm.s32 $0x1  }
0x2d3: {  	v1 =	vld.msk [tilespmem:s30+$0x3658], $0x1;
	_ =	sdelay $0x1  }
0x2d4: {  	(v2sf) =	vpush v0, $0x0;
	_ =	sdelay $0x2  }
0x2d5: {  	(v2sf) =	vpush v1, $0x0;
	_ =	sdelay $0x2  }
0x2d6: {  	s31 =	simm.s32 $0x2  }
0x2d7: {  	v0 =	vld.msk [tilespmem:s31+$0x3658], $0x1;
	_ =	sdelay $0x2  }
0x2d8: {  	s6 =	simm.s32 $0xFFFFFFFF;
	s1 =	simm.s32 $0xFFFFFFFF;
	s0 =	simm.s32 $0xC  }
.LBB2_23:
0x2d9: {  	s2 =	smov.u32 s6;
	s4 =	smov.u32 s1  }
0x2da: {  	s1 =	sshra.s32 s0, $0x2;
	p1 =	sne.s32 s0, $0x7C;
	s0 =	sadd.s32 $0x4, s0;
	(v2sf) =	vpush v0, $0x0  }
0x2db: {  	v0 =	vld.msk [tilespmem:s1+$0x3658], $0x1  }
.Ltmp19:
0x2dc: {  	(pc) =	sbr.rel @p1 .LBB2_23-.Ltmp19, $4  }
0x2dd: {  	s6 =	spop (v2sf)  }
0x2de: {  	p2 =	sne.s32 s4, $0xFFFFFFFF;
	s1 =	smov.u32 s6  }
0x2df: {  	p3 =	seq.s32 s6, $0xFFFFFFFF;
	s1 =	smov.u32 @p2 s4  }
0x2e0: {  	s6 =	smov.u32 @p3 s2;
	s1 =	smov.u32 @p3 s4  }
0x2e1: {  	(v2sf) =	vpush v0, $0x0;
	_ =	sdelay $0x8  }
0x2e2: {  	s0 =	spop (v2sf)  }
0x2e3: {  	p1 =	sne.s32 s1, $0xFFFFFFFF;
	s2 =	smov.u32 s0  }
0x2e4: {  	s9 =	simm.s32 $0x6;
	p2 =	seq.s32 s0, $0xFFFFFFFF;
	s2 =	smov.u32 @p1 s1  }
0x2e5: {  	s10 =	simm.s32 $0x3638;
	s2 =	smov.u32 @p2 s1;
	s1 =	spop (v2sf)  }
0x2e6: {  	s0 =	smov.u32 @p2 s6;
	p1 =	sne.s32 s2, $0xFFFFFFFF;
	s4 =	smov.u32 s1  }
.Ltmp20:
0x2e7: {  	p2 =	seq.s32 s1, $0xFFFFFFFF;
	s4 =	smov.u32 @p1 s2;
	(pc) =	sbr.rel .LBB2_25-.Ltmp20, $4  }
0x2e8: {  	s11 =	simm.s32 $0x0;
	s4 =	smov.u32 @p2 s2;
	s7 =	spop (v2sf)  }
0x2e9: {  	[sflag:s9] =	ssyncpa.u1 $0x0;
	p1 =	sne.s32 s4, $0xFFFFFFFF;
	s8 =	smov.u32 s7  }
0x2ea: {  	s1 =	smov.u32 @p2 s0;
	p2 =	seq.s32 s7, $0xFFFFFFFF;
	s8 =	smov.u32 @p1 s4  }
0x2eb: {  	s6 =	simm.s32 $0x0;
	s7 =	smov.u32 @p2 s1;
	s8 =	smov.u32 @p2 s4  }
.LBB2_30:
0x2ec: {  	p1 =	sgt.u32 s12, $0x1869FE  }
0x2ed: {  	p2 =	seq.s32 @!p1 s12, s8  }
0x2ee: {  	p1 =	por p1, p2  }
0x2ef: {  	p2 =	sne.s32 @!p1 s12, s7  }
0x2f0: {  	p1 =	por p1, !p2  }
0x2f1: {  	s0 =	sshll.u32 @p1 s11, $0x6  }
0x2f2: {  	s0 =	sand.u32 @!p1 $0x1FFFF8, s12  }
0x2f3: {  	s1 =	sand.u32 @!p1 $0x7, s12;
	s0 =	sadd.s32 @!p1 s3, s0  }
0x2f4: {  	[tilespmem:s10], [sflag:$0x6] =	stream.linear.gather @!p1 [hbm4b:s0+s1], $0x10, $0x38;
	[tilespmem:$0x1F0F8] =	vst v63  }
0x2f5: {  	_ =	swait.ge @!p1 [sflag:s9], $0x10  }
0x2f6: {  	[sflag:s9] =	ssyncset.done @!p1 $0x0  }
0x2f7: {  	s0 =	sshll.u32 @!p1 s11, $0x6;
	[sflag:s9] =	ssyncadd.s32 @!p1 $0xFFFFFFF0  }
0x2f8: {  	s1 =	sshrl.u32 @!p1 s0, $0x2;
	v1 =	vld @!p1 [tilespmem:$0x3638]  }
0x2f9: {  	v2 =	vld @!p1 [tilespmem:s1+$0x3678];
	_ =	sdelay $0x4  }
0x2fa: {  	v1 =	vmax.f32 @!p1 v1, v2  }
0x2fb: {  	[tilespmem:s1+$0x3678] =	vst @!p1 v1  }
0x2fc: {  	s0 =	sshrl.u32 s0, $0x2;
	[tilespmem:s6+$0x3658] =	vst.msk $0x1, v0  }
0x2fd: {  	v0 =	vld [tilespmem:s0+$0x3678];
	_ =	sdelay $0x2  }
0x2fe: {  	s31 =	sshll.u32 s6, $0x6  }
0x2ff: {  	s0 =	sshra.s32 s31, $0x2  }
0x300: {  	s6 =	sadd.s32 $0x1, s6;
	[tilespmem:s0+$0x3678] =	vst v0  }
.LBB2_32:
0x301: {  	s11 =	sadd.s32 $0x1, s11  }
0x302: {  	p1 =	sne.s32 s11, $0x20  }
.Ltmp21:
0x303: {  	_ = 	snop;
	(pc) =	sbr.rel @!p1 .LBB2_33-.Ltmp21, $1  }
0x304: {  	_ =	sdelay $0x3  }
.LBB2_25:
0x305: {  	v0 =	vld.msk [tilespmem:s11+$0x3658], $0x1;
	_ =	sdelay $0x4  }
0x306: {  	(v2sf) =	vpush v0, $0x0;
	_ =	sdelay $0xe  }
0x307: {  	s12 =	spop (v2sf)  }
0x308: {  	p1 =	seq.s32 s12, $0xFFFFFFFF  }
.Ltmp22:
0x309: {  	_ = 	snop;
	(pc) =	sbr.rel @p1 .LBB2_32-.Ltmp22, $1  }
0x30a: {  	_ =	sdelay $0x3  }
0x30b: {  	p1 =	slt.s32 s6, $0x1  }
.Ltmp23:
0x30c: {  	_ = 	snop;
	(pc) =	sbr.rel @p1 .LBB2_30-.Ltmp23, $1  }
0x30d: {  	_ =	sdelay $0x3  }
0x30e: {  	s13 =	simm.s32 $0x3658;
	p1 =	por $0x0, $0x0  }
0x30f: {  	v1 =	vld.msk @!p1 [tilespmem:s13+$0x0], $0x1;
	_ =	sdelay $0x4  }
0x310: {  	(v2sf) =	vpush @!p1 v1, $0x0;
	_ =	sdelay $0xd  }
0x311: {  	p3 =	sne.s32 s6, $0x1  }
.Ltmp24:
0x312: {  	s0 =	spop @!p1 (v2sf);
	(pc) =	sbr.rel @!p3 .LBB2_29-.Ltmp24, $4  }
0x313: {  	p2 =	seq.s32 @!p1 s12, s0  }
0x314: {  	s14 =	simm.s32 $0x0;
	p2 =	por !p2, p1  }
0x315: {  	s0 =	simm.s32 $0xFFFFFFFF;
	s14 =	simm.s32 @p2 $0xFFFFFFFF  }
0x316: {  	s15 =	simm.s32 $0x1;
	s14 =	smov.u32 @p1 s0  }
.LBB2_28:
0x317: {  	s0 =	smov.u32 s14;
	p1 =	sne.s32 s14, $0xFFFFFFFF  }
0x318: {  	s13 =	sadd.s32 $0x1, s13;
	s14 =	smov.u32 s15;
	s15 =	sadd.s32 $0x1, s15  }
0x319: {  	p2 =	sne.s32 s6, s15;
	v1 =	vld.msk @!p1 [tilespmem:s13+$0x0], $0x1;
	_ =	sdelay $0x4  }
0x31a: {  	(v2sf) =	vpush @!p1 v1, $0x0;
	_ =	sdelay $0xe  }
.Ltmp25:
0x31b: {  	s1 =	spop @!p1 (v2sf);
	(pc) =	sbr.rel @p2 .LBB2_28-.Ltmp25, $4  }
0x31c: {  	p3 =	seq.s32 @!p1 s12, s1  }
0x31d: {  	p3 =	por !p3, p1  }
0x31e: {  	s14 =	simm.s32 @p3 $0xFFFFFFFF  }
0x31f: {  	s14 =	smov.u32 @p1 s0  }
.LBB2_29:
0x320: {  	p1 =	sne.s32 s14, $0xFFFFFFFF  }
.Ltmp26:
0x321: {  	_ = 	snop;
	(pc) =	sbr.rel @!p1 .LBB2_30-.Ltmp26, $1  }
0x322: {  	_ =	sdelay $0x3  }
0x323: {  	s0 =	sshll.u32 s11, $0x4  }
0x324: {  	s1 =	sshll.u32 s14, $0x6;
	s0 =	sand.u32 $0x3FFFFFF0, s0  }
0x325: {  	s31 =	sshra.s32 s1, $0x2;
	v0 =	vld [tilespmem:s0+$0x3678]  }
0x326: {  	v1 =	vld [tilespmem:s31+$0x3678];
	_ =	sdelay $0x1  }
.Ltmp27:
0x327: {  	_ = 	snop;
	(pc) =	sbr.rel .LBB2_32-.Ltmp27, $3  }
0x328: {  	_ =	sdelay $0x1  }
0x329: {  	v0 =	vmax.f32 v0, v1  }
0x32a: {  	[tilespmem:s31+$0x3678] =	vst v0  }
.LBB2_33:
0x32b: {  	s0 =	simm.s32 $0x6;
	p1 =	seq.s32 s6, $0x0  }
0x32c: {  	[sflag:s0] =	ssyncpa.u1 $0x1;
	v0 =	vimm.s32 @p1 $0xFFFFFFFF  }
0x32d: {  	s9 =	sadd.s32 $0xFFFFFFFF, s6;
	[tilespmem:$0x3878] =	vst @p1 v0  }
0x32e: {  	v0 =	vld.msk @!p1 [tilespmem:s9+$0x3658], $0x1;
	_ =	sdelay $0x1  }
0x32f: {  	v1 =	vld.msk @!p1 [tilespmem:$0x3658], $0x1;
	_ =	sdelay $0x2  }
0x330: {  	p2 =	seq.s32 @!p1 s9, $0x0;
	v0 =	vbroadcast @!p1 v0, $0x0  }
0x331: {  	vm0 =	vmmov @!p1 $0x1;
	p2 =	por !p2, p1  }
0x332: {  	v1 =	vnsel @!p1 vm0, $0xFFFFFFFF, v1;
	vm0 =	vcmask @!p1 $0x308;
	v0 =	vpsel !p2, $0xFFFFFFFF, v0  }
0x333: {  	p2 =	sne.s32 @!p1 s8, s7;
	v0 =	vsel @!p1 vm0, v1, v0  }
0x334: {  	s0 =	simm.s32 @!p1 $0x3678;
	s1 =	simm.s32 @!p1 $0x0;
	p3 =	por !p2, p1;
	[tilespmem:$0x3878] =	vst @!p1 v0  }
0x335: {  	[spmem:s1] =	stream.linear.scatter @!p1 [tilespmem:s0], [sflag:$0x1], $0x10, $0x38;
	[tilespmem:$0x1F0F8] =	vst v63  }
0x336: {  	s0 =	sshll.u32 @!p3 s9, $0x6  }
0x337: {  	s0 =	sshra.s32 @!p3 s0, $0x2  }
0x338: {  	s1 =	simm.s32 @!p3 $0x10;
	s0 =	sadd.s32 @!p3 $0x3678, s0  }
0x339: {  	[spmem:s1] =	stream.linear.scatter @!p3 [tilespmem:s0], [sflag:$0x1], $0x10, $0x38;
	[tilespmem:$0x1F0F8] =	vst v63  }
0x33a: {  	s0 =	simm.s32 @!p3 $0x1  }
0x33b: {  	_ =	swait.ge @!p3 [sflag:s0], $0x20  }
0x33c: {  	p1 =	por p2, p1;
	[sflag:s0] =	ssyncset.done @!p3 $0x0  }
0x33d: {  	[sflag:s0] =	ssyncadd.s32 @!p3 $0xFFFFFFE0;
	s0 =	simm.s32 @!p1 $0x1  }
0x33e: {  	_ =	swait.ge @!p1 [sflag:s0], $0x10  }
0x33f: {  	s29 =	simm.s32 $0x3878;
	[sflag:s0] =	ssyncset.done @!p1 $0x0  }
0x340: {  	s30 =	simm.s32 $0x200;
	s31 =	simm.s32 $0x1;
	[sflag:s0] =	ssyncadd.s32 @!p1 $0xFFFFFFF0  }
0x341: {  	[spmem:s30] =	stream.linear.scatter [tilespmem:s29], [sflag:$0x1], $0x10, $0x38;
	[tilespmem:$0x1F0F8] =	vst v63  }
0x342: {  	_ =	swait.ge [sflag:s31], $0x10  }
0x343: {  	[sflag:s31] =	ssyncset.done $0x0  }
0x344: {  	p1 =	seq.s32 s17, $0x0;
	s8 =	rddreg [dreg:$0x2];
	[sflag:s31] =	ssyncadd.s32 $0xFFFFFFF0  }
0x345: {  	s1 =	sshll.u32 @p1 s8, $0xE;
	s7 =	rddreg [dreg:$0x3]  }
0x346: {  	s0 =	sadd.s32 @p1 $0x15C3C, s1;
	s1 =	sshll.u32 @p1 s7, $0x11  }
0x347: {  	_ =	sfence.stream.spmem;
	s0 =	sor.u32 @p1 s1, s0  }
0x348: {  	[sflag:s0] =	ssyncadd.remote.s32 @p1 $0x1;
	s0 =	simm.s32 @p1 $0x4  }
0x349: {  	s2 =	simm.s32 @!p1 $0x3C;
	s1 =	sand.u32 $0xFFFFFFFE, s8;
	_ =	swait.ge @p1 [sflag:s0], $0x6  }
0x34a: {  	s4 =	simm.s32 @!p1 $0x0;
	s1 =	sadd.s32 @!p1 $0x4, s1;
	[sflag:s0] =	ssyncset.done @p1 $0x0  }
0x34b: {  	s5 =	simm.s32 @!p1 $0x20;
	[sflag:s0] =	ssyncadd.s32 @p1 $0xFFFFFFFA;
	s0 =	sshll.u32 @!p1 s1, $0x1A  }
0x34c: {  	s1 =	sshll.u32 @!p1 s1, $0xD;
	s0 =	sor.u32 @!p1 s0, s7;
	_ =	swait.eq @!p1 [sflag:s2], $0x1  }
0x34d: {  	s1 =	sor.u32 @!p1 $0x1C04, s1;
	s2 =	simm.s32 @!p1 $0x1C03;
	s0 =	sor.u32 @!p1 $0x80004000, s0  }
0x34e: {  	[spmem:s5], [sflag:s1] =	dma.general @!p1 [spmem:s4], [sflag:s2], length:$0x4, [dreg:$0x0], stride_count:$0x0, ici_dest:s0, dma_misc:DstOpCode:WRITE  }
0x34f: {  	p2 =	slt.s32 s9, $0x2;
	s4 =	simm.s32 @!p1 $0x40;
	s5 =	simm.s32 @!p1 $0x42  }
0x350: {  	[spmem:s5], [sflag:s1] =	dma.general @!p1 [spmem:s4], [sflag:s2], length:$0x2, [dreg:$0x0], stride_count:$0x0, ici_dest:s0, dma_misc:DstOpCode:WRITE  }
.Ltmp28:
0x351: {  	s0 =	simm.s32 @!p1 $0x3;
	(pc) =	sbr.rel @p2 .LBB2_37-.Ltmp28, $4  }
0x352: {  	s1 =	sshll.u32 @!p1 s8, $0xE;
	_ =	swait.ge @!p1 [sflag:s0], $0x6  }
0x353: {  	s2 =	sshll.u32 @!p1 s7, $0x11;
	s1 =	sadd.s32 @!p1 $0x11C3C, s1;
	[sflag:s0] =	ssyncset.done @!p1 $0x0  }
0x354: {  	[sflag:s0] =	ssyncadd.s32 @!p1 $0xFFFFFFFA;
	s0 =	sor.u32 @!p1 s2, s1  }
0x355: {  	[sflag:s0] =	ssyncadd.remote.s32 @!p1 $0xFFFFFFFF;
	s0 =	simm.s32 $0x0  }
0x356: {  	s0 =	simm.s32 $0x3659  }
0x357: {  	v0 =	vld.msk [tilespmem:s0+$0x0], $0x1;
	_ =	sdelay $0x4  }
0x358: {  	(v2sf) =	vpush v0, $0x0;
	_ =	sdelay $0xd  }
0x359: {  	s2 =	sadd.s32 $0xFFFFFFFE, s6  }
0x35a: {  	s2 =	sadd.s32 $0xFFFFFFFF, s2;
	s0 =	spop (v2sf)  }
0x35b: {  	p2 =	sne.s32 s2, $0x0;
	p1 =	sgt.u32 s0, $0x1869FE  }
.Ltmp29:
0x35c: {  	s4 =	sand.u32 @!p1 $0x1FFFF8, s0;
	(pc) =	sbr.rel @!p2 .LBB2_36-.Ltmp29, $4  }
0x35d: {  	s1 =	simm.s32 $0x3688;
	s0 =	sand.u32 @!p1 $0x7, s0;
	s4 =	sadd.s32 @!p1 s3, s4  }
0x35e: {  	[hbm4b:s4+s0] =	stream.linear.scatter @!p1 [tilespmem:s1], [sflag:$0x5], $0x10, $0x38;
	[tilespmem:$0x1F0F8] =	vst v63  }
0x35f: {  	s0 =	simm.s32 $0x0  }
0x360: {  	s6 =	simm.s32 $0x0;
	s7 =	simm.s32 $0x365A;
	s0 =	simm.s32 @!p1 $0x40  }
.LBB2_35:
0x361: {  	v0 =	vld.msk [tilespmem:s7+$0x0], $0x1;
	s2 =	sadd.s32 $0xFFFFFFFF, s2;
	s6 =	sadd.s32 s6, s0  }
0x362: {  	p1 =	sne.s32 s2, $0x0;
	_ =	sdelay $0x3  }
0x363: {  	(v2sf) =	vpush v0, $0x0;
	_ =	sdelay $0xe  }
.Ltmp30:
0x364: {  	s4 =	spop (v2sf);
	(pc) =	sbr.rel @p1 .LBB2_35-.Ltmp30, $4  }
0x365: {  	s0 =	simm.s32 $0x0;
	p2 =	sgt.u32 s4, $0x1869FE  }
0x366: {  	s1 =	sadd.s32 $0x10, s1;
	s0 =	simm.s32 @!p2 $0x40;
	s5 =	sand.u32 @!p2 $0x1FFFF8, s4  }
0x367: {  	s7 =	sadd.s32 $0x1, s7;
	s4 =	sand.u32 @!p2 $0x7, s4;
	s5 =	sadd.s32 @!p2 s3, s5  }
0x368: {  	[hbm4b:s5+s4] =	stream.linear.scatter @!p2 [tilespmem:s1], [sflag:$0x5], $0x10, $0x38;
	[tilespmem:$0x1F0F8] =	vst v63  }
.LBB2_36:
0x369: {  	s0 =	sadd.s32 s6, s0  }
0x36a: {  	s0 =	sshrl.u32 s0, $0x2  }
.LBB2_37:
0x36b: {  	s1 =	simm.s32 $0x5  }
0x36c: {  	_ =	swait.ge [sflag:s1], s0  }
0x36d: {  	s31 =	ssub.s32 $0x0, s0;
	[sflag:s1] =	ssyncset.done $0x0  }
0x36e: {  	[sflag:s1] =	ssyncadd.s32 s31  }
0x36f: {  	[sflag:s1] =	ssyncpa.u1 $0x1  }
.LBB2_38:
0x370: {  	s0 =	sor.u32 s17, s16  }
0x371: {  	p1 =	sne.s32 s0, $0x0  }
.Ltmp31:
0x372: {  	_ = 	snop;
	(pc) =	sbr.rel @p1 .LBB2_53-.Ltmp31, $3  }
0x373: {  	_ =	sdelay $0x1  }
0x374: {  	[bflag:$0x0] =	sbarrier.arrive $0xFFFF  }
0x375: {  	_ =	sfence  }
0x376: {  	s0 =	simm.s32 $0x7  }
0x377: {  	s1 =	simm.s32 $0x200;
	s2 =	simm.s32 $0x3658;
	[sflag:s0] =	ssyncpa.u1 $0x0  }
0x378: {  	[tilespmem:s2], [sflag:$0x7] =	stream.linear.gather [spmem:s1], $0x20, $0x38;
	[tilespmem:$0x1F0F8] =	vst v63  }
0x379: {  	s30 =	simm.s32 $0x3678;
	s1 =	simm.s32 $0x0  }
0x37a: {  	[tilespmem:s30], [sflag:$0x7] =	stream.linear.gather [spmem:s1], $0x200, $0x38;
	[tilespmem:$0x1F0F8] =	vst v63  }
.Ltmp32:
0x37b: {  	_ = 	snop;
	(pc) =	sbr.rel .LBB2_40-.Ltmp32, $4  }
0x37c: {  	_ =	swait.ge [sflag:s0], $0x220  }
0x37d: {  	[sflag:s0] =	ssyncset.done $0x0  }
0x37e: {  	s31 =	simm.s32 $0x8;
	[sflag:s0] =	ssyncadd.s32 $0xFFFFFDE0  }
0x37f: {  	s2 =	simm.s32 $0x0;
	[sflag:s31] =	ssyncpa.u1 $0x0  }
.LBB2_45:
0x380: {  	p1 =	slt.u32 s4, $0x1869FF  }
0x381: {  	s0 =	sand.u32 @p1 $0x1FFFF8, s4  }
0x382: {  	s4 =	sand.u32 @p1 $0x7, s4;
	s5 =	simm.s32 @p1 $0x3638;
	s0 =	sadd.s32 @p1 s3, s0  }
0x383: {  	[tilespmem:s5], [sflag:$0x8] =	stream.linear.gather @p1 [hbm4b:s0+s4], $0x10, $0x38;
	[tilespmem:$0x1F0F8] =	vst v63  }
0x384: {  	s0 =	simm.s32 @p1 $0x8  }
0x385: {  	_ =	swait.ge @p1 [sflag:s0], $0x10  }
0x386: {  	[sflag:s0] =	ssyncset.done @p1 $0x0  }
0x387: {  	[sflag:s0] =	ssyncadd.s32 @p1 $0xFFFFFFF0;
	s0 =	sshll.u32 @p1 s2, $0x6  }
0x388: {  	v1 =	vld @p1 [tilespmem:$0x3638];
	s4 =	sshrl.u32 @p1 s0, $0x2  }
0x389: {  	v2 =	vld @p1 [tilespmem:s4+$0x3678];
	_ =	sdelay $0x4  }
0x38a: {  	s5 =	sshll.u32 @!p1 s2, $0x6;
	v1 =	vmax.f32 @p1 v1, v2  }
0x38b: {  	s5 =	smov.u32 @p1 s0;
	[tilespmem:s4+$0x3678] =	vst @p1 v1  }
0x38c: {  	s0 =	sshrl.u32 s5, $0x2;
	[tilespmem:s1+$0x3658] =	vst.msk $0x1, v0  }
0x38d: {  	v0 =	vld [tilespmem:s0+$0x3678];
	_ =	sdelay $0x2  }
0x38e: {  	s31 =	sshll.u32 s1, $0x6  }
0x38f: {  	s0 =	sshra.s32 s31, $0x2  }
0x390: {  	s1 =	sadd.s32 $0x1, s1;
	[tilespmem:s0+$0x3678] =	vst v0  }
.LBB2_47:
0x391: {  	s2 =	sadd.s32 $0x1, s2  }
0x392: {  	p1 =	sne.s32 s2, $0x20  }
.Ltmp33:
0x393: {  	_ = 	snop;
	(pc) =	sbr.rel @!p1 .LBB2_48-.Ltmp33, $1  }
0x394: {  	_ =	sdelay $0x3  }
.LBB2_40:
0x395: {  	v0 =	vld.msk [tilespmem:s2+$0x3658], $0x1;
	_ =	sdelay $0x4  }
0x396: {  	(v2sf) =	vpush v0, $0x0;
	_ =	sdelay $0xe  }
0x397: {  	s4 =	spop (v2sf)  }
0x398: {  	p1 =	seq.s32 s4, $0xFFFFFFFF  }
.Ltmp34:
0x399: {  	_ = 	snop;
	(pc) =	sbr.rel @p1 .LBB2_47-.Ltmp34, $1  }
0x39a: {  	_ =	sdelay $0x3  }
0x39b: {  	p1 =	slt.s32 s1, $0x1  }
.Ltmp35:
0x39c: {  	_ = 	snop;
	(pc) =	sbr.rel @p1 .LBB2_45-.Ltmp35, $1  }
0x39d: {  	_ =	sdelay $0x3  }
0x39e: {  	s5 =	simm.s32 $0x3658;
	p1 =	por $0x0, $0x0  }
0x39f: {  	v1 =	vld.msk @!p1 [tilespmem:s5+$0x0], $0x1;
	_ =	sdelay $0x4  }
0x3a0: {  	(v2sf) =	vpush @!p1 v1, $0x0;
	_ =	sdelay $0xd  }
0x3a1: {  	p3 =	sne.s32 s1, $0x1  }
.Ltmp36:
0x3a2: {  	s0 =	spop @!p1 (v2sf);
	(pc) =	sbr.rel @!p3 .LBB2_44-.Ltmp36, $4  }
0x3a3: {  	p2 =	seq.s32 @!p1 s4, s0  }
0x3a4: {  	s6 =	simm.s32 $0x0;
	p2 =	por !p2, p1  }
0x3a5: {  	s0 =	simm.s32 $0xFFFFFFFF;
	s6 =	simm.s32 @p2 $0xFFFFFFFF  }
0x3a6: {  	s7 =	simm.s32 $0x1;
	s6 =	smov.u32 @p1 s0  }
.LBB2_43:
0x3a7: {  	s0 =	smov.u32 s6;
	p1 =	sne.s32 s6, $0xFFFFFFFF  }
0x3a8: {  	s5 =	sadd.s32 $0x1, s5;
	s6 =	smov.u32 s7;
	s7 =	sadd.s32 $0x1, s7  }
0x3a9: {  	p2 =	sne.s32 s1, s7;
	v1 =	vld.msk @!p1 [tilespmem:s5+$0x0], $0x1;
	_ =	sdelay $0x4  }
0x3aa: {  	(v2sf) =	vpush @!p1 v1, $0x0;
	_ =	sdelay $0xe  }
.Ltmp37:
0x3ab: {  	s8 =	spop @!p1 (v2sf);
	(pc) =	sbr.rel @p2 .LBB2_43-.Ltmp37, $4  }
0x3ac: {  	p3 =	seq.s32 @!p1 s4, s8  }
0x3ad: {  	p3 =	por !p3, p1  }
0x3ae: {  	s6 =	simm.s32 @p3 $0xFFFFFFFF  }
0x3af: {  	s6 =	smov.u32 @p1 s0  }
.LBB2_44:
0x3b0: {  	p1 =	sne.s32 s6, $0xFFFFFFFF  }
.Ltmp38:
0x3b1: {  	_ = 	snop;
	(pc) =	sbr.rel @!p1 .LBB2_45-.Ltmp38, $1  }
0x3b2: {  	_ =	sdelay $0x3  }
0x3b3: {  	s0 =	sshll.u32 s2, $0x4  }
0x3b4: {  	s4 =	sshll.u32 s6, $0x6;
	s0 =	sand.u32 $0x3FFFFFF0, s0  }
0x3b5: {  	s31 =	sshra.s32 s4, $0x2;
	v0 =	vld [tilespmem:s0+$0x3678]  }
0x3b6: {  	v1 =	vld [tilespmem:s31+$0x3678];
	_ =	sdelay $0x1  }
.Ltmp39:
0x3b7: {  	_ = 	snop;
	(pc) =	sbr.rel .LBB2_47-.Ltmp39, $3  }
0x3b8: {  	_ =	sdelay $0x1  }
0x3b9: {  	v0 =	vmax.f32 v0, v1  }
0x3ba: {  	[tilespmem:s31+$0x3678] =	vst v0  }
.LBB2_48:
0x3bb: {  	p1 =	slt.s32 s1, $0x1  }
.Ltmp40:
0x3bc: {  	_ = 	snop;
	(pc) =	sbr.rel @p1 .LBB2_52-.Ltmp40, $3  }
0x3bd: {  	_ =	sdelay $0x1  }
0x3be: {  	s0 =	simm.s32 $0x8  }
0x3bf: {  	s2 =	simm.s32 $0x0;
	[sflag:s0] =	ssyncpa.u1 $0x1  }
0x3c0: {  	s0 =	simm.s32 $0x3658  }
0x3c1: {  	v0 =	vld.msk [tilespmem:s0+$0x0], $0x1;
	_ =	sdelay $0x4  }
0x3c2: {  	(v2sf) =	vpush v0, $0x0;
	_ =	sdelay $0xe  }
0x3c3: {  	s1 =	sadd.s32 $0xFFFFFFFF, s1;
	s0 =	spop (v2sf)  }
0x3c4: {  	p2 =	sne.s32 s1, $0x0;
	p1 =	sgt.u32 s0, $0x1869FE  }
.Ltmp41:
0x3c5: {  	s5 =	sand.u32 @!p1 $0x1FFFF8, s0;
	(pc) =	sbr.rel @!p2 .LBB2_51-.Ltmp41, $4  }
0x3c6: {  	s4 =	simm.s32 $0x3678;
	s0 =	sand.u32 @!p1 $0x7, s0;
	s5 =	sadd.s32 @!p1 s3, s5  }
0x3c7: {  	[hbm4b:s5+s0] =	stream.linear.scatter @!p1 [tilespmem:s4], [sflag:$0x7], $0x10, $0x38;
	[tilespmem:$0x1F0F8] =	vst v63  }
0x3c8: {  	s0 =	simm.s32 $0x0  }
0x3c9: {  	s5 =	simm.s32 $0x3659;
	s0 =	simm.s32 @!p1 $0x40  }
.LBB2_50:
0x3ca: {  	v0 =	vld.msk [tilespmem:s5+$0x0], $0x1;
	s1 =	sadd.s32 $0xFFFFFFFF, s1;
	s2 =	sadd.s32 s2, s0  }
0x3cb: {  	p1 =	sne.s32 s1, $0x0;
	_ =	sdelay $0x3  }
0x3cc: {  	(v2sf) =	vpush v0, $0x0;
	_ =	sdelay $0xe  }
.Ltmp42:
0x3cd: {  	s6 =	spop (v2sf);
	(pc) =	sbr.rel @p1 .LBB2_50-.Ltmp42, $4  }
0x3ce: {  	s0 =	simm.s32 $0x0;
	p2 =	sgt.u32 s6, $0x1869FE  }
0x3cf: {  	s4 =	sadd.s32 $0x10, s4;
	s0 =	simm.s32 @!p2 $0x40;
	s7 =	sand.u32 @!p2 $0x1FFFF8, s6  }
0x3d0: {  	s5 =	sadd.s32 $0x1, s5;
	s6 =	sand.u32 @!p2 $0x7, s6;
	s7 =	sadd.s32 @!p2 s3, s7  }
0x3d1: {  	[hbm4b:s7+s6] =	stream.linear.scatter @!p2 [tilespmem:s4], [sflag:$0x7], $0x10, $0x38;
	[tilespmem:$0x1F0F8] =	vst v63  }
.LBB2_51:
0x3d2: {  	s0 =	sadd.s32 s2, s0  }
0x3d3: {  	s2 =	sshrl.u32 s0, $0x2  }
.LBB2_52:
0x3d4: {  	s0 =	simm.s32 $0x7  }
0x3d5: {  	_ =	swait.ge [sflag:s0], s2  }
0x3d6: {  	s1 =	ssub.s32 $0x0, s2;
	[sflag:s0] =	ssyncset.done $0x0  }
0x3d7: {  	[sflag:s0] =	ssyncadd.s32 s1  }
0x3d8: {  	[sflag:s0] =	ssyncpa.u1 $0x1  }
.LBB2_53:
0x3d9: {  	_ =	sfence;
	s0 =	simm.s32 $0x1  }
0x3da: {  	[sflag:s0] =	ssyncpa.u1 $0x1  }
0x3db: {  	_ =	strace $0x9000004A  }
0x3dc: {  	[bflag:$0x2] =	sbarrier.arrive $0xFFFF  }
0x3dd: {  	s0 =	rddreg [dreg:$0x4]  }
0x3de: {  	s0 =	sadd.s32 @!p0 $0x100000, s0  }
0x3df: {  	[sflag:s0] =	ssyncadd.tile.s32 @!p0 $0x1;
	_ =	shalt  }
.Lfunc_end2:
_tile_overlayer_lowered:
.L_overlay_start_2:
0x3e0: {  	(tag) =	ssettag $0x2  }
0x3e1: {  	s0 =	rddreg [dreg:$0x0];
	s2 =	stileid.u32  }
0x3e2: {  	s1 =	rddreg [dreg:$0x1];
	p0 =	sne.s32 s2, $0x0  }
0x3e3: {  	s3 =	rddreg [dreg:$0x2];
	[bflag:$0x3] =	sbarrier.arrive $0xFFFF;
	s2 =	simm.s32 @!p0 $0x1C01  }
0x3e4: {  	[timem:s3], [sflag:s2] =	dma.local @!p0 [hbm:s0], s1  }
0x3e5: {  	s0 =	simm.s32 @!p0 $0x1  }
0x3e6: {  	_ =	swait.ge @!p0 [sflag:s0], s1  }
0x3e7: {  	s1 =	ssub.s32 @!p0 $0x0, s1;
	[sflag:s0] =	ssyncset.done @!p0 $0x0  }
0x3e8: {  	[sflag:s0] =	ssyncadd.s32 @!p0 s1  }
0x3e9: {  	[bflag:$0x3] =	sbarrier.arrive $0xFFFF  }
0x3ea: {  	_ =	shalt  }

// kernel: scatter_offload_async_start
scs
__scs_entry_jumppad:
0x0: {  	(pc) =	sbr.rel $0x88, $3  }
0x1: {  	(tag) =	ssettag $0x0;
	lr =	simm.s32 $0x1  }
0x2: {  	[smem:$0x3F92] =	sst lr;
	_ =	strace $0xD0000000  }
0x3: {  	_ = 	snop  }
0x4: {  	_ = 	snop  }
0x5: {  	_ = 	snop  }
0x6: {  	_ = 	snop  }
0x7: {  	_ = 	snop  }
__scs_overlays_trampoline_lowered:
0x8: {  	[smem:$0x3FA1] =	sst s0  }
0x9: {  	[smem:$0x3FA2] =	sst s1  }
0xa: {  	[smem:$0x3FA3] =	sst s2  }
0xb: {  	[smem:$0x3FA4] =	sst s3  }
0xc: {  	[smem:$0x3FA5] =	sst s4  }
0xd: {  	[smem:$0x3FA6] =	sst s5  }
0xe: {  	[smem:$0x3FA7] =	sst s6  }
0xf: {  	[smem:$0x3FA8] =	sst s7  }
0x10: {  	[smem:$0x3FA9] =	sst s8  }
0x11: {  	[smem:$0x3FAA] =	sst s9;
	s0 =	simm.s32 @!p0 $0x0  }
0x12: {  	s1 =	sld [smem:$0x3F90];
	s0 =	simm.s32 @p0 $0x1  }
0x13: {  	[smem:$0x3FAB] =	sst s0;
	s0 =	simm.s32 @!p1 $0x0  }
0x14: {  	s2 =	sld [smem:$0x3F8F];
	s0 =	simm.s32 @p1 $0x1  }
0x15: {  	[smem:$0x3FAC] =	sst s0;
	s0 =	simm.s32 @!p2 $0x0  }
0x16: {  	s3 =	sld [smem:$0x3FDB];
	s0 =	simm.s32 @p2 $0x1  }
0x17: {  	s4 =	simm.s32 $0x1BF5;
	[smem:$0x3FAE] =	sst s0  }
0x18: {  	s0 =	sld [smem:$0x3F91];
	_ =	swait.ge [sflag:s4], $0x0  }
0x19: {  	s7 =	sld [smem:$0x3F92]  }
0x1a: {  	s8 =	sadd.s32 $0xFFFFE003, lr  }
0x1b: {  	s9 =	sadd.s32 $0xFFFFFEF7, lr;
	s5 =	simm.s32 $0xFFFFFFFF;
	p2 =	slt.u32 s8, $0xFFFFF086  }
0x1c: {  	p1 =	slt.u32 s9, $0xF7A;
	s5 =	simm.s32 @!p2 $0x0  }
0x1d: {  	s5 =	simm.s32 @p1 $0x1;
	p0 =	seq.s32 s7, s2  }
0x1e: {  	s7 =	smul.u32 @!p0 $0xF7A, s2;
	p2 =	seq.s32 @!p0 s5, $0x0  }
0x1f: {  	s9 =	smul.u32 $0xF7A, s1;
	s8 =	simm.s32 @!p0 $0x1BF5;
	p2 =	por !p2, p0  }
0x20: {  	[sflag:s8] =	ssyncset.s32 @!p0 $0xFFFFF086;
	s6 =	sadd.s32 @!p0 s3, s7;
	s7 =	simm.s32 @!p0 $0x108  }
0x21: {  	s3 =	sadd.s32 s3, s9;
	s6 =	sadd.s32 @!p0 $0x88, s6;
	s7 =	simm.s32 @p2 $0x1082  }
0x22: {  	[simem:s7], [sflag:s8] =	dma.local @!p0 [hbm:s6], $0xF7A  }
0x23: {  	s9 =	sor.u32 $0xD0000000, s2;
	s6 =	simm.s32 $0x108;
	_ =	swait.ge @!p0 [sflag:s8], $0x0  }
0x24: {  	s3 =	sadd.s32 $0x88, s3;
	s6 =	simm.s32 @!p1 $0x1082;
	[sflag:s4] =	ssyncset.s32 $0xFFFFF086  }
0x25: {  	[simem:s6], [sflag:s4] =	dma.local [hbm:s3], $0xF7A  }
0x26: {  	[smem:$0x3F92] =	sst s1;
	(tag) =	ssettag s2;
	_ =	strace s9  }
0x27: {  	s1 =	sld [smem:$0x3FA2]  }
0x28: {  	s2 =	sld [smem:$0x3FA3]  }
0x29: {  	s4 =	sld [smem:$0x3FA5]  }
0x2a: {  	p0 =	seq.s32 s5, $0x0;
	s5 =	sld [smem:$0x3FA6]  }
0x2b: {  	s6 =	sld [smem:$0x3FA7]  }
0x2c: {  	s7 =	sld [smem:$0x3FA8]  }
0x2d: {  	s3 =	simm.s32 $0x108;
	s8 =	sld [smem:$0x3FA9]  }
0x2e: {  	s3 =	simm.s32 @!p0 $0x1082;
	s9 =	sld [smem:$0x3FAA]  }
0x2f: {  	lr =	sadd.s32 s0, s3;
	s0 =	sld [smem:$0x3FA1]  }
0x30: {  	s3 =	sld [smem:$0x3FA4]  }
0x31: {  	[smem:$0x3FAD] =	sst s10  }
0x32: {  	s10 =	sld [smem:$0x3FAB];
	_ =	sdelay $0x3  }
0x33: {  	p0 =	seq.s32 s10, $0x1;
	s10 =	sld [smem:$0x3FAD];
	_ =	sdelay $0x3  }
0x34: {  	[smem:$0x3FAD] =	sst s10  }
0x35: {  	s10 =	sld [smem:$0x3FAC];
	_ =	sdelay $0x3  }
0x36: {  	p1 =	seq.s32 s10, $0x1;
	s10 =	sld [smem:$0x3FAD];
	_ =	sdelay $0x3  }
0x37: {  	[smem:$0x3FAD] =	sst s10  }
0x38: {  	s10 =	sld [smem:$0x3FAE]  }
0x39: {  	_ = 	snop;
	(pc) =	sbr.ind lr, $3  }
0x3a: {  	_ = 	snop  }
0x3b: {  	_ = 	snop  }
0x3c: {  	p2 =	seq.s32 s10, $0x1;
	s10 =	sld [smem:$0x3FAD]  }
0x3d: {  	_ =	shalt  }
0x3e: {  	_ =	shalt  }
0x3f: {  	_ =	shalt  }
0x40: {  	_ =	shalt  }
0x41: {  	_ =	shalt  }
0x42: {  	_ =	shalt  }
0x43: {  	_ =	shalt  }
0x44: {  	_ =	shalt  }
0x45: {  	_ =	shalt  }
0x46: {  	_ =	shalt  }
0x47: {  	_ =	shalt  }
0x48: {  	_ =	shalt  }
0x49: {  	_ =	shalt  }
0x4a: {  	_ =	shalt  }
0x4b: {  	_ =	shalt  }
0x4c: {  	_ =	shalt  }
0x4d: {  	_ =	shalt  }
0x4e: {  	_ =	shalt  }
0x4f: {  	_ =	shalt  }
0x50: {  	_ =	shalt  }
0x51: {  	_ =	shalt  }
0x52: {  	_ =	shalt  }
0x53: {  	_ =	shalt  }
0x54: {  	_ =	shalt  }
0x55: {  	_ =	shalt  }
0x56: {  	_ =	shalt  }
0x57: {  	_ =	shalt  }
0x58: {  	_ =	shalt  }
0x59: {  	_ =	shalt  }
0x5a: {  	_ =	shalt  }
0x5b: {  	_ =	shalt  }
0x5c: {  	_ =	shalt  }
0x5d: {  	_ =	shalt  }
0x5e: {  	_ =	shalt  }
0x5f: {  	_ =	shalt  }
0x60: {  	_ =	shalt  }
0x61: {  	_ =	shalt  }
0x62: {  	_ =	shalt  }
0x63: {  	_ =	shalt  }
0x64: {  	_ =	shalt  }
0x65: {  	_ =	shalt  }
0x66: {  	_ =	shalt  }
0x67: {  	_ =	shalt  }
0x68: {  	_ =	shalt  }
0x69: {  	_ =	shalt  }
0x6a: {  	_ =	shalt  }
0x6b: {  	_ =	shalt  }
0x6c: {  	_ =	shalt  }
0x6d: {  	_ =	shalt  }
0x6e: {  	_ =	shalt  }
0x6f: {  	_ =	shalt  }
0x70: {  	_ =	shalt  }
0x71: {  	_ =	shalt  }
0x72: {  	_ =	shalt  }
0x73: {  	_ =	shalt  }
0x74: {  	_ =	shalt  }
0x75: {  	_ =	shalt  }
0x76: {  	_ =	shalt  }
0x77: {  	_ =	shalt  }
0x78: {  	_ =	shalt  }
0x79: {  	_ =	shalt  }
0x7a: {  	_ =	shalt  }
0x7b: {  	_ =	shalt  }
0x7c: {  	_ =	shalt  }
0x7d: {  	_ =	shalt  }
0x7e: {  	_ =	shalt  }
0x7f: {  	_ =	shalt  }
0x80: {  	_ =	shalt  }
0x81: {  	_ =	shalt  }
0x82: {  	_ =	shalt  }
0x83: {  	_ =	shalt  }
0x84: {  	_ =	shalt  }
0x85: {  	_ =	shalt  }
0x86: {  	_ =	shalt  }
0x87: {  	_ =	shalt  }
.Lfunc_end0:
.L_simem_size_0:
called_computation_lowered:
.L_overlay_start_0:
0x88: {  	s2 =	sld [smem:$0x3FD9]  }
0x89: {  	s3 =	sld [smem:$0x3FFE];
	_ =	sdelay $0x1  }
0x8a: {  	s1 =	srdreg.scid  }
0x8b: {  	s0 =	sand.u32 $0x1, s1  }
0x8c: {  	s16 =	sshll.u32 s0, $0xA;
	s2 =	sadd.s32 s3, s2  }
0x8d: {  	s2 =	sadd.s32 s2, s16  }
0x8e: {  	[smem:$0x3FB9] =	sst s2  }
0x8f: {  	_ = 	snop  }
0x90: {  	s2 =	sld [smem:$0x3FD0];
	(tm) =	ssettm $0x1  }
0x91: {  	s17 =	sld [smem:$0x3FFB];
	_ =	sdelay $0x3  }
0x92: {  	_ =	strace s17  }
0x93: {  	s3 =	sld [smem:$0x3FFC];
	_ =	sdelay $0x3  }
0x94: {  	_ =	strace s3  }
0x95: {  	s3 =	sld [smem:$0x3FFD];
	_ =	sdelay $0x3  }
0x96: {  	_ =	strace s3  }
0x97: {  	_ =	strace $0x8FFFFFFF  }
0x98: {  	s18 =	sld [smem:$0x3FDB];
	_ =	sdelay $0x1  }
0x99: {  	s4 =	simm.s32 $_scs_section_size  }
0x9a: {  	s5 =	simm.s32 $_size__tile_overlayer_lowered;
	s6 =	simm.s32 $_tile_overlayer_lowered  }
0x9b: {  	s21 =	simm.s32 $0x1BFF;
	s20 =	sshll.u32 s6, $0x1;
	s3 =	sadd.s32 s4, s18  }
0x9c: {  	s7 =	simm.s32 $0x0;
	s19 =	sshll.u32 s5, $0x1;
	s5 =	sadd.s32 s20, s3  }
0x9d: {  	[timem:s7], [sflag:s21] =	dma.local [hbm:s5], s19  }
0x9e: {  	_ =	swait.ge [sflag:s21], s19  }
0x9f: {  	s4 =	ssub.s32 $0x0, s19;
	[sflag:s21] =	ssyncset.done $0x0  }
0xa0: {  	[sflag:s21] =	ssyncadd.s32 s4;
	_ =	sdelay $0x1  }
0xa1: {  	s22 =	simm.s32 $0x1B8B  }
0xa2: {  	_ =	swait.ge [sflag:s22], $0x1  }
0xa3: {  	[sflag:s22] =	ssyncset.done $0x0  }
0xa4: {  	s23 =	sld [smem:$0x3FFE];
	[sflag:s22] =	ssyncadd.s32 $0xFFFFFFFF  }
0xa5: {  	s25 =	simm.s32 $0x1B8E;
	s24 =	sld [smem:$0x0]  }
0xa6: {  	s26 =	simm.s32 $execute0_lowered;
	[smem:$0x3FD2] =	sst s25  }
0xa7: {  	s6 =	sshll.u32 s26, $0x1;
	_ =	strace $0x80000046;
	[dreg:$0x1] =	wrdreg $0xFFFFFFFF  }
0xa8: {  	s28 =	simm.s32 $_size_execute0_lowered;
	s3 =	sadd.s32 s3, s6;
	[dreg:$0x0] =	wrdreg $0x0  }
0xa9: {  	s6 =	sshll.u32 s28, $0x1;
	[dreg:$0x2] =	wrdreg s3  }
0xaa: {  	[dreg:$0x3] =	wrdreg s6  }
0xab: {  	[dreg:$0x4] =	wrdreg $0xC0  }
0xac: {  	_ =	task [dreg:s7], $0x5FFFF  }
0xad: {  	[dreg:$0x1] =	wrdreg $0xFFFFFFFF  }
0xae: {  	[dreg:$0x0] =	wrdreg $0x60  }
0xaf: {  	[dreg:$0x2] =	wrdreg s23  }
0xb0: {  	[dreg:$0x3] =	wrdreg s2  }
0xb1: {  	[dreg:$0x4] =	wrdreg s1  }
0xb2: {  	[dreg:$0x5] =	wrdreg s24  }
0xb3: {  	[dreg:$0x6] =	wrdreg $0x9  }
0xb4: {  	_ =	task.clear_ibuf [dreg:s7], $0x7FFFF;
	_ =	strace $0x90000046  }
0xb5: {  	s29 =	simm.s32 $0x9;
	_ =	strace $0x80000048  }
0xb6: {  	_ =	swait.ge [sflag:s29], $0x1  }
0xb7: {  	[sflag:s29] =	ssyncadd.s32 $0xFFFFFFFF  }
0xb8: {  	_ =	strace $0x90000048  }
0xb9: {  	_ =	sfence  }
0xba: {  	s30 =	sld [smem:$0x0];
	_ =	sdelay $0x2  }
0xbb: {  	s31 =	sshll.u32 s1, $0xD;
	s1 =	sshrl.u32 s1, $0x2  }
0xbc: {  	s3 =	sand.u32 $0x4000, s31;
	s1 =	sadd.s32 s1, s30  }
0xbd: {  	s0 =	sor.u32 s3, s0;
	s1 =	sshll.u32 s1, $0x11  }
0xbe: {  	s0 =	sor.u32 s1, s0  }
0xbf: {  	s0 =	sadd.s32 $0x8F2B, s0  }
0xc0: {  	[sflag:s0] =	ssyncadd.remote.s32 $0x1  }
0xc1: {  	_ =	sfence.sel $0xFFFF  }
0xc2: {  	[dreg:$0x0] =	wrdreg $0xFFFFFFFF;
	(pc) =	sbr.abs _section_cstart, $3  }
0xc3: {  	[dreg:$0x1] =	wrdreg $0xFFFFFFFF  }
0xc4: {  	_ =	task.clear_ibuf [dreg:s7], $0x2FFFF;
	_ =	strace $0x9FFFFFFF  }
0xc5: {  	(tm) =	ssettm $0x7FFFFFFF  }
tec
execute0_lowered:
.L_overlay_start_1:
0x0: {  	(tag) =	ssettag $0x1  }
0x1: {  	s5 =	rddreg [dreg:$0x0]  }
0x2: {  	s4 =	rddreg [dreg:$0x1]  }
0x3: {  	s2 =	rddreg [dreg:$0x2];
	_ =	strace $0x80000047;
	s3 =	simm.s32 $0x1  }
0x4: {  	v0 =	vimm.s32 $0x0;
	[sflag:s3] =	ssyncpa.u1 $0x0  }
0x5: {  	[tilespmem:$0xA8] =	vst v0  }
0x6: {  	[tilespmem:$0xB8] =	vst v0  }
0x7: {  	[tilespmem:$0xC8] =	vst v0  }
0x8: {  	[tilespmem:$0xD8] =	vst v0  }
0x9: {  	[tilespmem:$0xE8] =	vst v0  }
0xa: {  	[tilespmem:$0xF8] =	vst v0  }
0xb: {  	[tilespmem:$0x108] =	vst v0  }
0xc: {  	[tilespmem:$0x118] =	vst v0  }
0xd: {  	[tilespmem:$0x128] =	vst v0  }
0xe: {  	[tilespmem:$0x138] =	vst v0  }
0xf: {  	[tilespmem:$0x148] =	vst v0  }
0x10: {  	[tilespmem:$0x158] =	vst v0  }
0x11: {  	[tilespmem:$0x168] =	vst v0  }
0x12: {  	[tilespmem:$0x178] =	vst v0  }
0x13: {  	[tilespmem:$0x188] =	vst v0  }
0x14: {  	[tilespmem:$0x198] =	vst v0  }
0x15: {  	[tilespmem:$0x1A8] =	vst v0  }
0x16: {  	[tilespmem:$0x1B8] =	vst v0  }
0x17: {  	[tilespmem:$0x1C8] =	vst v0  }
0x18: {  	[tilespmem:$0x1D8] =	vst v0  }
0x19: {  	[tilespmem:$0x1E8] =	vst v0  }
0x1a: {  	[tilespmem:$0x1F8] =	vst v0  }
0x1b: {  	[tilespmem:$0x208] =	vst v0  }
0x1c: {  	[tilespmem:$0x218] =	vst v0  }
0x1d: {  	[tilespmem:$0x228] =	vst v0  }
0x1e: {  	[tilespmem:$0x238] =	vst v0  }
0x1f: {  	[tilespmem:$0x248] =	vst v0  }
0x20: {  	[tilespmem:$0x258] =	vst v0  }
0x21: {  	[tilespmem:$0x268] =	vst v0  }
0x22: {  	[tilespmem:$0x278] =	vst v0  }
0x23: {  	[tilespmem:$0x288] =	vst v0  }
0x24: {  	[tilespmem:$0x298] =	vst v0  }
0x25: {  	[tilespmem:$0x2A8] =	vst v0  }
0x26: {  	[tilespmem:$0x2B8] =	vst v0  }
0x27: {  	[tilespmem:$0x2C8] =	vst v0  }
0x28: {  	[tilespmem:$0x2D8] =	vst v0  }
0x29: {  	[tilespmem:$0x2E8] =	vst v0  }
0x2a: {  	[tilespmem:$0x2F8] =	vst v0  }
0x2b: {  	[tilespmem:$0x308] =	vst v0  }
0x2c: {  	[tilespmem:$0x318] =	vst v0  }
0x2d: {  	[tilespmem:$0x328] =	vst v0  }
0x2e: {  	[tilespmem:$0x338] =	vst v0  }
0x2f: {  	[tilespmem:$0x348] =	vst v0  }
0x30: {  	[tilespmem:$0x358] =	vst v0  }
0x31: {  	[tilespmem:$0x368] =	vst v0  }
0x32: {  	[tilespmem:$0x378] =	vst v0  }
0x33: {  	[tilespmem:$0x388] =	vst v0  }
0x34: {  	[tilespmem:$0x398] =	vst v0  }
0x35: {  	[tilespmem:$0x3A8] =	vst v0  }
0x36: {  	[tilespmem:$0x3B8] =	vst v0  }
0x37: {  	[tilespmem:$0x3C8] =	vst v0  }
0x38: {  	[tilespmem:$0x3D8] =	vst v0  }
0x39: {  	[tilespmem:$0x3E8] =	vst v0  }
0x3a: {  	[tilespmem:$0x3F8] =	vst v0  }
0x3b: {  	[tilespmem:$0x408] =	vst v0  }
0x3c: {  	[tilespmem:$0x418] =	vst v0  }
0x3d: {  	[tilespmem:$0x428] =	vst v0  }
0x3e: {  	[tilespmem:$0x438] =	vst v0  }
0x3f: {  	[tilespmem:$0x448] =	vst v0  }
0x40: {  	[tilespmem:$0x458] =	vst v0  }
0x41: {  	[tilespmem:$0x468] =	vst v0  }
0x42: {  	[tilespmem:$0x478] =	vst v0  }
0x43: {  	[tilespmem:$0x488] =	vst v0  }
0x44: {  	[tilespmem:$0x498] =	vst v0  }
0x45: {  	[tilespmem:$0x4A8] =	vst v0  }
0x46: {  	[tilespmem:$0x4B8] =	vst v0  }
0x47: {  	[tilespmem:$0x4C8] =	vst v0  }
0x48: {  	[tilespmem:$0x4D8] =	vst v0  }
0x49: {  	[tilespmem:$0x4E8] =	vst v0  }
0x4a: {  	[tilespmem:$0x4F8] =	vst v0  }
0x4b: {  	[tilespmem:$0x508] =	vst v0  }
0x4c: {  	[tilespmem:$0x518] =	vst v0  }
0x4d: {  	[tilespmem:$0x528] =	vst v0  }
0x4e: {  	[tilespmem:$0x538] =	vst v0  }
0x4f: {  	[tilespmem:$0x548] =	vst v0  }
0x50: {  	[tilespmem:$0x558] =	vst v0  }
0x51: {  	[tilespmem:$0x568] =	vst v0  }
0x52: {  	[tilespmem:$0x578] =	vst v0  }
0x53: {  	[tilespmem:$0x588] =	vst v0  }
0x54: {  	[tilespmem:$0x598] =	vst v0  }
0x55: {  	[tilespmem:$0x5A8] =	vst v0  }
0x56: {  	[tilespmem:$0x5B8] =	vst v0  }
0x57: {  	[tilespmem:$0x5C8] =	vst v0  }
0x58: {  	[tilespmem:$0x5D8] =	vst v0  }
0x59: {  	[tilespmem:$0x5E8] =	vst v0  }
0x5a: {  	[tilespmem:$0x5F8] =	vst v0  }
0x5b: {  	[tilespmem:$0x608] =	vst v0  }
0x5c: {  	[tilespmem:$0x618] =	vst v0  }
0x5d: {  	[tilespmem:$0x628] =	vst v0  }
0x5e: {  	[tilespmem:$0x638] =	vst v0  }
0x5f: {  	[tilespmem:$0x648] =	vst v0  }
0x60: {  	[tilespmem:$0x658] =	vst v0  }
0x61: {  	[tilespmem:$0x668] =	vst v0  }
0x62: {  	[tilespmem:$0x678] =	vst v0  }
0x63: {  	[tilespmem:$0x688] =	vst v0  }
0x64: {  	[tilespmem:$0x698] =	vst v0  }
0x65: {  	[tilespmem:$0x6A8] =	vst v0  }
0x66: {  	[tilespmem:$0x6B8] =	vst v0  }
0x67: {  	[tilespmem:$0x6C8] =	vst v0  }
0x68: {  	[tilespmem:$0x6D8] =	vst v0  }
0x69: {  	[tilespmem:$0x6E8] =	vst v0  }
0x6a: {  	[tilespmem:$0x6F8] =	vst v0  }
0x6b: {  	[tilespmem:$0x708] =	vst v0  }
0x6c: {  	[tilespmem:$0x718] =	vst v0  }
0x6d: {  	[tilespmem:$0x728] =	vst v0  }
0x6e: {  	[tilespmem:$0x738] =	vst v0  }
0x6f: {  	[tilespmem:$0x748] =	vst v0  }
0x70: {  	[tilespmem:$0x758] =	vst v0  }
0x71: {  	[tilespmem:$0x768] =	vst v0  }
0x72: {  	[tilespmem:$0x778] =	vst v0  }
0x73: {  	[tilespmem:$0x788] =	vst v0  }
0x74: {  	[tilespmem:$0x798] =	vst v0  }
0x75: {  	[tilespmem:$0x7A8] =	vst v0  }
0x76: {  	[tilespmem:$0x7B8] =	vst v0  }
0x77: {  	[tilespmem:$0x7C8] =	vst v0  }
0x78: {  	[tilespmem:$0x7D8] =	vst v0  }
0x79: {  	[tilespmem:$0x7E8] =	vst v0  }
0x7a: {  	[tilespmem:$0x7F8] =	vst v0  }
0x7b: {  	[tilespmem:$0x808] =	vst v0  }
0x7c: {  	[tilespmem:$0x818] =	vst v0  }
0x7d: {  	[tilespmem:$0x828] =	vst v0  }
0x7e: {  	[tilespmem:$0x838] =	vst v0  }
0x7f: {  	[tilespmem:$0x848] =	vst v0  }
0x80: {  	[tilespmem:$0x858] =	vst v0  }
0x81: {  	[tilespmem:$0x868] =	vst v0  }
0x82: {  	[tilespmem:$0x878] =	vst v0  }
0x83: {  	[tilespmem:$0x888] =	vst v0  }
0x84: {  	[tilespmem:$0x898] =	vst v0  }
0x85: {  	[tilespmem:$0x8A8] =	vst v0  }
0x86: {  	[tilespmem:$0x8B8] =	vst v0  }
0x87: {  	[tilespmem:$0x8C8] =	vst v0  }
0x88: {  	[tilespmem:$0x8D8] =	vst v0  }
0x89: {  	[tilespmem:$0x8E8] =	vst v0  }
0x8a: {  	[tilespmem:$0x8F8] =	vst v0  }
0x8b: {  	[tilespmem:$0x908] =	vst v0  }
0x8c: {  	[tilespmem:$0x918] =	vst v0  }
0x8d: {  	[tilespmem:$0x928] =	vst v0  }
0x8e: {  	[tilespmem:$0x938] =	vst v0  }
0x8f: {  	[tilespmem:$0x948] =	vst v0  }
0x90: {  	[tilespmem:$0x958] =	vst v0  }
0x91: {  	[tilespmem:$0x968] =	vst v0  }
0x92: {  	[tilespmem:$0x978] =	vst v0  }
0x93: {  	[tilespmem:$0x988] =	vst v0  }
0x94: {  	[tilespmem:$0x998] =	vst v0  }
0x95: {  	[tilespmem:$0x9A8] =	vst v0  }
0x96: {  	[tilespmem:$0x9B8] =	vst v0  }
0x97: {  	[tilespmem:$0x9C8] =	vst v0  }
0x98: {  	[tilespmem:$0x9D8] =	vst v0  }
0x99: {  	[tilespmem:$0x9E8] =	vst v0  }
0x9a: {  	[tilespmem:$0x9F8] =	vst v0  }
0x9b: {  	[tilespmem:$0xA08] =	vst v0  }
0x9c: {  	[tilespmem:$0xA18] =	vst v0  }
0x9d: {  	[tilespmem:$0xA28] =	vst v0  }
0x9e: {  	[tilespmem:$0xA38] =	vst v0  }
0x9f: {  	[tilespmem:$0xA48] =	vst v0  }
0xa0: {  	[tilespmem:$0xA58] =	vst v0  }
0xa1: {  	[tilespmem:$0xA68] =	vst v0  }
0xa2: {  	[tilespmem:$0xA78] =	vst v0  }
0xa3: {  	[tilespmem:$0xA88] =	vst v0  }
0xa4: {  	[tilespmem:$0xA98] =	vst v0  }
0xa5: {  	[tilespmem:$0xAA8] =	vst v0  }
0xa6: {  	[tilespmem:$0xAB8] =	vst v0  }
0xa7: {  	[tilespmem:$0xAC8] =	vst v0  }
0xa8: {  	[tilespmem:$0xAD8] =	vst v0  }
0xa9: {  	[tilespmem:$0xAE8] =	vst v0  }
0xaa: {  	[tilespmem:$0xAF8] =	vst v0  }
0xab: {  	[tilespmem:$0xB08] =	vst v0  }
0xac: {  	[tilespmem:$0xB18] =	vst v0  }
0xad: {  	[tilespmem:$0xB28] =	vst v0  }
0xae: {  	[tilespmem:$0xB38] =	vst v0  }
0xaf: {  	[tilespmem:$0xB48] =	vst v0  }
0xb0: {  	[tilespmem:$0xB58] =	vst v0  }
0xb1: {  	[tilespmem:$0xB68] =	vst v0  }
0xb2: {  	[tilespmem:$0xB78] =	vst v0  }
0xb3: {  	[tilespmem:$0xB88] =	vst v0  }
0xb4: {  	[tilespmem:$0xB98] =	vst v0  }
0xb5: {  	[tilespmem:$0xBA8] =	vst v0  }
0xb6: {  	[tilespmem:$0xBB8] =	vst v0  }
0xb7: {  	[tilespmem:$0xBC8] =	vst v0  }
0xb8: {  	[tilespmem:$0xBD8] =	vst v0  }
0xb9: {  	[tilespmem:$0xBE8] =	vst v0  }
0xba: {  	[tilespmem:$0xBF8] =	vst v0  }
0xbb: {  	[tilespmem:$0xC08] =	vst v0  }
0xbc: {  	[tilespmem:$0xC18] =	vst v0  }
0xbd: {  	[tilespmem:$0xC28] =	vst v0  }
0xbe: {  	[tilespmem:$0xC38] =	vst v0  }
0xbf: {  	[tilespmem:$0xC48] =	vst v0  }
0xc0: {  	[tilespmem:$0xC58] =	vst v0  }
0xc1: {  	[tilespmem:$0xC68] =	vst v0  }
0xc2: {  	[tilespmem:$0xC78] =	vst v0  }
0xc3: {  	[tilespmem:$0xC88] =	vst v0  }
0xc4: {  	[tilespmem:$0xC98] =	vst v0  }
0xc5: {  	[tilespmem:$0xCA8] =	vst v0  }
0xc6: {  	[tilespmem:$0xCB8] =	vst v0  }
0xc7: {  	[tilespmem:$0xCC8] =	vst v0  }
0xc8: {  	[tilespmem:$0xCD8] =	vst v0  }
0xc9: {  	[tilespmem:$0xCE8] =	vst v0  }
0xca: {  	[tilespmem:$0xCF8] =	vst v0  }
0xcb: {  	[tilespmem:$0xD08] =	vst v0  }
0xcc: {  	[tilespmem:$0xD18] =	vst v0  }
0xcd: {  	[tilespmem:$0xD28] =	vst v0  }
0xce: {  	[tilespmem:$0xD38] =	vst v0  }
0xcf: {  	[tilespmem:$0xD48] =	vst v0  }
0xd0: {  	[tilespmem:$0xD58] =	vst v0  }
0xd1: {  	[tilespmem:$0xD68] =	vst v0  }
0xd2: {  	[tilespmem:$0xD78] =	vst v0  }
0xd3: {  	[tilespmem:$0xD88] =	vst v0  }
0xd4: {  	[tilespmem:$0xD98] =	vst v0  }
0xd5: {  	[tilespmem:$0xDA8] =	vst v0  }
0xd6: {  	[tilespmem:$0xDB8] =	vst v0  }
0xd7: {  	[tilespmem:$0xDC8] =	vst v0  }
0xd8: {  	[tilespmem:$0xDD8] =	vst v0  }
0xd9: {  	[tilespmem:$0xDE8] =	vst v0  }
0xda: {  	[tilespmem:$0xDF8] =	vst v0  }
0xdb: {  	[tilespmem:$0xE08] =	vst v0  }
0xdc: {  	[tilespmem:$0xE18] =	vst v0  }
0xdd: {  	[tilespmem:$0xE28] =	vst v0  }
0xde: {  	[tilespmem:$0xE38] =	vst v0  }
0xdf: {  	[tilespmem:$0xE48] =	vst v0  }
0xe0: {  	[tilespmem:$0xE58] =	vst v0  }
0xe1: {  	[tilespmem:$0xE68] =	vst v0  }
0xe2: {  	[tilespmem:$0xE78] =	vst v0  }
0xe3: {  	[tilespmem:$0xE88] =	vst v0  }
0xe4: {  	[tilespmem:$0xE98] =	vst v0  }
0xe5: {  	[tilespmem:$0xEA8] =	vst v0  }
0xe6: {  	[tilespmem:$0xEB8] =	vst v0  }
0xe7: {  	[tilespmem:$0xEC8] =	vst v0  }
0xe8: {  	[tilespmem:$0xED8] =	vst v0  }
0xe9: {  	[tilespmem:$0xEE8] =	vst v0  }
0xea: {  	[tilespmem:$0xEF8] =	vst v0  }
0xeb: {  	[tilespmem:$0xF08] =	vst v0  }
0xec: {  	[tilespmem:$0xF18] =	vst v0  }
0xed: {  	[tilespmem:$0xF28] =	vst v0  }
0xee: {  	[tilespmem:$0xF38] =	vst v0  }
0xef: {  	[tilespmem:$0xF48] =	vst v0  }
0xf0: {  	[tilespmem:$0xF58] =	vst v0  }
0xf1: {  	[tilespmem:$0xF68] =	vst v0  }
0xf2: {  	[tilespmem:$0xF78] =	vst v0  }
0xf3: {  	[tilespmem:$0xF88] =	vst v0  }
0xf4: {  	[tilespmem:$0xF98] =	vst v0  }
0xf5: {  	[tilespmem:$0xFA8] =	vst v0  }
0xf6: {  	[tilespmem:$0xFB8] =	vst v0  }
0xf7: {  	[tilespmem:$0xFC8] =	vst v0  }
0xf8: {  	[tilespmem:$0xFD8] =	vst v0  }
0xf9: {  	[tilespmem:$0xFE8] =	vst v0  }
0xfa: {  	[tilespmem:$0xFF8] =	vst v0  }
0xfb: {  	[tilespmem:$0x1008] =	vst v0  }
0xfc: {  	[tilespmem:$0x1018] =	vst v0  }
0xfd: {  	[tilespmem:$0x1028] =	vst v0  }
0xfe: {  	[tilespmem:$0x1038] =	vst v0  }
0xff: {  	[tilespmem:$0x1048] =	vst v0  }
0x100: {  	[tilespmem:$0x1058] =	vst v0  }
0x101: {  	[tilespmem:$0x1068] =	vst v0  }
0x102: {  	[tilespmem:$0x1078] =	vst v0  }
0x103: {  	[tilespmem:$0x1088] =	vst v0  }
0x104: {  	[tilespmem:$0x1098] =	vst v0  }
0x105: {  	[tilespmem:$0x10A8] =	vst v0  }
0x106: {  	[tilespmem:$0x10B8] =	vst v0  }
0x107: {  	[tilespmem:$0x10C8] =	vst v0  }
0x108: {  	[tilespmem:$0x10D8] =	vst v0  }
0x109: {  	[tilespmem:$0x10E8] =	vst v0  }
0x10a: {  	[tilespmem:$0x10F8] =	vst v0  }
0x10b: {  	[tilespmem:$0x1108] =	vst v0  }
0x10c: {  	[tilespmem:$0x1118] =	vst v0  }
0x10d: {  	[tilespmem:$0x1128] =	vst v0  }
0x10e: {  	[tilespmem:$0x1138] =	vst v0  }
0x10f: {  	[tilespmem:$0x1148] =	vst v0  }
0x110: {  	[tilespmem:$0x1158] =	vst v0  }
0x111: {  	[tilespmem:$0x1168] =	vst v0  }
0x112: {  	[tilespmem:$0x1178] =	vst v0  }
0x113: {  	[tilespmem:$0x1188] =	vst v0  }
0x114: {  	[tilespmem:$0x1198] =	vst v0  }
0x115: {  	[tilespmem:$0x11A8] =	vst v0  }
0x116: {  	[tilespmem:$0x11B8] =	vst v0  }
0x117: {  	[tilespmem:$0x11C8] =	vst v0  }
0x118: {  	[tilespmem:$0x11D8] =	vst v0  }
0x119: {  	[tilespmem:$0x11E8] =	vst v0  }
0x11a: {  	[tilespmem:$0x11F8] =	vst v0  }
0x11b: {  	[tilespmem:$0x1208] =	vst v0  }
0x11c: {  	[tilespmem:$0x1218] =	vst v0  }
0x11d: {  	[tilespmem:$0x1228] =	vst v0  }
0x11e: {  	[tilespmem:$0x1238] =	vst v0  }
0x11f: {  	[tilespmem:$0x1248] =	vst v0  }
0x120: {  	[tilespmem:$0x1258] =	vst v0  }
0x121: {  	[tilespmem:$0x1268] =	vst v0  }
0x122: {  	[tilespmem:$0x1278] =	vst v0  }
0x123: {  	[tilespmem:$0x21A8] =	vst v0  }
0x124: {  	[tilespmem:$0x21B8] =	vst v0  }
0x125: {  	[tilespmem:$0x1288] =	vst v0  }
0x126: {  	[tilespmem:$0x1298] =	vst v0  }
0x127: {  	[tilespmem:$0x12A8] =	vst v0  }
0x128: {  	[tilespmem:$0x12B8] =	vst v0  }
0x129: {  	[tilespmem:$0x12C8] =	vst v0  }
0x12a: {  	[tilespmem:$0x12D8] =	vst v0  }
0x12b: {  	[tilespmem:$0x12E8] =	vst v0  }
0x12c: {  	[tilespmem:$0x12F8] =	vst v0  }
0x12d: {  	[tilespmem:$0x1308] =	vst v0  }
0x12e: {  	[tilespmem:$0x1318] =	vst v0  }
0x12f: {  	[tilespmem:$0x1328] =	vst v0  }
0x130: {  	[tilespmem:$0x1338] =	vst v0  }
0x131: {  	[tilespmem:$0x1348] =	vst v0  }
0x132: {  	[tilespmem:$0x1358] =	vst v0  }
0x133: {  	[tilespmem:$0x1368] =	vst v0  }
0x134: {  	[tilespmem:$0x1378] =	vst v0  }
0x135: {  	[tilespmem:$0x1388] =	vst v0  }
0x136: {  	[tilespmem:$0x1398] =	vst v0  }
0x137: {  	[tilespmem:$0x13A8] =	vst v0  }
0x138: {  	[tilespmem:$0x13B8] =	vst v0  }
0x139: {  	[tilespmem:$0x13C8] =	vst v0  }
0x13a: {  	[tilespmem:$0x13D8] =	vst v0  }
0x13b: {  	[tilespmem:$0x13E8] =	vst v0  }
0x13c: {  	[tilespmem:$0x13F8] =	vst v0  }
0x13d: {  	[tilespmem:$0x1408] =	vst v0  }
0x13e: {  	[tilespmem:$0x1418] =	vst v0  }
0x13f: {  	[tilespmem:$0x1428] =	vst v0  }
0x140: {  	[tilespmem:$0x1438] =	vst v0  }
0x141: {  	[tilespmem:$0x1448] =	vst v0  }
0x142: {  	[tilespmem:$0x1458] =	vst v0  }
0x143: {  	[tilespmem:$0x1468] =	vst v0  }
0x144: {  	[tilespmem:$0x1478] =	vst v0  }
0x145: {  	[tilespmem:$0x1488] =	vst v0  }
0x146: {  	[tilespmem:$0x1498] =	vst v0  }
0x147: {  	[tilespmem:$0x14A8] =	vst v0  }
0x148: {  	[tilespmem:$0x14B8] =	vst v0  }
0x149: {  	[tilespmem:$0x14C8] =	vst v0  }
0x14a: {  	[tilespmem:$0x14D8] =	vst v0  }
0x14b: {  	[tilespmem:$0x14E8] =	vst v0  }
0x14c: {  	[tilespmem:$0x14F8] =	vst v0  }
0x14d: {  	[tilespmem:$0x1508] =	vst v0  }
0x14e: {  	[tilespmem:$0x1518] =	vst v0  }
0x14f: {  	[tilespmem:$0x1528] =	vst v0  }
0x150: {  	[tilespmem:$0x1538] =	vst v0  }
0x151: {  	[tilespmem:$0x1548] =	vst v0  }
0x152: {  	[tilespmem:$0x1558] =	vst v0  }
0x153: {  	[tilespmem:$0x1568] =	vst v0  }
0x154: {  	[tilespmem:$0x1578] =	vst v0  }
0x155: {  	[tilespmem:$0x1588] =	vst v0  }
0x156: {  	[tilespmem:$0x1598] =	vst v0  }
0x157: {  	[tilespmem:$0x15A8] =	vst v0  }
0x158: {  	[tilespmem:$0x15B8] =	vst v0  }
0x159: {  	[tilespmem:$0x15C8] =	vst v0  }
0x15a: {  	[tilespmem:$0x15D8] =	vst v0  }
0x15b: {  	[tilespmem:$0x15E8] =	vst v0  }
0x15c: {  	[tilespmem:$0x15F8] =	vst v0  }
0x15d: {  	[tilespmem:$0x1608] =	vst v0  }
0x15e: {  	[tilespmem:$0x1618] =	vst v0  }
0x15f: {  	[tilespmem:$0x1628] =	vst v0  }
0x160: {  	[tilespmem:$0x1638] =	vst v0  }
0x161: {  	[tilespmem:$0x1648] =	vst v0  }
0x162: {  	[tilespmem:$0x1658] =	vst v0  }
0x163: {  	[tilespmem:$0x1668] =	vst v0  }
0x164: {  	[tilespmem:$0x1678] =	vst v0  }
0x165: {  	[tilespmem:$0x1688] =	vst v0  }
0x166: {  	[tilespmem:$0x1698] =	vst v0  }
0x167: {  	[tilespmem:$0x16A8] =	vst v0  }
0x168: {  	[tilespmem:$0x16B8] =	vst v0  }
0x169: {  	[tilespmem:$0x16C8] =	vst v0  }
0x16a: {  	[tilespmem:$0x16D8] =	vst v0  }
0x16b: {  	[tilespmem:$0x16E8] =	vst v0  }
0x16c: {  	[tilespmem:$0x16F8] =	vst v0  }
0x16d: {  	[tilespmem:$0x1708] =	vst v0  }
0x16e: {  	[tilespmem:$0x1718] =	vst v0  }
0x16f: {  	[tilespmem:$0x1728] =	vst v0  }
0x170: {  	[tilespmem:$0x1738] =	vst v0  }
0x171: {  	[tilespmem:$0x1748] =	vst v0  }
0x172: {  	[tilespmem:$0x1758] =	vst v0  }
0x173: {  	[tilespmem:$0x1768] =	vst v0  }
0x174: {  	[tilespmem:$0x1778] =	vst v0  }
0x175: {  	[tilespmem:$0x1788] =	vst v0  }
0x176: {  	[tilespmem:$0x1798] =	vst v0  }
0x177: {  	[tilespmem:$0x17A8] =	vst v0  }
0x178: {  	[tilespmem:$0x17B8] =	vst v0  }
0x179: {  	[tilespmem:$0x17C8] =	vst v0  }
0x17a: {  	[tilespmem:$0x17D8] =	vst v0  }
0x17b: {  	[tilespmem:$0x17E8] =	vst v0  }
0x17c: {  	[tilespmem:$0x17F8] =	vst v0  }
0x17d: {  	[tilespmem:$0x1808] =	vst v0  }
0x17e: {  	[tilespmem:$0x1818] =	vst v0  }
0x17f: {  	[tilespmem:$0x1828] =	vst v0  }
0x180: {  	[tilespmem:$0x1838] =	vst v0  }
0x181: {  	[tilespmem:$0x1848] =	vst v0  }
0x182: {  	[tilespmem:$0x1858] =	vst v0  }
0x183: {  	[tilespmem:$0x1868] =	vst v0  }
0x184: {  	[tilespmem:$0x1878] =	vst v0  }
0x185: {  	[tilespmem:$0x1888] =	vst v0  }
0x186: {  	[tilespmem:$0x1898] =	vst v0  }
0x187: {  	[tilespmem:$0x18A8] =	vst v0  }
0x188: {  	[tilespmem:$0x18B8] =	vst v0  }
0x189: {  	[tilespmem:$0x18C8] =	vst v0  }
0x18a: {  	[tilespmem:$0x18D8] =	vst v0  }
0x18b: {  	[tilespmem:$0x18E8] =	vst v0  }
0x18c: {  	[tilespmem:$0x18F8] =	vst v0  }
0x18d: {  	[tilespmem:$0x1908] =	vst v0  }
0x18e: {  	[tilespmem:$0x1918] =	vst v0  }
0x18f: {  	[tilespmem:$0x1928] =	vst v0  }
0x190: {  	[tilespmem:$0x1938] =	vst v0  }
0x191: {  	[tilespmem:$0x1948] =	vst v0  }
0x192: {  	[tilespmem:$0x1958] =	vst v0  }
0x193: {  	[tilespmem:$0x1968] =	vst v0  }
0x194: {  	[tilespmem:$0x1978] =	vst v0  }
0x195: {  	[tilespmem:$0x1988] =	vst v0  }
0x196: {  	[tilespmem:$0x1998] =	vst v0  }
0x197: {  	[tilespmem:$0x19A8] =	vst v0  }
0x198: {  	[tilespmem:$0x19B8] =	vst v0  }
0x199: {  	[tilespmem:$0x19C8] =	vst v0  }
0x19a: {  	[tilespmem:$0x19D8] =	vst v0  }
0x19b: {  	[tilespmem:$0x19E8] =	vst v0  }
0x19c: {  	[tilespmem:$0x19F8] =	vst v0  }
0x19d: {  	[tilespmem:$0x1A08] =	vst v0  }
0x19e: {  	[tilespmem:$0x1A18] =	vst v0  }
0x19f: {  	[tilespmem:$0x1A28] =	vst v0  }
0x1a0: {  	[tilespmem:$0x1A38] =	vst v0  }
0x1a1: {  	[tilespmem:$0x1A48] =	vst v0  }
0x1a2: {  	[tilespmem:$0x1A58] =	vst v0  }
0x1a3: {  	[tilespmem:$0x1A68] =	vst v0  }
0x1a4: {  	[tilespmem:$0x1A78] =	vst v0  }
0x1a5: {  	[tilespmem:$0x1A88] =	vst v0  }
0x1a6: {  	[tilespmem:$0x1A98] =	vst v0  }
0x1a7: {  	[tilespmem:$0x1AA8] =	vst v0  }
0x1a8: {  	[tilespmem:$0x1AB8] =	vst v0  }
0x1a9: {  	[tilespmem:$0x1AC8] =	vst v0  }
0x1aa: {  	[tilespmem:$0x1AD8] =	vst v0  }
0x1ab: {  	[tilespmem:$0x1AE8] =	vst v0  }
0x1ac: {  	[tilespmem:$0x1AF8] =	vst v0  }
0x1ad: {  	[tilespmem:$0x1B08] =	vst v0  }
0x1ae: {  	[tilespmem:$0x1B18] =	vst v0  }
0x1af: {  	[tilespmem:$0x1B28] =	vst v0  }
0x1b0: {  	[tilespmem:$0x1B38] =	vst v0  }
0x1b1: {  	[tilespmem:$0x1B48] =	vst v0  }
0x1b2: {  	[tilespmem:$0x1B58] =	vst v0  }
0x1b3: {  	[tilespmem:$0x1B68] =	vst v0  }
0x1b4: {  	[tilespmem:$0x1B78] =	vst v0  }
0x1b5: {  	[tilespmem:$0x1B88] =	vst v0  }
0x1b6: {  	[tilespmem:$0x1B98] =	vst v0  }
0x1b7: {  	[tilespmem:$0x1BA8] =	vst v0  }
0x1b8: {  	[tilespmem:$0x1BB8] =	vst v0  }
0x1b9: {  	[tilespmem:$0x1BC8] =	vst v0  }
0x1ba: {  	[tilespmem:$0x1BD8] =	vst v0  }
0x1bb: {  	[tilespmem:$0x1BE8] =	vst v0  }
0x1bc: {  	[tilespmem:$0x1BF8] =	vst v0  }
0x1bd: {  	[tilespmem:$0x1C08] =	vst v0  }
0x1be: {  	[tilespmem:$0x1C18] =	vst v0  }
0x1bf: {  	[tilespmem:$0x1C28] =	vst v0  }
0x1c0: {  	[tilespmem:$0x1C38] =	vst v0  }
0x1c1: {  	[tilespmem:$0x1C48] =	vst v0  }
0x1c2: {  	[tilespmem:$0x1C58] =	vst v0  }
0x1c3: {  	[tilespmem:$0x1C68] =	vst v0  }
0x1c4: {  	[tilespmem:$0x1C78] =	vst v0  }
0x1c5: {  	[tilespmem:$0x1C88] =	vst v0  }
0x1c6: {  	[tilespmem:$0x1C98] =	vst v0  }
0x1c7: {  	[tilespmem:$0x1CA8] =	vst v0  }
0x1c8: {  	[tilespmem:$0x1CB8] =	vst v0  }
0x1c9: {  	[tilespmem:$0x1CC8] =	vst v0  }
0x1ca: {  	[tilespmem:$0x1CD8] =	vst v0  }
0x1cb: {  	[tilespmem:$0x1CE8] =	vst v0  }
0x1cc: {  	[tilespmem:$0x1CF8] =	vst v0  }
0x1cd: {  	[tilespmem:$0x1D08] =	vst v0  }
0x1ce: {  	[tilespmem:$0x1D18] =	vst v0  }
0x1cf: {  	[tilespmem:$0x1D28] =	vst v0  }
0x1d0: {  	[tilespmem:$0x1D38] =	vst v0  }
0x1d1: {  	[tilespmem:$0x1D48] =	vst v0  }
0x1d2: {  	[tilespmem:$0x1D58] =	vst v0  }
0x1d3: {  	[tilespmem:$0x1D68] =	vst v0  }
0x1d4: {  	[tilespmem:$0x1D78] =	vst v0  }
0x1d5: {  	[tilespmem:$0x1D88] =	vst v0  }
0x1d6: {  	[tilespmem:$0x1D98] =	vst v0  }
0x1d7: {  	[tilespmem:$0x1DA8] =	vst v0  }
0x1d8: {  	[tilespmem:$0x1DB8] =	vst v0  }
0x1d9: {  	[tilespmem:$0x1DC8] =	vst v0  }
0x1da: {  	[tilespmem:$0x1DD8] =	vst v0  }
0x1db: {  	[tilespmem:$0x1DE8] =	vst v0  }
0x1dc: {  	[tilespmem:$0x1DF8] =	vst v0  }
0x1dd: {  	[tilespmem:$0x1E08] =	vst v0  }
0x1de: {  	[tilespmem:$0x1E18] =	vst v0  }
0x1df: {  	[tilespmem:$0x1E28] =	vst v0  }
0x1e0: {  	[tilespmem:$0x1E38] =	vst v0  }
0x1e1: {  	[tilespmem:$0x1E48] =	vst v0  }
0x1e2: {  	[tilespmem:$0x1E58] =	vst v0  }
0x1e3: {  	[tilespmem:$0x1E68] =	vst v0  }
0x1e4: {  	[tilespmem:$0x1E78] =	vst v0  }
0x1e5: {  	[tilespmem:$0x1E88] =	vst v0  }
0x1e6: {  	[tilespmem:$0x1E98] =	vst v0  }
0x1e7: {  	[tilespmem:$0x1EA8] =	vst v0  }
0x1e8: {  	[tilespmem:$0x1EB8] =	vst v0  }
0x1e9: {  	[tilespmem:$0x1EC8] =	vst v0  }
0x1ea: {  	[tilespmem:$0x1ED8] =	vst v0  }
0x1eb: {  	[tilespmem:$0x1EE8] =	vst v0  }
0x1ec: {  	[tilespmem:$0x1EF8] =	vst v0  }
0x1ed: {  	[tilespmem:$0x1F08] =	vst v0  }
0x1ee: {  	[tilespmem:$0x1F18] =	vst v0  }
0x1ef: {  	[tilespmem:$0x1F28] =	vst v0  }
0x1f0: {  	[tilespmem:$0x1F38] =	vst v0  }
0x1f1: {  	[tilespmem:$0x1F48] =	vst v0  }
0x1f2: {  	[tilespmem:$0x1F58] =	vst v0  }
0x1f3: {  	[tilespmem:$0x1F68] =	vst v0  }
0x1f4: {  	[tilespmem:$0x1F78] =	vst v0  }
0x1f5: {  	[tilespmem:$0x1F88] =	vst v0  }
0x1f6: {  	[tilespmem:$0x1F98] =	vst v0  }
0x1f7: {  	[tilespmem:$0x1FA8] =	vst v0  }
0x1f8: {  	[tilespmem:$0x1FB8] =	vst v0  }
0x1f9: {  	[tilespmem:$0x1FC8] =	vst v0  }
0x1fa: {  	[tilespmem:$0x1FD8] =	vst v0  }
0x1fb: {  	[tilespmem:$0x1FE8] =	vst v0  }
0x1fc: {  	[tilespmem:$0x1FF8] =	vst v0  }
0x1fd: {  	[tilespmem:$0x2008] =	vst v0  }
0x1fe: {  	[tilespmem:$0x2018] =	vst v0  }
0x1ff: {  	[tilespmem:$0x2028] =	vst v0  }
0x200: {  	[tilespmem:$0x2038] =	vst v0  }
0x201: {  	[tilespmem:$0x2048] =	vst v0  }
0x202: {  	[tilespmem:$0x2058] =	vst v0  }
0x203: {  	[tilespmem:$0x2068] =	vst v0  }
0x204: {  	[tilespmem:$0x2078] =	vst v0  }
0x205: {  	[tilespmem:$0x2088] =	vst v0  }
0x206: {  	[tilespmem:$0x2098] =	vst v0  }
0x207: {  	[tilespmem:$0x20A8] =	vst v0  }
0x208: {  	[tilespmem:$0x20B8] =	vst v0  }
0x209: {  	[tilespmem:$0x20C8] =	vst v0  }
0x20a: {  	[tilespmem:$0x20D8] =	vst v0  }
0x20b: {  	[tilespmem:$0x20E8] =	vst v0  }
0x20c: {  	[tilespmem:$0x20F8] =	vst v0  }
0x20d: {  	[tilespmem:$0x2108] =	vst v0  }
0x20e: {  	[tilespmem:$0x2118] =	vst v0  }
0x20f: {  	[tilespmem:$0x2128] =	vst v0  }
0x210: {  	[tilespmem:$0x2138] =	vst v0  }
0x211: {  	[tilespmem:$0x2148] =	vst v0  }
0x212: {  	[tilespmem:$0x2158] =	vst v0  }
0x213: {  	[tilespmem:$0x2168] =	vst v0  }
0x214: {  	[tilespmem:$0x2178] =	vst v0  }
0x215: {  	[tilespmem:$0x2188] =	vst v0  }
0x216: {  	[tilespmem:$0x2198] =	vst v0  }
0x217: {  	[tilespmem:$0x21C8] =	vst v0  }
0x218: {  	[tilespmem:$0x21D8] =	vst v0  }
0x219: {  	[tilespmem:$0x21E8] =	vst v0  }
0x21a: {  	[tilespmem:$0x21F8] =	vst v0  }
0x21b: {  	[tilespmem:$0x2208] =	vst v0  }
0x21c: {  	[tilespmem:$0x2218] =	vst v0  }
0x21d: {  	[tilespmem:$0x2228] =	vst v0  }
0x21e: {  	[tilespmem:$0x2238] =	vst v0  }
0x21f: {  	[tilespmem:$0x2248] =	vst v0  }
0x220: {  	[tilespmem:$0x2258] =	vst v0  }
0x221: {  	[tilespmem:$0x2268] =	vst v0  }
0x222: {  	[tilespmem:$0x2278] =	vst v0  }
0x223: {  	[tilespmem:$0x2288] =	vst v0  }
0x224: {  	[tilespmem:$0x2298] =	vst v0  }
0x225: {  	[tilespmem:$0x22A8] =	vst v0  }
0x226: {  	[tilespmem:$0x22B8] =	vst v0  }
0x227: {  	[tilespmem:$0x22C8] =	vst v0  }
0x228: {  	[tilespmem:$0x22D8] =	vst v0  }
0x229: {  	[tilespmem:$0x22E8] =	vst v0  }
0x22a: {  	[tilespmem:$0x22F8] =	vst v0  }
0x22b: {  	[tilespmem:$0x2308] =	vst v0  }
0x22c: {  	[tilespmem:$0x2318] =	vst v0  }
0x22d: {  	[tilespmem:$0x2328] =	vst v0  }
0x22e: {  	[tilespmem:$0x2338] =	vst v0  }
0x22f: {  	[tilespmem:$0x2348] =	vst v0  }
0x230: {  	[tilespmem:$0x2358] =	vst v0  }
0x231: {  	[tilespmem:$0x2368] =	vst v0  }
0x232: {  	[tilespmem:$0x2378] =	vst v0  }
0x233: {  	[tilespmem:$0x2388] =	vst v0  }
0x234: {  	[tilespmem:$0x2398] =	vst v0  }
0x235: {  	[tilespmem:$0x23A8] =	vst v0  }
0x236: {  	[tilespmem:$0x23B8] =	vst v0  }
0x237: {  	[tilespmem:$0x23C8] =	vst v0  }
0x238: {  	[tilespmem:$0x23D8] =	vst v0  }
0x239: {  	[tilespmem:$0x23E8] =	vst v0  }
0x23a: {  	[tilespmem:$0x23F8] =	vst v0  }
0x23b: {  	[tilespmem:$0x2408] =	vst v0  }
0x23c: {  	[tilespmem:$0x2418] =	vst v0  }
0x23d: {  	[tilespmem:$0x2428] =	vst v0  }
0x23e: {  	[tilespmem:$0x2438] =	vst v0  }
0x23f: {  	[tilespmem:$0x2448] =	vst v0  }
0x240: {  	[tilespmem:$0x2458] =	vst v0  }
0x241: {  	[tilespmem:$0x2468] =	vst v0  }
0x242: {  	[tilespmem:$0x2478] =	vst v0  }
0x243: {  	[tilespmem:$0x2488] =	vst v0  }
0x244: {  	[tilespmem:$0x2498] =	vst v0  }
0x245: {  	[tilespmem:$0x24A8] =	vst v0  }
0x246: {  	[tilespmem:$0x24B8] =	vst v0  }
0x247: {  	[tilespmem:$0x24C8] =	vst v0  }
0x248: {  	[tilespmem:$0x24D8] =	vst v0  }
0x249: {  	[tilespmem:$0x24E8] =	vst v0  }
0x24a: {  	[tilespmem:$0x24F8] =	vst v0  }
0x24b: {  	[tilespmem:$0x2508] =	vst v0  }
0x24c: {  	[tilespmem:$0x2518] =	vst v0  }
0x24d: {  	[tilespmem:$0x2528] =	vst v0  }
0x24e: {  	[tilespmem:$0x2538] =	vst v0  }
0x24f: {  	[tilespmem:$0x2548] =	vst v0  }
0x250: {  	[tilespmem:$0x2558] =	vst v0  }
0x251: {  	[tilespmem:$0x2568] =	vst v0  }
0x252: {  	[tilespmem:$0x2578] =	vst v0  }
0x253: {  	[tilespmem:$0x2588] =	vst v0  }
0x254: {  	[tilespmem:$0x2598] =	vst v0  }
0x255: {  	[tilespmem:$0x25A8] =	vst v0  }
0x256: {  	[tilespmem:$0x25B8] =	vst v0  }
0x257: {  	[tilespmem:$0x25C8] =	vst v0  }
0x258: {  	[tilespmem:$0x25D8] =	vst v0  }
0x259: {  	[tilespmem:$0x25E8] =	vst v0  }
0x25a: {  	[tilespmem:$0x25F8] =	vst v0  }
0x25b: {  	[tilespmem:$0x2608] =	vst v0  }
0x25c: {  	[tilespmem:$0x2618] =	vst v0  }
0x25d: {  	[tilespmem:$0x2628] =	vst v0  }
0x25e: {  	[tilespmem:$0x2638] =	vst v0  }
0x25f: {  	[tilespmem:$0x2648] =	vst v0  }
0x260: {  	[tilespmem:$0x2658] =	vst v0  }
0x261: {  	[tilespmem:$0x2668] =	vst v0  }
0x262: {  	[tilespmem:$0x2678] =	vst v0  }
0x263: {  	[tilespmem:$0x2688] =	vst v0  }
0x264: {  	[tilespmem:$0x2698] =	vst v0  }
0x265: {  	[tilespmem:$0x26A8] =	vst v0  }
0x266: {  	[tilespmem:$0x26B8] =	vst v0  }
0x267: {  	[tilespmem:$0x26C8] =	vst v0  }
0x268: {  	[tilespmem:$0x26D8] =	vst v0  }
0x269: {  	[tilespmem:$0x26E8] =	vst v0  }
0x26a: {  	[tilespmem:$0x26F8] =	vst v0  }
0x26b: {  	[tilespmem:$0x2708] =	vst v0  }
0x26c: {  	[tilespmem:$0x2718] =	vst v0  }
0x26d: {  	[tilespmem:$0x2728] =	vst v0  }
0x26e: {  	[tilespmem:$0x2738] =	vst v0  }
0x26f: {  	[tilespmem:$0x2748] =	vst v0  }
0x270: {  	[tilespmem:$0x2758] =	vst v0  }
0x271: {  	[tilespmem:$0x2768] =	vst v0  }
0x272: {  	[tilespmem:$0x2778] =	vst v0  }
0x273: {  	[tilespmem:$0x2788] =	vst v0  }
0x274: {  	[tilespmem:$0x2798] =	vst v0  }
0x275: {  	[tilespmem:$0x27A8] =	vst v0  }
0x276: {  	[tilespmem:$0x27B8] =	vst v0  }
0x277: {  	[tilespmem:$0x27C8] =	vst v0  }
0x278: {  	[tilespmem:$0x27D8] =	vst v0  }
0x279: {  	[tilespmem:$0x27E8] =	vst v0  }
0x27a: {  	[tilespmem:$0x27F8] =	vst v0  }
0x27b: {  	[tilespmem:$0x2808] =	vst v0  }
0x27c: {  	[tilespmem:$0x2818] =	vst v0  }
0x27d: {  	[tilespmem:$0x2828] =	vst v0  }
0x27e: {  	[tilespmem:$0x2838] =	vst v0  }
0x27f: {  	[tilespmem:$0x2848] =	vst v0  }
0x280: {  	[tilespmem:$0x2858] =	vst v0  }
0x281: {  	[tilespmem:$0x2868] =	vst v0  }
0x282: {  	[tilespmem:$0x2878] =	vst v0  }
0x283: {  	[tilespmem:$0x2888] =	vst v0  }
0x284: {  	[tilespmem:$0x2898] =	vst v0  }
0x285: {  	[tilespmem:$0x28A8] =	vst v0  }
0x286: {  	[tilespmem:$0x28B8] =	vst v0  }
0x287: {  	[tilespmem:$0x28C8] =	vst v0  }
0x288: {  	[tilespmem:$0x28D8] =	vst v0  }
0x289: {  	[tilespmem:$0x28E8] =	vst v0  }
0x28a: {  	[tilespmem:$0x28F8] =	vst v0  }
0x28b: {  	[tilespmem:$0x2908] =	vst v0  }
0x28c: {  	[tilespmem:$0x2918] =	vst v0  }
0x28d: {  	[tilespmem:$0x2928] =	vst v0  }
0x28e: {  	[tilespmem:$0x2938] =	vst v0  }
0x28f: {  	[tilespmem:$0x2948] =	vst v0  }
0x290: {  	[tilespmem:$0x2958] =	vst v0  }
0x291: {  	[tilespmem:$0x2968] =	vst v0  }
0x292: {  	[tilespmem:$0x2978] =	vst v0  }
0x293: {  	[tilespmem:$0x2988] =	vst v0  }
0x294: {  	[tilespmem:$0x2998] =	vst v0  }
0x295: {  	[tilespmem:$0x29A8] =	vst v0  }
0x296: {  	[tilespmem:$0x29B8] =	vst v0  }
0x297: {  	[tilespmem:$0x29C8] =	vst v0  }
0x298: {  	[tilespmem:$0x29D8] =	vst v0  }
0x299: {  	[tilespmem:$0x29E8] =	vst v0  }
0x29a: {  	[tilespmem:$0x29F8] =	vst v0  }
0x29b: {  	[tilespmem:$0x2A08] =	vst v0  }
0x29c: {  	[tilespmem:$0x2A18] =	vst v0  }
0x29d: {  	[tilespmem:$0x2A28] =	vst v0  }
0x29e: {  	[tilespmem:$0x2A38] =	vst v0  }
0x29f: {  	[tilespmem:$0x2A48] =	vst v0  }
0x2a0: {  	[tilespmem:$0x2A58] =	vst v0  }
0x2a1: {  	[tilespmem:$0x2A68] =	vst v0  }
0x2a2: {  	[tilespmem:$0x2A78] =	vst v0  }
0x2a3: {  	[tilespmem:$0x2A88] =	vst v0  }
0x2a4: {  	[tilespmem:$0x2A98] =	vst v0  }
0x2a5: {  	[tilespmem:$0x2AA8] =	vst v0  }
0x2a6: {  	[tilespmem:$0x2AB8] =	vst v0  }
0x2a7: {  	[tilespmem:$0x2AC8] =	vst v0  }
0x2a8: {  	[tilespmem:$0x2AD8] =	vst v0  }
0x2a9: {  	[tilespmem:$0x2AE8] =	vst v0  }
0x2aa: {  	[tilespmem:$0x2AF8] =	vst v0  }
0x2ab: {  	[tilespmem:$0x2B08] =	vst v0  }
0x2ac: {  	[tilespmem:$0x2B18] =	vst v0  }
0x2ad: {  	[tilespmem:$0x2B28] =	vst v0  }
0x2ae: {  	[tilespmem:$0x2B38] =	vst v0  }
0x2af: {  	[tilespmem:$0x2B48] =	vst v0  }
0x2b0: {  	[tilespmem:$0x2B58] =	vst v0  }
0x2b1: {  	[tilespmem:$0x2B68] =	vst v0  }
0x2b2: {  	[tilespmem:$0x2B78] =	vst v0  }
0x2b3: {  	[tilespmem:$0x2B88] =	vst v0  }
0x2b4: {  	[tilespmem:$0x2B98] =	vst v0  }
0x2b5: {  	[tilespmem:$0x2BA8] =	vst v0  }
0x2b6: {  	[tilespmem:$0x2BB8] =	vst v0  }
0x2b7: {  	[tilespmem:$0x2BC8] =	vst v0  }
0x2b8: {  	[tilespmem:$0x2BD8] =	vst v0  }
0x2b9: {  	[tilespmem:$0x2BE8] =	vst v0  }
0x2ba: {  	[tilespmem:$0x2BF8] =	vst v0  }
0x2bb: {  	[tilespmem:$0x2C08] =	vst v0  }
0x2bc: {  	[tilespmem:$0x2C18] =	vst v0  }
0x2bd: {  	[tilespmem:$0x2C28] =	vst v0  }
0x2be: {  	[tilespmem:$0x2C38] =	vst v0  }
0x2bf: {  	[tilespmem:$0x2C48] =	vst v0  }
0x2c0: {  	[tilespmem:$0x2C58] =	vst v0  }
0x2c1: {  	[tilespmem:$0x2C68] =	vst v0  }
0x2c2: {  	[tilespmem:$0x2C78] =	vst v0  }
0x2c3: {  	[tilespmem:$0x2C88] =	vst v0  }
0x2c4: {  	[tilespmem:$0x2C98] =	vst v0  }
0x2c5: {  	[tilespmem:$0x2CA8] =	vst v0  }
0x2c6: {  	[tilespmem:$0x2CB8] =	vst v0  }
0x2c7: {  	[tilespmem:$0x2CC8] =	vst v0  }
0x2c8: {  	[tilespmem:$0x2CD8] =	vst v0  }
0x2c9: {  	[tilespmem:$0x2CE8] =	vst v0  }
0x2ca: {  	[tilespmem:$0x2CF8] =	vst v0  }
0x2cb: {  	[tilespmem:$0x2D08] =	vst v0  }
0x2cc: {  	[tilespmem:$0x2D18] =	vst v0  }
0x2cd: {  	[tilespmem:$0x2D28] =	vst v0  }
0x2ce: {  	[tilespmem:$0x2D38] =	vst v0  }
0x2cf: {  	[tilespmem:$0x2D48] =	vst v0  }
0x2d0: {  	[tilespmem:$0x2D58] =	vst v0  }
0x2d1: {  	[tilespmem:$0x2D68] =	vst v0  }
0x2d2: {  	[tilespmem:$0x2D78] =	vst v0  }
0x2d3: {  	[tilespmem:$0x2D88] =	vst v0  }
0x2d4: {  	[tilespmem:$0x2D98] =	vst v0  }
0x2d5: {  	[tilespmem:$0x2DA8] =	vst v0  }
0x2d6: {  	[tilespmem:$0x2DB8] =	vst v0  }
0x2d7: {  	[tilespmem:$0x2DC8] =	vst v0  }
0x2d8: {  	[tilespmem:$0x2DD8] =	vst v0  }
0x2d9: {  	[tilespmem:$0x2DE8] =	vst v0  }
0x2da: {  	[tilespmem:$0x2DF8] =	vst v0  }
0x2db: {  	[tilespmem:$0x2E08] =	vst v0  }
0x2dc: {  	[tilespmem:$0x2E18] =	vst v0  }
0x2dd: {  	[tilespmem:$0x2E28] =	vst v0  }
0x2de: {  	[tilespmem:$0x2E38] =	vst v0  }
0x2df: {  	[tilespmem:$0x2E48] =	vst v0  }
0x2e0: {  	[tilespmem:$0x2E58] =	vst v0  }
0x2e1: {  	[tilespmem:$0x2E68] =	vst v0  }
0x2e2: {  	[tilespmem:$0x2E78] =	vst v0  }
0x2e3: {  	[tilespmem:$0x2E88] =	vst v0  }
0x2e4: {  	[tilespmem:$0x2E98] =	vst v0  }
0x2e5: {  	[tilespmem:$0x2EA8] =	vst v0  }
0x2e6: {  	[tilespmem:$0x2EB8] =	vst v0  }
0x2e7: {  	[tilespmem:$0x2EC8] =	vst v0  }
0x2e8: {  	[tilespmem:$0x2ED8] =	vst v0  }
0x2e9: {  	[tilespmem:$0x2EE8] =	vst v0  }
0x2ea: {  	[tilespmem:$0x2EF8] =	vst v0  }
0x2eb: {  	[tilespmem:$0x2F08] =	vst v0  }
0x2ec: {  	[tilespmem:$0x2F18] =	vst v0  }
0x2ed: {  	[tilespmem:$0x2F28] =	vst v0  }
0x2ee: {  	[tilespmem:$0x2F38] =	vst v0  }
0x2ef: {  	[tilespmem:$0x2F48] =	vst v0  }
0x2f0: {  	[tilespmem:$0x2F58] =	vst v0  }
0x2f1: {  	[tilespmem:$0x2F68] =	vst v0  }
0x2f2: {  	[tilespmem:$0x2F78] =	vst v0  }
0x2f3: {  	[tilespmem:$0x2F88] =	vst v0  }
0x2f4: {  	[tilespmem:$0x2F98] =	vst v0  }
0x2f5: {  	[tilespmem:$0x2FA8] =	vst v0  }
0x2f6: {  	[tilespmem:$0x2FB8] =	vst v0  }
0x2f7: {  	[tilespmem:$0x2FC8] =	vst v0  }
0x2f8: {  	[tilespmem:$0x2FD8] =	vst v0  }
0x2f9: {  	[tilespmem:$0x2FE8] =	vst v0  }
0x2fa: {  	[tilespmem:$0x2FF8] =	vst v0  }
0x2fb: {  	[tilespmem:$0x3008] =	vst v0  }
0x2fc: {  	[tilespmem:$0x3018] =	vst v0  }
0x2fd: {  	[tilespmem:$0x3028] =	vst v0  }
0x2fe: {  	[tilespmem:$0x3038] =	vst v0  }
0x2ff: {  	[tilespmem:$0x3048] =	vst v0  }
0x300: {  	[tilespmem:$0x3058] =	vst v0  }
0x301: {  	[tilespmem:$0x3068] =	vst v0  }
0x302: {  	[tilespmem:$0x3078] =	vst v0  }
0x303: {  	[tilespmem:$0x3088] =	vst v0  }
0x304: {  	[tilespmem:$0x3098] =	vst v0  }
0x305: {  	[tilespmem:$0x30A8] =	vst v0  }
0x306: {  	[tilespmem:$0x30B8] =	vst v0  }
0x307: {  	[tilespmem:$0x30C8] =	vst v0  }
0x308: {  	[tilespmem:$0x30D8] =	vst v0  }
0x309: {  	[tilespmem:$0x30E8] =	vst v0  }
0x30a: {  	[tilespmem:$0x30F8] =	vst v0  }
0x30b: {  	[tilespmem:$0x3108] =	vst v0  }
0x30c: {  	[tilespmem:$0x3118] =	vst v0  }
0x30d: {  	[tilespmem:$0x3128] =	vst v0  }
0x30e: {  	[tilespmem:$0x3138] =	vst v0  }
0x30f: {  	[tilespmem:$0x3148] =	vst v0  }
0x310: {  	[tilespmem:$0x3158] =	vst v0  }
0x311: {  	[tilespmem:$0x3168] =	vst v0  }
0x312: {  	[tilespmem:$0x3178] =	vst v0  }
0x313: {  	[tilespmem:$0x3188] =	vst v0  }
0x314: {  	[tilespmem:$0x3198] =	vst v0  }
0x315: {  	[tilespmem:$0x31A8] =	vst v0  }
0x316: {  	[tilespmem:$0x31B8] =	vst v0  }
0x317: {  	[tilespmem:$0x40E8] =	vst v0  }
0x318: {  	[tilespmem:$0x40F8] =	vst v0  }
0x319: {  	[tilespmem:$0x31C8] =	vst v0  }
0x31a: {  	[tilespmem:$0x31D8] =	vst v0  }
0x31b: {  	[tilespmem:$0x31E8] =	vst v0  }
0x31c: {  	[tilespmem:$0x31F8] =	vst v0  }
0x31d: {  	[tilespmem:$0x3208] =	vst v0  }
0x31e: {  	[tilespmem:$0x3218] =	vst v0  }
0x31f: {  	[tilespmem:$0x3228] =	vst v0  }
0x320: {  	[tilespmem:$0x3238] =	vst v0  }
0x321: {  	[tilespmem:$0x3248] =	vst v0  }
0x322: {  	[tilespmem:$0x3258] =	vst v0  }
0x323: {  	[tilespmem:$0x3268] =	vst v0  }
0x324: {  	[tilespmem:$0x3278] =	vst v0  }
0x325: {  	[tilespmem:$0x3288] =	vst v0  }
0x326: {  	[tilespmem:$0x3298] =	vst v0  }
0x327: {  	[tilespmem:$0x32A8] =	vst v0  }
0x328: {  	[tilespmem:$0x32B8] =	vst v0  }
0x329: {  	[tilespmem:$0x32C8] =	vst v0  }
0x32a: {  	[tilespmem:$0x32D8] =	vst v0  }
0x32b: {  	[tilespmem:$0x32E8] =	vst v0  }
0x32c: {  	[tilespmem:$0x32F8] =	vst v0  }
0x32d: {  	[tilespmem:$0x3308] =	vst v0  }
0x32e: {  	[tilespmem:$0x3318] =	vst v0  }
0x32f: {  	[tilespmem:$0x3328] =	vst v0  }
0x330: {  	[tilespmem:$0x3338] =	vst v0  }
0x331: {  	[tilespmem:$0x3348] =	vst v0  }
0x332: {  	[tilespmem:$0x3358] =	vst v0  }
0x333: {  	[tilespmem:$0x3368] =	vst v0  }
0x334: {  	[tilespmem:$0x3378] =	vst v0  }
0x335: {  	[tilespmem:$0x3388] =	vst v0  }
0x336: {  	[tilespmem:$0x3398] =	vst v0  }
0x337: {  	[tilespmem:$0x33A8] =	vst v0  }
0x338: {  	[tilespmem:$0x33B8] =	vst v0  }
0x339: {  	[tilespmem:$0x33C8] =	vst v0  }
0x33a: {  	[tilespmem:$0x33D8] =	vst v0  }
0x33b: {  	[tilespmem:$0x33E8] =	vst v0  }
0x33c: {  	[tilespmem:$0x33F8] =	vst v0  }
0x33d: {  	[tilespmem:$0x3408] =	vst v0  }
0x33e: {  	[tilespmem:$0x3418] =	vst v0  }
0x33f: {  	[tilespmem:$0x3428] =	vst v0  }
0x340: {  	[tilespmem:$0x3438] =	vst v0  }
0x341: {  	[tilespmem:$0x3448] =	vst v0  }
0x342: {  	[tilespmem:$0x3458] =	vst v0  }
0x343: {  	[tilespmem:$0x3468] =	vst v0  }
0x344: {  	[tilespmem:$0x3478] =	vst v0  }
0x345: {  	[tilespmem:$0x3488] =	vst v0  }
0x346: {  	[tilespmem:$0x3498] =	vst v0  }
0x347: {  	[tilespmem:$0x34A8] =	vst v0  }
0x348: {  	[tilespmem:$0x34B8] =	vst v0  }
0x349: {  	[tilespmem:$0x34C8] =	vst v0  }
0x34a: {  	[tilespmem:$0x34D8] =	vst v0  }
0x34b: {  	[tilespmem:$0x34E8] =	vst v0  }
0x34c: {  	[tilespmem:$0x34F8] =	vst v0  }
0x34d: {  	[tilespmem:$0x3508] =	vst v0  }
0x34e: {  	[tilespmem:$0x3518] =	vst v0  }
0x34f: {  	[tilespmem:$0x3528] =	vst v0  }
0x350: {  	[tilespmem:$0x3538] =	vst v0  }
0x351: {  	[tilespmem:$0x3548] =	vst v0  }
0x352: {  	[tilespmem:$0x3558] =	vst v0  }
0x353: {  	[tilespmem:$0x3568] =	vst v0  }
0x354: {  	[tilespmem:$0x3578] =	vst v0  }
0x355: {  	[tilespmem:$0x3588] =	vst v0  }
0x356: {  	[tilespmem:$0x3598] =	vst v0  }
0x357: {  	[tilespmem:$0x35A8] =	vst v0  }
0x358: {  	[tilespmem:$0x35B8] =	vst v0  }
0x359: {  	[tilespmem:$0x35C8] =	vst v0  }
0x35a: {  	[tilespmem:$0x35D8] =	vst v0  }
0x35b: {  	[tilespmem:$0x35E8] =	vst v0  }
0x35c: {  	[tilespmem:$0x35F8] =	vst v0  }
0x35d: {  	[tilespmem:$0x3608] =	vst v0  }
0x35e: {  	[tilespmem:$0x3618] =	vst v0  }
0x35f: {  	[tilespmem:$0x3628] =	vst v0  }
0x360: {  	[tilespmem:$0x3638] =	vst v0  }
0x361: {  	[tilespmem:$0x3648] =	vst v0  }
0x362: {  	[tilespmem:$0x3658] =	vst v0  }
0x363: {  	[tilespmem:$0x3668] =	vst v0  }
0x364: {  	[tilespmem:$0x3678] =	vst v0  }
0x365: {  	[tilespmem:$0x3688] =	vst v0  }
0x366: {  	[tilespmem:$0x3698] =	vst v0  }
0x367: {  	[tilespmem:$0x36A8] =	vst v0  }
0x368: {  	[tilespmem:$0x36B8] =	vst v0  }
0x369: {  	[tilespmem:$0x36C8] =	vst v0  }
0x36a: {  	[tilespmem:$0x36D8] =	vst v0  }
0x36b: {  	[tilespmem:$0x36E8] =	vst v0  }
0x36c: {  	[tilespmem:$0x36F8] =	vst v0  }
0x36d: {  	[tilespmem:$0x3708] =	vst v0  }
0x36e: {  	[tilespmem:$0x3718] =	vst v0  }
0x36f: {  	[tilespmem:$0x3728] =	vst v0  }
0x370: {  	[tilespmem:$0x3738] =	vst v0  }
0x371: {  	[tilespmem:$0x3748] =	vst v0  }
0x372: {  	[tilespmem:$0x3758] =	vst v0  }
0x373: {  	[tilespmem:$0x3768] =	vst v0  }
0x374: {  	[tilespmem:$0x3778] =	vst v0  }
0x375: {  	[tilespmem:$0x3788] =	vst v0  }
0x376: {  	[tilespmem:$0x3798] =	vst v0  }
0x377: {  	[tilespmem:$0x37A8] =	vst v0  }
0x378: {  	[tilespmem:$0x37B8] =	vst v0  }
0x379: {  	[tilespmem:$0x37C8] =	vst v0  }
0x37a: {  	[tilespmem:$0x37D8] =	vst v0  }
0x37b: {  	[tilespmem:$0x37E8] =	vst v0  }
0x37c: {  	[tilespmem:$0x37F8] =	vst v0  }
0x37d: {  	[tilespmem:$0x3808] =	vst v0  }
0x37e: {  	[tilespmem:$0x3818] =	vst v0  }
0x37f: {  	[tilespmem:$0x3828] =	vst v0  }
0x380: {  	[tilespmem:$0x3838] =	vst v0  }
0x381: {  	[tilespmem:$0x3848] =	vst v0  }
0x382: {  	[tilespmem:$0x3858] =	vst v0  }
0x383: {  	[tilespmem:$0x3868] =	vst v0  }
0x384: {  	[tilespmem:$0x3878] =	vst v0  }
0x385: {  	[tilespmem:$0x3888] =	vst v0  }
0x386: {  	[tilespmem:$0x3898] =	vst v0  }
0x387: {  	[tilespmem:$0x38A8] =	vst v0  }
0x388: {  	[tilespmem:$0x38B8] =	vst v0  }
0x389: {  	[tilespmem:$0x38C8] =	vst v0  }
0x38a: {  	[tilespmem:$0x38D8] =	vst v0  }
0x38b: {  	[tilespmem:$0x38E8] =	vst v0  }
0x38c: {  	[tilespmem:$0x38F8] =	vst v0  }
0x38d: {  	[tilespmem:$0x3908] =	vst v0  }
0x38e: {  	[tilespmem:$0x3918] =	vst v0  }
0x38f: {  	[tilespmem:$0x3928] =	vst v0  }
0x390: {  	[tilespmem:$0x3938] =	vst v0  }
0x391: {  	[tilespmem:$0x3948] =	vst v0  }
0x392: {  	[tilespmem:$0x3958] =	vst v0  }
0x393: {  	[tilespmem:$0x3968] =	vst v0  }
0x394: {  	[tilespmem:$0x3978] =	vst v0  }
0x395: {  	[tilespmem:$0x3988] =	vst v0  }
0x396: {  	[tilespmem:$0x3998] =	vst v0  }
0x397: {  	[tilespmem:$0x39A8] =	vst v0  }
0x398: {  	[tilespmem:$0x39B8] =	vst v0  }
0x399: {  	[tilespmem:$0x39C8] =	vst v0  }
0x39a: {  	[tilespmem:$0x39D8] =	vst v0  }
0x39b: {  	[tilespmem:$0x39E8] =	vst v0  }
0x39c: {  	[tilespmem:$0x39F8] =	vst v0  }
0x39d: {  	[tilespmem:$0x3A08] =	vst v0  }
0x39e: {  	[tilespmem:$0x3A18] =	vst v0  }
0x39f: {  	[tilespmem:$0x3A28] =	vst v0  }
0x3a0: {  	[tilespmem:$0x3A38] =	vst v0  }
0x3a1: {  	[tilespmem:$0x3A48] =	vst v0  }
0x3a2: {  	[tilespmem:$0x3A58] =	vst v0  }
0x3a3: {  	[tilespmem:$0x3A68] =	vst v0  }
0x3a4: {  	[tilespmem:$0x3A78] =	vst v0  }
0x3a5: {  	[tilespmem:$0x3A88] =	vst v0  }
0x3a6: {  	[tilespmem:$0x3A98] =	vst v0  }
0x3a7: {  	[tilespmem:$0x3AA8] =	vst v0  }
0x3a8: {  	[tilespmem:$0x3AB8] =	vst v0  }
0x3a9: {  	[tilespmem:$0x3AC8] =	vst v0  }
0x3aa: {  	[tilespmem:$0x3AD8] =	vst v0  }
0x3ab: {  	[tilespmem:$0x3AE8] =	vst v0  }
0x3ac: {  	[tilespmem:$0x3AF8] =	vst v0  }
0x3ad: {  	[tilespmem:$0x3B08] =	vst v0  }
0x3ae: {  	[tilespmem:$0x3B18] =	vst v0  }
0x3af: {  	[tilespmem:$0x3B28] =	vst v0  }
0x3b0: {  	[tilespmem:$0x3B38] =	vst v0  }
0x3b1: {  	[tilespmem:$0x3B48] =	vst v0  }
0x3b2: {  	[tilespmem:$0x3B58] =	vst v0  }
0x3b3: {  	[tilespmem:$0x3B68] =	vst v0  }
0x3b4: {  	[tilespmem:$0x3B78] =	vst v0  }
0x3b5: {  	[tilespmem:$0x3B88] =	vst v0  }
0x3b6: {  	[tilespmem:$0x3B98] =	vst v0  }
0x3b7: {  	[tilespmem:$0x3BA8] =	vst v0  }
0x3b8: {  	[tilespmem:$0x3BB8] =	vst v0  }
0x3b9: {  	[tilespmem:$0x3BC8] =	vst v0  }
0x3ba: {  	[tilespmem:$0x3BD8] =	vst v0  }
0x3bb: {  	[tilespmem:$0x3BE8] =	vst v0  }
0x3bc: {  	[tilespmem:$0x3BF8] =	vst v0  }
0x3bd: {  	[tilespmem:$0x3C08] =	vst v0  }
0x3be: {  	[tilespmem:$0x3C18] =	vst v0  }
0x3bf: {  	[tilespmem:$0x3C28] =	vst v0  }
0x3c0: {  	[tilespmem:$0x3C38] =	vst v0  }
0x3c1: {  	[tilespmem:$0x3C48] =	vst v0  }
0x3c2: {  	[tilespmem:$0x3C58] =	vst v0  }
0x3c3: {  	[tilespmem:$0x3C68] =	vst v0  }
0x3c4: {  	[tilespmem:$0x3C78] =	vst v0  }
0x3c5: {  	[tilespmem:$0x3C88] =	vst v0  }
0x3c6: {  	[tilespmem:$0x3C98] =	vst v0  }
0x3c7: {  	[tilespmem:$0x3CA8] =	vst v0  }
0x3c8: {  	[tilespmem:$0x3CB8] =	vst v0  }
0x3c9: {  	[tilespmem:$0x3CC8] =	vst v0  }
0x3ca: {  	[tilespmem:$0x3CD8] =	vst v0  }
0x3cb: {  	[tilespmem:$0x3CE8] =	vst v0  }
0x3cc: {  	[tilespmem:$0x3CF8] =	vst v0  }
0x3cd: {  	[tilespmem:$0x3D08] =	vst v0  }
0x3ce: {  	[tilespmem:$0x3D18] =	vst v0  }
0x3cf: {  	[tilespmem:$0x3D28] =	vst v0  }
0x3d0: {  	[tilespmem:$0x3D38] =	vst v0  }
0x3d1: {  	[tilespmem:$0x3D48] =	vst v0  }
0x3d2: {  	[tilespmem:$0x3D58] =	vst v0  }
0x3d3: {  	[tilespmem:$0x3D68] =	vst v0  }
0x3d4: {  	[tilespmem:$0x3D78] =	vst v0  }
0x3d5: {  	[tilespmem:$0x3D88] =	vst v0  }
0x3d6: {  	[tilespmem:$0x3D98] =	vst v0  }
0x3d7: {  	[tilespmem:$0x3DA8] =	vst v0  }
0x3d8: {  	[tilespmem:$0x3DB8] =	vst v0  }
0x3d9: {  	[tilespmem:$0x3DC8] =	vst v0  }
0x3da: {  	[tilespmem:$0x3DD8] =	vst v0  }
0x3db: {  	[tilespmem:$0x3DE8] =	vst v0  }
0x3dc: {  	[tilespmem:$0x3DF8] =	vst v0  }
0x3dd: {  	[tilespmem:$0x3E08] =	vst v0  }
0x3de: {  	[tilespmem:$0x3E18] =	vst v0  }
0x3df: {  	[tilespmem:$0x3E28] =	vst v0  }
0x3e0: {  	[tilespmem:$0x3E38] =	vst v0  }
0x3e1: {  	[tilespmem:$0x3E48] =	vst v0  }
0x3e2: {  	[tilespmem:$0x3E58] =	vst v0  }
0x3e3: {  	[tilespmem:$0x3E68] =	vst v0  }
0x3e4: {  	[tilespmem:$0x3E78] =	vst v0  }
0x3e5: {  	[tilespmem:$0x3E88] =	vst v0  }
0x3e6: {  	[tilespmem:$0x3E98] =	vst v0  }
0x3e7: {  	[tilespmem:$0x3EA8] =	vst v0  }
0x3e8: {  	[tilespmem:$0x3EB8] =	vst v0  }
0x3e9: {  	[tilespmem:$0x3EC8] =	vst v0  }
0x3ea: {  	[tilespmem:$0x3ED8] =	vst v0  }
0x3eb: {  	[tilespmem:$0x3EE8] =	vst v0  }
0x3ec: {  	[tilespmem:$0x3EF8] =	vst v0  }
0x3ed: {  	[tilespmem:$0x3F08] =	vst v0  }
0x3ee: {  	[tilespmem:$0x3F18] =	vst v0  }
0x3ef: {  	[tilespmem:$0x3F28] =	vst v0  }
0x3f0: {  	[tilespmem:$0x3F38] =	vst v0  }
0x3f1: {  	[tilespmem:$0x3F48] =	vst v0  }
0x3f2: {  	[tilespmem:$0x3F58] =	vst v0  }
0x3f3: {  	[tilespmem:$0x3F68] =	vst v0  }
0x3f4: {  	[tilespmem:$0x3F78] =	vst v0  }
0x3f5: {  	[tilespmem:$0x3F88] =	vst v0  }
0x3f6: {  	[tilespmem:$0x3F98] =	vst v0  }
0x3f7: {  	[tilespmem:$0x3FA8] =	vst v0  }
0x3f8: {  	[tilespmem:$0x3FB8] =	vst v0  }
0x3f9: {  	[tilespmem:$0x3FC8] =	vst v0  }
0x3fa: {  	[tilespmem:$0x3FD8] =	vst v0  }
0x3fb: {  	[tilespmem:$0x3FE8] =	vst v0  }
0x3fc: {  	[tilespmem:$0x3FF8] =	vst v0  }
0x3fd: {  	[tilespmem:$0x4008] =	vst v0  }
0x3fe: {  	[tilespmem:$0x4018] =	vst v0  }
0x3ff: {  	[tilespmem:$0x4028] =	vst v0  }
0x400: {  	[tilespmem:$0x4038] =	vst v0  }
0x401: {  	[tilespmem:$0x4048] =	vst v0  }
0x402: {  	[tilespmem:$0x4058] =	vst v0  }
0x403: {  	[tilespmem:$0x4068] =	vst v0  }
0x404: {  	[tilespmem:$0x4078] =	vst v0  }
0x405: {  	[tilespmem:$0x4088] =	vst v0  }
0x406: {  	[tilespmem:$0x4098] =	vst v0  }
0x407: {  	[tilespmem:$0x40A8] =	vst v0  }
0x408: {  	[tilespmem:$0x40B8] =	vst v0  }
0x409: {  	[tilespmem:$0x40C8] =	vst v0  }
0x40a: {  	[tilespmem:$0x40D8] =	vst v0  }
0x40b: {  	[tilespmem:$0x4108] =	vst v0  }
0x40c: {  	[tilespmem:$0x4118] =	vst v0  }
0x40d: {  	[tilespmem:$0x4128] =	vst v0  }
0x40e: {  	[tilespmem:$0x4138] =	vst v0  }
0x40f: {  	[tilespmem:$0x4148] =	vst v0  }
0x410: {  	[tilespmem:$0x4158] =	vst v0  }
0x411: {  	[tilespmem:$0x4168] =	vst v0  }
0x412: {  	[tilespmem:$0x4178] =	vst v0  }
0x413: {  	[tilespmem:$0x4188] =	vst v0  }
0x414: {  	[tilespmem:$0x4198] =	vst v0  }
0x415: {  	[tilespmem:$0x41A8] =	vst v0  }
0x416: {  	[tilespmem:$0x41B8] =	vst v0  }
0x417: {  	[tilespmem:$0x41C8] =	vst v0  }
0x418: {  	[tilespmem:$0x41D8] =	vst v0  }
0x419: {  	[tilespmem:$0x41E8] =	vst v0  }
0x41a: {  	[tilespmem:$0x41F8] =	vst v0  }
0x41b: {  	[tilespmem:$0x4208] =	vst v0  }
0x41c: {  	[tilespmem:$0x4218] =	vst v0  }
0x41d: {  	[tilespmem:$0x4228] =	vst v0  }
0x41e: {  	[tilespmem:$0x4238] =	vst v0  }
0x41f: {  	[tilespmem:$0x4248] =	vst v0  }
0x420: {  	[tilespmem:$0x4258] =	vst v0  }
0x421: {  	[tilespmem:$0x4268] =	vst v0  }
0x422: {  	[tilespmem:$0x4278] =	vst v0  }
0x423: {  	[tilespmem:$0x4288] =	vst v0  }
0x424: {  	[tilespmem:$0x4298] =	vst v0  }
0x425: {  	[tilespmem:$0x42A8] =	vst v0  }
0x426: {  	[tilespmem:$0x42B8] =	vst v0  }
0x427: {  	[tilespmem:$0x42C8] =	vst v0  }
0x428: {  	[tilespmem:$0x42D8] =	vst v0  }
0x429: {  	[tilespmem:$0x42E8] =	vst v0  }
0x42a: {  	[tilespmem:$0x42F8] =	vst v0  }
0x42b: {  	[tilespmem:$0x4308] =	vst v0  }
0x42c: {  	[tilespmem:$0x4318] =	vst v0  }
0x42d: {  	[tilespmem:$0x4328] =	vst v0  }
0x42e: {  	[tilespmem:$0x4338] =	vst v0  }
0x42f: {  	[tilespmem:$0x4348] =	vst v0  }
0x430: {  	[tilespmem:$0x4358] =	vst v0  }
0x431: {  	[tilespmem:$0x4368] =	vst v0  }
0x432: {  	[tilespmem:$0x4378] =	vst v0  }
0x433: {  	[tilespmem:$0x4388] =	vst v0  }
0x434: {  	[tilespmem:$0x4398] =	vst v0  }
0x435: {  	[tilespmem:$0x43A8] =	vst v0  }
0x436: {  	[tilespmem:$0x43B8] =	vst v0  }
0x437: {  	[tilespmem:$0x43C8] =	vst v0  }
0x438: {  	[tilespmem:$0x43D8] =	vst v0  }
0x439: {  	[tilespmem:$0x43E8] =	vst v0  }
0x43a: {  	[tilespmem:$0x43F8] =	vst v0  }
0x43b: {  	[tilespmem:$0x4408] =	vst v0  }
0x43c: {  	[tilespmem:$0x4418] =	vst v0  }
0x43d: {  	[tilespmem:$0x4428] =	vst v0  }
0x43e: {  	[tilespmem:$0x4438] =	vst v0  }
0x43f: {  	[tilespmem:$0x4448] =	vst v0  }
0x440: {  	[tilespmem:$0x4458] =	vst v0  }
0x441: {  	[tilespmem:$0x4468] =	vst v0  }
0x442: {  	[tilespmem:$0x4478] =	vst v0  }
0x443: {  	[tilespmem:$0x4488] =	vst v0  }
0x444: {  	[tilespmem:$0x4498] =	vst v0  }
0x445: {  	[tilespmem:$0x44A8] =	vst v0  }
0x446: {  	[tilespmem:$0x44B8] =	vst v0  }
0x447: {  	[tilespmem:$0x44C8] =	vst v0  }
0x448: {  	[tilespmem:$0x44D8] =	vst v0  }
0x449: {  	[tilespmem:$0x44E8] =	vst v0  }
0x44a: {  	[tilespmem:$0x44F8] =	vst v0  }
0x44b: {  	[tilespmem:$0x4508] =	vst v0  }
0x44c: {  	[tilespmem:$0x4518] =	vst v0  }
0x44d: {  	[tilespmem:$0x4528] =	vst v0  }
0x44e: {  	[tilespmem:$0x4538] =	vst v0  }
0x44f: {  	[tilespmem:$0x4548] =	vst v0  }
0x450: {  	[tilespmem:$0x4558] =	vst v0  }
0x451: {  	[tilespmem:$0x4568] =	vst v0  }
0x452: {  	[tilespmem:$0x4578] =	vst v0  }
0x453: {  	[tilespmem:$0x4588] =	vst v0  }
0x454: {  	[tilespmem:$0x4598] =	vst v0  }
0x455: {  	[tilespmem:$0x45A8] =	vst v0  }
0x456: {  	[tilespmem:$0x45B8] =	vst v0  }
0x457: {  	[tilespmem:$0x45C8] =	vst v0  }
0x458: {  	[tilespmem:$0x45D8] =	vst v0  }
0x459: {  	[tilespmem:$0x45E8] =	vst v0  }
0x45a: {  	[tilespmem:$0x45F8] =	vst v0  }
0x45b: {  	[tilespmem:$0x4608] =	vst v0  }
0x45c: {  	[tilespmem:$0x4618] =	vst v0  }
0x45d: {  	[tilespmem:$0x4628] =	vst v0  }
0x45e: {  	[tilespmem:$0x4638] =	vst v0  }
0x45f: {  	[tilespmem:$0x4648] =	vst v0  }
0x460: {  	[tilespmem:$0x4658] =	vst v0  }
0x461: {  	[tilespmem:$0x4668] =	vst v0  }
0x462: {  	[tilespmem:$0x4678] =	vst v0  }
0x463: {  	[tilespmem:$0x4688] =	vst v0  }
0x464: {  	[tilespmem:$0x4698] =	vst v0  }
0x465: {  	[tilespmem:$0x46A8] =	vst v0  }
0x466: {  	[tilespmem:$0x46B8] =	vst v0  }
0x467: {  	[tilespmem:$0x46C8] =	vst v0  }
0x468: {  	[tilespmem:$0x46D8] =	vst v0  }
0x469: {  	[tilespmem:$0x46E8] =	vst v0  }
0x46a: {  	[tilespmem:$0x46F8] =	vst v0  }
0x46b: {  	[tilespmem:$0x4708] =	vst v0  }
0x46c: {  	[tilespmem:$0x4718] =	vst v0  }
0x46d: {  	[tilespmem:$0x4728] =	vst v0  }
0x46e: {  	[tilespmem:$0x4738] =	vst v0  }
0x46f: {  	[tilespmem:$0x4748] =	vst v0  }
0x470: {  	[tilespmem:$0x4758] =	vst v0  }
0x471: {  	[tilespmem:$0x4768] =	vst v0  }
0x472: {  	[tilespmem:$0x4778] =	vst v0  }
0x473: {  	[tilespmem:$0x4788] =	vst v0  }
0x474: {  	[tilespmem:$0x4798] =	vst v0  }
0x475: {  	[tilespmem:$0x47A8] =	vst v0  }
0x476: {  	[tilespmem:$0x47B8] =	vst v0  }
0x477: {  	[tilespmem:$0x47C8] =	vst v0  }
0x478: {  	[tilespmem:$0x47D8] =	vst v0  }
0x479: {  	[tilespmem:$0x47E8] =	vst v0  }
0x47a: {  	[tilespmem:$0x47F8] =	vst v0  }
0x47b: {  	[tilespmem:$0x4808] =	vst v0  }
0x47c: {  	[tilespmem:$0x4818] =	vst v0  }
0x47d: {  	[tilespmem:$0x4828] =	vst v0  }
0x47e: {  	[tilespmem:$0x4838] =	vst v0  }
0x47f: {  	[tilespmem:$0x4848] =	vst v0  }
0x480: {  	[tilespmem:$0x4858] =	vst v0  }
0x481: {  	[tilespmem:$0x4868] =	vst v0  }
0x482: {  	[tilespmem:$0x4878] =	vst v0  }
0x483: {  	[tilespmem:$0x4888] =	vst v0  }
0x484: {  	[tilespmem:$0x4898] =	vst v0  }
0x485: {  	[tilespmem:$0x48A8] =	vst v0  }
0x486: {  	[tilespmem:$0x48B8] =	vst v0  }
0x487: {  	[tilespmem:$0x48C8] =	vst v0  }
0x488: {  	[tilespmem:$0x48D8] =	vst v0  }
0x489: {  	[tilespmem:$0x48E8] =	vst v0  }
0x48a: {  	[tilespmem:$0x48F8] =	vst v0  }
0x48b: {  	[tilespmem:$0x4908] =	vst v0  }
0x48c: {  	[tilespmem:$0x4918] =	vst v0  }
0x48d: {  	[tilespmem:$0x4928] =	vst v0  }
0x48e: {  	[tilespmem:$0x4938] =	vst v0  }
0x48f: {  	[tilespmem:$0x4948] =	vst v0  }
0x490: {  	[tilespmem:$0x4958] =	vst v0  }
0x491: {  	[tilespmem:$0x4968] =	vst v0  }
0x492: {  	[tilespmem:$0x4978] =	vst v0  }
0x493: {  	[tilespmem:$0x4988] =	vst v0  }
0x494: {  	[tilespmem:$0x4998] =	vst v0  }
0x495: {  	[tilespmem:$0x49A8] =	vst v0  }
0x496: {  	[tilespmem:$0x49B8] =	vst v0  }
0x497: {  	[tilespmem:$0x49C8] =	vst v0  }
0x498: {  	[tilespmem:$0x49D8] =	vst v0  }
0x499: {  	[tilespmem:$0x49E8] =	vst v0  }
0x49a: {  	[tilespmem:$0x49F8] =	vst v0  }
0x49b: {  	[tilespmem:$0x4A08] =	vst v0  }
0x49c: {  	[tilespmem:$0x4A18] =	vst v0  }
0x49d: {  	[tilespmem:$0x4A28] =	vst v0  }
0x49e: {  	[tilespmem:$0x4A38] =	vst v0  }
0x49f: {  	[tilespmem:$0x4A48] =	vst v0  }
0x4a0: {  	[tilespmem:$0x4A58] =	vst v0  }
0x4a1: {  	[tilespmem:$0x4A68] =	vst v0  }
0x4a2: {  	[tilespmem:$0x4A78] =	vst v0  }
0x4a3: {  	[tilespmem:$0x4A88] =	vst v0  }
0x4a4: {  	[tilespmem:$0x4A98] =	vst v0  }
0x4a5: {  	[tilespmem:$0x4AA8] =	vst v0  }
0x4a6: {  	[tilespmem:$0x4AB8] =	vst v0  }
0x4a7: {  	[tilespmem:$0x4AC8] =	vst v0  }
0x4a8: {  	[tilespmem:$0x4AD8] =	vst v0  }
0x4a9: {  	[tilespmem:$0x4AE8] =	vst v0  }
0x4aa: {  	[tilespmem:$0x4AF8] =	vst v0  }
0x4ab: {  	[tilespmem:$0x4B08] =	vst v0  }
0x4ac: {  	[tilespmem:$0x4B18] =	vst v0  }
0x4ad: {  	[tilespmem:$0x4B28] =	vst v0  }
0x4ae: {  	[tilespmem:$0x4B38] =	vst v0  }
0x4af: {  	[tilespmem:$0x4B48] =	vst v0  }
0x4b0: {  	[tilespmem:$0x4B58] =	vst v0  }
0x4b1: {  	[tilespmem:$0x4B68] =	vst v0  }
0x4b2: {  	[tilespmem:$0x4B78] =	vst v0  }
0x4b3: {  	[tilespmem:$0x4B88] =	vst v0  }
0x4b4: {  	[tilespmem:$0x4B98] =	vst v0  }
0x4b5: {  	[tilespmem:$0x4BA8] =	vst v0  }
0x4b6: {  	[tilespmem:$0x4BB8] =	vst v0  }
0x4b7: {  	[tilespmem:$0x4BC8] =	vst v0  }
0x4b8: {  	[tilespmem:$0x4BD8] =	vst v0  }
0x4b9: {  	[tilespmem:$0x4BE8] =	vst v0  }
0x4ba: {  	[tilespmem:$0x4BF8] =	vst v0  }
0x4bb: {  	[tilespmem:$0x4C08] =	vst v0  }
0x4bc: {  	[tilespmem:$0x4C18] =	vst v0  }
0x4bd: {  	[tilespmem:$0x4C28] =	vst v0  }
0x4be: {  	[tilespmem:$0x4C38] =	vst v0  }
0x4bf: {  	[tilespmem:$0x4C48] =	vst v0  }
0x4c0: {  	[tilespmem:$0x4C58] =	vst v0  }
0x4c1: {  	[tilespmem:$0x4C68] =	vst v0  }
0x4c2: {  	[tilespmem:$0x4C78] =	vst v0  }
0x4c3: {  	[tilespmem:$0x4C88] =	vst v0  }
0x4c4: {  	[tilespmem:$0x4C98] =	vst v0  }
0x4c5: {  	[tilespmem:$0x4CA8] =	vst v0  }
0x4c6: {  	[tilespmem:$0x4CB8] =	vst v0  }
0x4c7: {  	[tilespmem:$0x4CC8] =	vst v0  }
0x4c8: {  	[tilespmem:$0x4CD8] =	vst v0  }
0x4c9: {  	[tilespmem:$0x4CE8] =	vst v0  }
0x4ca: {  	[tilespmem:$0x4CF8] =	vst v0  }
0x4cb: {  	[tilespmem:$0x4D08] =	vst v0  }
0x4cc: {  	[tilespmem:$0x4D18] =	vst v0  }
0x4cd: {  	[tilespmem:$0x4D28] =	vst v0  }
0x4ce: {  	[tilespmem:$0x4D38] =	vst v0  }
0x4cf: {  	[tilespmem:$0x4D48] =	vst v0  }
0x4d0: {  	[tilespmem:$0x4D58] =	vst v0  }
0x4d1: {  	[tilespmem:$0x4D68] =	vst v0  }
0x4d2: {  	[tilespmem:$0x4D78] =	vst v0  }
0x4d3: {  	[tilespmem:$0x4D88] =	vst v0  }
0x4d4: {  	[tilespmem:$0x4D98] =	vst v0  }
0x4d5: {  	[tilespmem:$0x4DA8] =	vst v0  }
0x4d6: {  	[tilespmem:$0x4DB8] =	vst v0  }
0x4d7: {  	[tilespmem:$0x4DC8] =	vst v0  }
0x4d8: {  	[tilespmem:$0x4DD8] =	vst v0  }
0x4d9: {  	[tilespmem:$0x4DE8] =	vst v0  }
0x4da: {  	[tilespmem:$0x4DF8] =	vst v0  }
0x4db: {  	[tilespmem:$0x4E08] =	vst v0  }
0x4dc: {  	[tilespmem:$0x4E18] =	vst v0  }
0x4dd: {  	[tilespmem:$0x4E28] =	vst v0  }
0x4de: {  	[tilespmem:$0x4E38] =	vst v0  }
0x4df: {  	[tilespmem:$0x4E48] =	vst v0  }
0x4e0: {  	[tilespmem:$0x4E58] =	vst v0  }
0x4e1: {  	[tilespmem:$0x4E68] =	vst v0  }
0x4e2: {  	[tilespmem:$0x4E78] =	vst v0  }
0x4e3: {  	[tilespmem:$0x4E88] =	vst v0  }
0x4e4: {  	[tilespmem:$0x4E98] =	vst v0  }
0x4e5: {  	[tilespmem:$0x4EA8] =	vst v0  }
0x4e6: {  	[tilespmem:$0x4EB8] =	vst v0  }
0x4e7: {  	[tilespmem:$0x4EC8] =	vst v0  }
0x4e8: {  	[tilespmem:$0x4ED8] =	vst v0  }
0x4e9: {  	[tilespmem:$0x4EE8] =	vst v0  }
0x4ea: {  	[tilespmem:$0x4EF8] =	vst v0  }
0x4eb: {  	[tilespmem:$0x4F08] =	vst v0  }
0x4ec: {  	[tilespmem:$0x4F18] =	vst v0  }
0x4ed: {  	[tilespmem:$0x4F28] =	vst v0  }
0x4ee: {  	[tilespmem:$0x4F38] =	vst v0  }
0x4ef: {  	[tilespmem:$0x4F48] =	vst v0  }
0x4f0: {  	[tilespmem:$0x4F58] =	vst v0  }
0x4f1: {  	[tilespmem:$0x4F68] =	vst v0  }
0x4f2: {  	[tilespmem:$0x4F78] =	vst v0  }
0x4f3: {  	[tilespmem:$0x4F88] =	vst v0  }
0x4f4: {  	[tilespmem:$0x4F98] =	vst v0  }
0x4f5: {  	[tilespmem:$0x4FA8] =	vst v0  }
0x4f6: {  	[tilespmem:$0x4FB8] =	vst v0  }
0x4f7: {  	[tilespmem:$0x4FC8] =	vst v0  }
0x4f8: {  	[tilespmem:$0x4FD8] =	vst v0  }
0x4f9: {  	[tilespmem:$0x4FE8] =	vst v0  }
0x4fa: {  	[tilespmem:$0x4FF8] =	vst v0  }
0x4fb: {  	[tilespmem:$0x5008] =	vst v0  }
0x4fc: {  	[tilespmem:$0x5018] =	vst v0  }
0x4fd: {  	[tilespmem:$0x5028] =	vst v0  }
0x4fe: {  	[tilespmem:$0x5038] =	vst v0  }
0x4ff: {  	[tilespmem:$0x5048] =	vst v0  }
0x500: {  	[tilespmem:$0x5058] =	vst v0  }
0x501: {  	[tilespmem:$0x5068] =	vst v0  }
0x502: {  	[tilespmem:$0x5078] =	vst v0  }
0x503: {  	[tilespmem:$0x5088] =	vst v0  }
0x504: {  	[tilespmem:$0x5098] =	vst v0  }
0x505: {  	[tilespmem:$0x50A8] =	vst v0  }
0x506: {  	[tilespmem:$0x50B8] =	vst v0  }
0x507: {  	[tilespmem:$0x50C8] =	vst v0  }
0x508: {  	[tilespmem:$0x50D8] =	vst v0  }
0x509: {  	[tilespmem:$0x50E8] =	vst v0  }
0x50a: {  	[tilespmem:$0x50F8] =	vst v0  }
0x50b: {  	[tilespmem:$0x51A8] =	vst v0  }
0x50c: {  	[tilespmem:$0x5FE8] =	vst v0  }
0x50d: {  	[tilespmem:$0x5FD8] =	vst v0  }
0x50e: {  	[tilespmem:$0x5FC8] =	vst v0  }
0x50f: {  	[tilespmem:$0x5FB8] =	vst v0  }
0x510: {  	[tilespmem:$0x5FA8] =	vst v0  }
0x511: {  	[tilespmem:$0x5F98] =	vst v0  }
0x512: {  	[tilespmem:$0x5F88] =	vst v0  }
0x513: {  	[tilespmem:$0x5F78] =	vst v0  }
0x514: {  	[tilespmem:$0x5F68] =	vst v0  }
0x515: {  	[tilespmem:$0x5F58] =	vst v0  }
0x516: {  	[tilespmem:$0x5F48] =	vst v0  }
0x517: {  	[tilespmem:$0x5F38] =	vst v0  }
0x518: {  	[tilespmem:$0x5F28] =	vst v0  }
0x519: {  	[tilespmem:$0x5F18] =	vst v0  }
0x51a: {  	[tilespmem:$0x5F08] =	vst v0  }
0x51b: {  	[tilespmem:$0x5EF8] =	vst v0  }
0x51c: {  	[tilespmem:$0x5EE8] =	vst v0  }
0x51d: {  	[tilespmem:$0x5ED8] =	vst v0  }
0x51e: {  	[tilespmem:$0x5EC8] =	vst v0  }
0x51f: {  	[tilespmem:$0x5EB8] =	vst v0  }
0x520: {  	[tilespmem:$0x5EA8] =	vst v0  }
0x521: {  	[tilespmem:$0x5E98] =	vst v0  }
0x522: {  	[tilespmem:$0x5E88] =	vst v0  }
0x523: {  	[tilespmem:$0x5E78] =	vst v0  }
0x524: {  	[tilespmem:$0x5E68] =	vst v0  }
0x525: {  	[tilespmem:$0x5E58] =	vst v0  }
0x526: {  	[tilespmem:$0x5E48] =	vst v0  }
0x527: {  	[tilespmem:$0x5E38] =	vst v0  }
0x528: {  	[tilespmem:$0x5E28] =	vst v0  }
0x529: {  	[tilespmem:$0x5E18] =	vst v0  }
0x52a: {  	[tilespmem:$0x5E08] =	vst v0  }
0x52b: {  	[tilespmem:$0x5DF8] =	vst v0  }
0x52c: {  	[tilespmem:$0x5DE8] =	vst v0  }
0x52d: {  	[tilespmem:$0x5DD8] =	vst v0  }
0x52e: {  	[tilespmem:$0x5DC8] =	vst v0  }
0x52f: {  	[tilespmem:$0x5DB8] =	vst v0  }
0x530: {  	[tilespmem:$0x5DA8] =	vst v0  }
0x531: {  	[tilespmem:$0x5D98] =	vst v0  }
0x532: {  	[tilespmem:$0x5D88] =	vst v0  }
0x533: {  	[tilespmem:$0x5D78] =	vst v0  }
0x534: {  	[tilespmem:$0x5D68] =	vst v0  }
0x535: {  	[tilespmem:$0x5D58] =	vst v0  }
0x536: {  	[tilespmem:$0x5D48] =	vst v0  }
0x537: {  	[tilespmem:$0x5D38] =	vst v0  }
0x538: {  	[tilespmem:$0x5D28] =	vst v0  }
0x539: {  	[tilespmem:$0x5D18] =	vst v0  }
0x53a: {  	[tilespmem:$0x5D08] =	vst v0  }
0x53b: {  	[tilespmem:$0x5CF8] =	vst v0  }
0x53c: {  	[tilespmem:$0x5CE8] =	vst v0  }
0x53d: {  	[tilespmem:$0x5CD8] =	vst v0  }
0x53e: {  	[tilespmem:$0x5CC8] =	vst v0  }
0x53f: {  	[tilespmem:$0x5CB8] =	vst v0  }
0x540: {  	[tilespmem:$0x5CA8] =	vst v0  }
0x541: {  	[tilespmem:$0x5C98] =	vst v0  }
0x542: {  	[tilespmem:$0x5C88] =	vst v0  }
0x543: {  	[tilespmem:$0x5C78] =	vst v0  }
0x544: {  	[tilespmem:$0x5C68] =	vst v0  }
0x545: {  	[tilespmem:$0x5C58] =	vst v0  }
0x546: {  	[tilespmem:$0x5C48] =	vst v0  }
0x547: {  	[tilespmem:$0x5C38] =	vst v0  }
0x548: {  	[tilespmem:$0x5C28] =	vst v0  }
0x549: {  	[tilespmem:$0x5C18] =	vst v0  }
0x54a: {  	[tilespmem:$0x5C08] =	vst v0  }
0x54b: {  	[tilespmem:$0x5BF8] =	vst v0  }
0x54c: {  	[tilespmem:$0x5BE8] =	vst v0  }
0x54d: {  	[tilespmem:$0x5BD8] =	vst v0  }
0x54e: {  	[tilespmem:$0x5BC8] =	vst v0  }
0x54f: {  	[tilespmem:$0x5BB8] =	vst v0  }
0x550: {  	[tilespmem:$0x5BA8] =	vst v0  }
0x551: {  	[tilespmem:$0x5B98] =	vst v0  }
0x552: {  	[tilespmem:$0x5B88] =	vst v0  }
0x553: {  	[tilespmem:$0x5B78] =	vst v0  }
0x554: {  	[tilespmem:$0x5B68] =	vst v0  }
0x555: {  	[tilespmem:$0x5B58] =	vst v0  }
0x556: {  	[tilespmem:$0x5B48] =	vst v0  }
0x557: {  	[tilespmem:$0x5B38] =	vst v0  }
0x558: {  	[tilespmem:$0x5B28] =	vst v0  }
0x559: {  	[tilespmem:$0x5B18] =	vst v0  }
0x55a: {  	[tilespmem:$0x5B08] =	vst v0  }
0x55b: {  	[tilespmem:$0x5AF8] =	vst v0  }
0x55c: {  	[tilespmem:$0x5AE8] =	vst v0  }
0x55d: {  	[tilespmem:$0x5AD8] =	vst v0  }
0x55e: {  	[tilespmem:$0x5AC8] =	vst v0  }
0x55f: {  	[tilespmem:$0x5AB8] =	vst v0  }
0x560: {  	[tilespmem:$0x5AA8] =	vst v0  }
0x561: {  	[tilespmem:$0x5A98] =	vst v0  }
0x562: {  	[tilespmem:$0x5A88] =	vst v0  }
0x563: {  	[tilespmem:$0x5A78] =	vst v0  }
0x564: {  	[tilespmem:$0x5A68] =	vst v0  }
0x565: {  	[tilespmem:$0x5A58] =	vst v0  }
0x566: {  	[tilespmem:$0x5A48] =	vst v0  }
0x567: {  	[tilespmem:$0x5A38] =	vst v0  }
0x568: {  	[tilespmem:$0x5A28] =	vst v0  }
0x569: {  	[tilespmem:$0x5A18] =	vst v0  }
0x56a: {  	[tilespmem:$0x5A08] =	vst v0  }
0x56b: {  	[tilespmem:$0x59F8] =	vst v0  }
0x56c: {  	[tilespmem:$0x59E8] =	vst v0  }
0x56d: {  	[tilespmem:$0x59D8] =	vst v0  }
0x56e: {  	[tilespmem:$0x59C8] =	vst v0  }
0x56f: {  	[tilespmem:$0x59B8] =	vst v0  }
0x570: {  	[tilespmem:$0x59A8] =	vst v0  }
0x571: {  	[tilespmem:$0x5998] =	vst v0  }
0x572: {  	[tilespmem:$0x5988] =	vst v0  }
0x573: {  	[tilespmem:$0x5978] =	vst v0  }
0x574: {  	[tilespmem:$0x5968] =	vst v0  }
0x575: {  	[tilespmem:$0x5958] =	vst v0  }
0x576: {  	[tilespmem:$0x5948] =	vst v0  }
0x577: {  	[tilespmem:$0x5938] =	vst v0  }
0x578: {  	[tilespmem:$0x5928] =	vst v0  }
0x579: {  	[tilespmem:$0x5918] =	vst v0  }
0x57a: {  	[tilespmem:$0x5908] =	vst v0  }
0x57b: {  	[tilespmem:$0x58F8] =	vst v0  }
0x57c: {  	[tilespmem:$0x58E8] =	vst v0  }
0x57d: {  	[tilespmem:$0x58D8] =	vst v0  }
0x57e: {  	[tilespmem:$0x58C8] =	vst v0  }
0x57f: {  	[tilespmem:$0x58B8] =	vst v0  }
0x580: {  	[tilespmem:$0x58A8] =	vst v0  }
0x581: {  	[tilespmem:$0x5898] =	vst v0  }
0x582: {  	[tilespmem:$0x5888] =	vst v0  }
0x583: {  	[tilespmem:$0x5878] =	vst v0  }
0x584: {  	[tilespmem:$0x5868] =	vst v0  }
0x585: {  	[tilespmem:$0x5858] =	vst v0  }
0x586: {  	[tilespmem:$0x5848] =	vst v0  }
0x587: {  	[tilespmem:$0x5838] =	vst v0  }
0x588: {  	[tilespmem:$0x5828] =	vst v0  }
0x589: {  	[tilespmem:$0x5818] =	vst v0  }
0x58a: {  	[tilespmem:$0x5808] =	vst v0  }
0x58b: {  	[tilespmem:$0x57F8] =	vst v0  }
0x58c: {  	[tilespmem:$0x57E8] =	vst v0  }
0x58d: {  	[tilespmem:$0x57D8] =	vst v0  }
0x58e: {  	[tilespmem:$0x57C8] =	vst v0  }
0x58f: {  	[tilespmem:$0x57B8] =	vst v0  }
0x590: {  	[tilespmem:$0x57A8] =	vst v0  }
0x591: {  	[tilespmem:$0x5798] =	vst v0  }
0x592: {  	[tilespmem:$0x5788] =	vst v0  }
0x593: {  	[tilespmem:$0x5778] =	vst v0  }
0x594: {  	[tilespmem:$0x5768] =	vst v0  }
0x595: {  	[tilespmem:$0x5758] =	vst v0  }
0x596: {  	[tilespmem:$0x5748] =	vst v0  }
0x597: {  	[tilespmem:$0x5738] =	vst v0  }
0x598: {  	[tilespmem:$0x5728] =	vst v0  }
0x599: {  	[tilespmem:$0x5718] =	vst v0  }
0x59a: {  	[tilespmem:$0x5708] =	vst v0  }
0x59b: {  	[tilespmem:$0x56F8] =	vst v0  }
0x59c: {  	[tilespmem:$0x56E8] =	vst v0  }
0x59d: {  	[tilespmem:$0x56D8] =	vst v0  }
0x59e: {  	[tilespmem:$0x56C8] =	vst v0  }
0x59f: {  	[tilespmem:$0x56B8] =	vst v0  }
0x5a0: {  	[tilespmem:$0x56A8] =	vst v0  }
0x5a1: {  	[tilespmem:$0x5698] =	vst v0  }
0x5a2: {  	[tilespmem:$0x5688] =	vst v0  }
0x5a3: {  	[tilespmem:$0x5678] =	vst v0  }
0x5a4: {  	[tilespmem:$0x5668] =	vst v0  }
0x5a5: {  	[tilespmem:$0x5658] =	vst v0  }
0x5a6: {  	[tilespmem:$0x5648] =	vst v0  }
0x5a7: {  	[tilespmem:$0x5638] =	vst v0  }
0x5a8: {  	[tilespmem:$0x5628] =	vst v0  }
0x5a9: {  	[tilespmem:$0x5618] =	vst v0  }
0x5aa: {  	[tilespmem:$0x5608] =	vst v0  }
0x5ab: {  	[tilespmem:$0x55F8] =	vst v0  }
0x5ac: {  	[tilespmem:$0x55E8] =	vst v0  }
0x5ad: {  	[tilespmem:$0x55D8] =	vst v0  }
0x5ae: {  	[tilespmem:$0x55C8] =	vst v0  }
0x5af: {  	[tilespmem:$0x55B8] =	vst v0  }
0x5b0: {  	[tilespmem:$0x55A8] =	vst v0  }
0x5b1: {  	[tilespmem:$0x5598] =	vst v0  }
0x5b2: {  	[tilespmem:$0x5588] =	vst v0  }
0x5b3: {  	[tilespmem:$0x5578] =	vst v0  }
0x5b4: {  	[tilespmem:$0x5568] =	vst v0  }
0x5b5: {  	[tilespmem:$0x5558] =	vst v0  }
0x5b6: {  	[tilespmem:$0x5548] =	vst v0  }
0x5b7: {  	[tilespmem:$0x5538] =	vst v0  }
0x5b8: {  	[tilespmem:$0x5528] =	vst v0  }
0x5b9: {  	[tilespmem:$0x5518] =	vst v0  }
0x5ba: {  	[tilespmem:$0x5508] =	vst v0  }
0x5bb: {  	[tilespmem:$0x54F8] =	vst v0  }
0x5bc: {  	[tilespmem:$0x54E8] =	vst v0  }
0x5bd: {  	[tilespmem:$0x54D8] =	vst v0  }
0x5be: {  	[tilespmem:$0x54C8] =	vst v0  }
0x5bf: {  	[tilespmem:$0x54B8] =	vst v0  }
0x5c0: {  	[tilespmem:$0x54A8] =	vst v0  }
0x5c1: {  	[tilespmem:$0x5498] =	vst v0  }
0x5c2: {  	[tilespmem:$0x5488] =	vst v0  }
0x5c3: {  	[tilespmem:$0x5478] =	vst v0  }
0x5c4: {  	[tilespmem:$0x5468] =	vst v0  }
0x5c5: {  	[tilespmem:$0x5458] =	vst v0  }
0x5c6: {  	[tilespmem:$0x5448] =	vst v0  }
0x5c7: {  	[tilespmem:$0x5438] =	vst v0  }
0x5c8: {  	[tilespmem:$0x5428] =	vst v0  }
0x5c9: {  	[tilespmem:$0x5418] =	vst v0  }
0x5ca: {  	[tilespmem:$0x5408] =	vst v0  }
0x5cb: {  	[tilespmem:$0x53F8] =	vst v0  }
0x5cc: {  	[tilespmem:$0x53E8] =	vst v0  }
0x5cd: {  	[tilespmem:$0x53D8] =	vst v0  }
0x5ce: {  	[tilespmem:$0x53C8] =	vst v0  }
0x5cf: {  	[tilespmem:$0x53B8] =	vst v0  }
0x5d0: {  	[tilespmem:$0x53A8] =	vst v0  }
0x5d1: {  	[tilespmem:$0x5398] =	vst v0  }
0x5d2: {  	[tilespmem:$0x5388] =	vst v0  }
0x5d3: {  	[tilespmem:$0x5378] =	vst v0  }
0x5d4: {  	[tilespmem:$0x5368] =	vst v0  }
0x5d5: {  	[tilespmem:$0x5358] =	vst v0  }
0x5d6: {  	[tilespmem:$0x5348] =	vst v0  }
0x5d7: {  	[tilespmem:$0x5338] =	vst v0  }
0x5d8: {  	[tilespmem:$0x5328] =	vst v0  }
0x5d9: {  	[tilespmem:$0x5318] =	vst v0  }
0x5da: {  	[tilespmem:$0x5308] =	vst v0  }
0x5db: {  	[tilespmem:$0x52F8] =	vst v0  }
0x5dc: {  	[tilespmem:$0x52E8] =	vst v0  }
0x5dd: {  	[tilespmem:$0x52D8] =	vst v0  }
0x5de: {  	[tilespmem:$0x52C8] =	vst v0  }
0x5df: {  	[tilespmem:$0x52B8] =	vst v0  }
0x5e0: {  	[tilespmem:$0x52A8] =	vst v0  }
0x5e1: {  	[tilespmem:$0x5298] =	vst v0  }
0x5e2: {  	[tilespmem:$0x5288] =	vst v0  }
0x5e3: {  	[tilespmem:$0x5278] =	vst v0  }
0x5e4: {  	[tilespmem:$0x5268] =	vst v0  }
0x5e5: {  	[tilespmem:$0x5258] =	vst v0  }
0x5e6: {  	[tilespmem:$0x5248] =	vst v0  }
0x5e7: {  	[tilespmem:$0x5238] =	vst v0  }
0x5e8: {  	[tilespmem:$0x5228] =	vst v0  }
0x5e9: {  	[tilespmem:$0x5218] =	vst v0  }
0x5ea: {  	[tilespmem:$0x5208] =	vst v0  }
0x5eb: {  	[tilespmem:$0x51F8] =	vst v0  }
0x5ec: {  	[tilespmem:$0x51E8] =	vst v0  }
0x5ed: {  	s12 =	stileid.u32;
	[tilespmem:$0x51D8] =	vst v0  }
0x5ee: {  	s0 =	smul.u32 $0x3D, s12;
	[tilespmem:$0x51C8] =	vst v0  }
0x5ef: {  	s1 =	smin.u32 s12, $0xB;
	[tilespmem:$0x51B8] =	vst v0  }
0x5f0: {  	[tilespmem:$0x5188] =	vst v0;
	s0 =	sadd.s32 s1, s0  }
0x5f1: {  	p0 =	slt.u32 s12, $0xB;
	[tilespmem:$0x5198] =	vst v0;
	s1 =	simm.s32 $0x49A0;
	s9 =	smul.u32 $0x130, s0  }
0x5f2: {  	s1 =	simm.s32 @!p0 $0x4870;
	[tilespmem:$0x5178] =	vst v0  }
0x5f3: {  	[tilespmem:$0x5118] =	vst v0;
	s0 =	sadd.s32 s1, s9  }
0x5f4: {  	s7 =	simm.s32 $0x2;
	s29 =	simm.s32 $0x9;
	[tilespmem:$0x5168] =	vst v0;
	s10 =	smin.u32 s0, $0x493E0  }
0x5f5: {  	s30 =	simm.s32 $0xA;
	s18 =	simm.s32 $0x0;
	[tilespmem:$0x5158] =	vst v0;
	s0 =	ssub.s32 s10, s9  }
0x5f6: {  	p1 =	por $0x0, $0x0;
	s19 =	simm.s32 $0xC;
	[tilespmem:$0x5148] =	vst v0;
	p0 =	sgt.s32 s0, $0x0  }
0x5f7: {  	s23 =	simm.s32 $0x0;
	s20 =	simm.s32 $0x0;
	[tilespmem:$0x5138] =	vst v0;
	s0 =	simm.s32 @!p0 $0x0  }
0x5f8: {  	s22 =	simm.s32 $0x0;
	s6 =	sadd.s32 $0x1000, s5;
	[tilespmem:$0x5128] =	vst v0;
	s28 =	smulhi.u32 $0x6BCA1AF3, s0  }
0x5f9: {  	s2 =	sand.u32 $0x1, s2;
	s31 =	smul.u32 $0x280, s12;
	[tilespmem:$0x5108] =	vst v0;
	[sflag:s7] =	ssyncpa.u1 $0x0  }
0x5fa: {  	v0 =	vimm.s32 $0xFFFFFFFF;
	[dreg:$0x5] =	wrdreg s2;
	s2 =	smul.u32 $0x927C, s2;
	s1 =	sshrl.u32 s28, $0x7  }
0x5fb: {  	s13 =	sadd.s32 $0x62E000, s5;
	[tilespmem:$0xBF48] =	vst v0;
	[sflag:s29] =	ssyncpa.u1 $0x0;
	s8 =	smul.u32 $0x130, s1  }
.Ltmp0:
0x5fc: {  	s16 =	sshrl.u32 s31, $0x2;
	s11 =	sadd.s32 s2, s5;
	(pc) =	sbr.rel .LBB2_1-.Ltmp0, $4  }
0x5fd: {  	[sflag:s30] =	ssyncpa.u1 $0x0;
	p0 =	sne.s32 s0, s8;
	s0 =	simm.s32 $0x1  }
0x5fe: {  	s5 =	simm.s32 $0xB;
	s4 =	sadd.s32 s2, s4;
	s0 =	simm.s32 @!p0 $0x0  }
0x5ff: {  	[sflag:s5] =	ssyncpa.u1 $0x0;
	s15 =	sadd.s32 $0x19A200, s11;
	s14 =	sadd.s32 s0, s1  }
0x600: {  	v0 =	vlaneseq.u32;
	s21 =	smov.u32 s9;
	p0 =	por $0x1, $0x1;
	s17 =	sadd.s32 $0x1, s14  }
.LBB2_22:
0x601: {  	s0 =	sshrl.u32 s0, $0x2  }
.LBB2_24:
0x602: {  	_ =	swait.ge [sflag:s19], s0  }
0x603: {  	s30 =	ssub.s32 $0x0, s0;
	v1 =	vmov s25;
	vm0 =	veq.s32 v0, $0x0;
	[sflag:s19] =	ssyncset.done $0x0  }
0x604: {  	vm15 =	veq.s32 v0, $0x2;
	v1 =	vsel vm0, s31, v1;
	[sflag:s19] =	ssyncadd.s32 s30  }
0x605: {  	v1 =	vsel vm15, s23, v1;
	[sflag:s19] =	ssyncpa.u1 $0x1  }
0x606: {  	[tilespmem:$0xBF48] =	vst v1  }
.LBB2_25:
0x607: {  	s0 =	sadd.s32 $0x130, s21  }
0x608: {  	s1 =	smov.u32 s9;
	p2 =	slt.s32 s0, s10  }
0x609: {  	s1 =	smov.u32 @p2 s0;
	p2 =	sne.s32 s22, s17  }
.Ltmp1:
0x60a: {  	_ = 	snop;
	(pc) =	sbr.rel @!p2 .LBB2_26-.Ltmp1, $4  }
0x60b: {  	_ = 	snop  }
0x60c: {  	s23 =	smov.u32 s20  }
0x60d: {  	s31 =	sadd.s32 $0x1, s22;
	s20 =	smov.u32 s21;
	p0 =	por !p0, !p0  }
0x60e: {  	p1 =	por !p1, !p1;
	s22 =	smov.u32 s31;
	s21 =	smov.u32 s1  }
.LBB2_1:
0x60f: {  	p2 =	sge.u32 s22, s14  }
0x610: {  	s0 =	smulhi.u32 @!p2 $0xAAAAAAAB, s22  }
0x611: {  	s1 =	smov.u32 s21;
	p3 =	sgt.s32 @!p2 s21, $0x492B0  }
0x612: {  	s2 =	sshra.s32 @!p2 s21, $0x1F;
	p3 =	por !p3, p2;
	s0 =	sshrl.u32 @!p2 s0, $0x1  }
0x613: {  	s2 =	sand.u32 @!p2 s2, s21;
	s1 =	simm.s32 @p3 $0x492B0;
	s0 =	smul.u32 @!p2 $0x3, s0  }
0x614: {  	s1 =	ssub.s32 @!p2 s1, s2  }
0x615: {  	s1 =	sadd.s32 @!p2 $0xFFFB6D50, s1;
	s0 =	ssub.s32 @!p2 s22, s0  }
0x616: {  	s2 =	sshll.u32 @!p2 s1, $0x2;
	p3 =	sgt.s32 @!p2 s1, $0x12F;
	s0 =	smul.u32 @!p2 $0x4C0, s0  }
0x617: {  	s7 =	sand.u32 @!p2 $0x7, s21;
	s1 =	ssub.s32 @!p2 $0x4C0, s2;
	p3 =	por !p3, p2  }
0x618: {  	s2 =	sshrl.u32 @!p2 s21, $0x3;
	s1 =	sshrl.u32 @!p2 s1, $0x2;
	s0 =	sshrl.u32 @!p2 s0, $0x2  }
0x619: {  	s2 =	sadd.s32 @!p2 s2, s15;
	s1 =	simm.s32 @!p3 $0x0;
	s0 =	sadd.s32 @!p2 $0xC988, s0  }
0x61a: {  	[tilespmem:s0], [sflag:$0xA] =	stream.linear.gather @!p2 [hbm4b:s2+s7], s1, $0x38;
	[tilespmem:$0x1FF78] =	vst v63  }
0x61b: {  	s1 =	sadd.s32 $0xFFFFFFFF, s22  }
0x61c: {  	p2 =	sge.u32 s1, s14  }
0x61d: {  	p3 =	sgt.s32 @!p2 s20, $0x492B0  }
0x61e: {  	s0 =	smov.u32 s20;
	s2 =	sshra.s32 @!p2 s20, $0x1F;
	p3 =	por !p3, p2  }
0x61f: {  	s2 =	sand.u32 @!p2 s2, s20;
	s0 =	simm.s32 @p3 $0x492B0  }
0x620: {  	s0 =	ssub.s32 @!p2 s0, s2  }
0x621: {  	s0 =	sadd.s32 @!p2 $0xFFFB6D50, s0  }
0x622: {  	s2 =	sshll.u32 @!p2 s0, $0x2  }
0x623: {  	p3 =	sgt.s32 @!p2 s0, $0x12F;
	s0 =	ssub.s32 @!p2 $0x4C0, s2  }
0x624: {  	p3 =	por !p3, p2;
	s0 =	sshrl.u32 @!p2 s0, $0x2  }
0x625: {  	s7 =	simm.s32 @!p2 $0xA;
	s2 =	sand.u32 @!p2 $0x1, s1;
	s0 =	simm.s32 @!p3 $0x0  }
0x626: {  	s2 =	smul.u32 @!p2 $0x4C0, s2;
	_ =	swait.ge @!p2 [sflag:s7], s0  }
0x627: {  	s8 =	ssub.s32 @!p2 $0x0, s0;
	[sflag:s7] =	ssyncset.done @!p2 $0x0  }
0x628: {  	s2 =	sshrl.u32 @!p2 s2, $0x2;
	[sflag:s7] =	ssyncadd.s32 @!p2 s8;
	s7 =	sshrl.u32 @!p2 s20, $0x3  }
0x629: {  	s2 =	sadd.s32 @!p2 $0xCD18, s2;
	s8 =	sand.u32 @!p2 $0x7, s20;
	s7 =	sadd.s32 @!p2 s7, s4  }
0x62a: {  	[tilespmem:s2], [sflag:$0xB] =	stream.linear.gather @!p2 [hbm4b:s7+s8], s0, $0x38;
	[tilespmem:$0x1FF78] =	vst v63  }
0x62b: {  	s0 =	ssub.s32 @!p2 $0x493E0, s20  }
0x62c: {  	p3 =	slt.s32 @!p2 s0, $0x1  }
0x62d: {  	p3 =	por p2, p3  }
.Ltmp2:
0x62e: {  	_ = 	snop;
	(pc) =	sbr.rel @p3 .LBB2_7-.Ltmp2, $1  }
0x62f: {  	_ =	sdelay $0x3  }
0x630: {  	s2 =	smulhi.u32 $0xAAAAAAAB, s1;
	_ =	sdelay $0x1  }
0x631: {  	s2 =	sshrl.u32 s2, $0x1  }
0x632: {  	s2 =	smul.u32 $0x3, s2;
	_ =	sdelay $0x1  }
0x633: {  	s29 =	ssub.s32 s1, s2  }
0x634: {  	s7 =	simm.s32 $0x1;
	s1 =	smul.u32 $0x4C0, s29  }
.Ltmp3:
0x635: {  	s7 =	simm.s32 @!p0 $0x0;
	(pc) =	sbr.rel .LBB2_4-.Ltmp3, $4  }
0x636: {  	s30 =	smul.u32 $0x26000, s7  }
0x637: {  	p3 =	slt.s32 @!p2 s0, $0x130;
	s1 =	sshrl.u32 s1, $0x2  }
0x638: {  	p2 =	por !p3, p2;
	s2 =	sshrl.u32 s30, $0x2;
	s31 =	sadd.s32 $0xC988, s1  }
0x639: {  	s24 =	simm.s32 $0x0;
	s0 =	simm.s32 @p2 $0x130;
	s1 =	sadd.s32 $0xCF78, s2;
	v1 =	vmov s31  }
.LBB2_3:
0x63a: {  	p2 =	sge.s32 s24, s0  }
.Ltmp4:
0x63b: {  	_ = 	snop;
	(pc) =	sbr.rel @p2 .LBB2_7-.Ltmp4, $2  }
0x63c: {  	_ =	sdelay $0x2  }
0x63d: {  	s1 =	sadd.s32 $0x800, s1  }
.LBB2_4:
0x63e: {  	p2 =	sle.s32 s0, s24  }
.Ltmp5:
0x63f: {  	_ = 	snop;
	(pc) =	sbr.rel @p2 .LBB2_3-.Ltmp5, $2  }
0x640: {  	_ =	sdelay $0x2  }
0x641: {  	s2 =	smov.u32 s24;
	s24 =	sadd.s32 $0x10, s24  }
0x642: {  	s7 =	ssub.s32 s0, s2  }
0x643: {  	p2 =	slt.s32 s7, $0x10  }
0x644: {  	s7 =	simm.s32 @!p2 $0x10  }
0x645: {  	v2 =	vmov s7  }
0x646: {  	vm0 =	vgt.s32 v2, v0;
	_ =	sdelay $0x5  }
0x647: {  	v2 =	vld.idx.msk [tilespmem:v1+s2+$0x0 ss:$0x1], vm0;
	_ =	sdelay $0x2  }
0x648: {  	s8 =	smov.u32 s0;
	p2 =	slt.s32 s24, s0  }
0x649: {  	s25 =	simm.s32 $0x0;
	s8 =	smov.u32 @p2 s24;
	s7 =	smov.u32 s1  }
.LBB2_6:
0x64a: {  	(v2sf) =	vpush v2, s25;
	_ =	sdelay $0xc  }
0x64b: {  	s25 =	sadd.s32 $0x1, s25  }
0x64c: {  	s31 =	sadd.s32 s25, s2  }
0x64d: {  	p2 =	slt.s32 s31, s8;
	s11 =	spop (v2sf)  }
.Ltmp6:
0x64e: {  	s11 =	sshll.u32 s11, $0x4;
	(pc) =	sbr.rel @p2 .LBB2_6-.Ltmp6, $4  }
0x64f: {  	s11 =	sand.u32 $0x1FFFFFF0, s11  }
0x650: {  	s11 =	sadd.s32 s13, s11  }
0x651: {  	[tilespmem:s7], [sflag:$0x9] =	stream.linear.gather [hbm4b:s11+s18], $0x50, $0x38;
	[tilespmem:$0x1FF78] =	vst v63  }
0x652: {  	s7 =	sadd.s32 $0x80, s7  }
.Ltmp7:
0x653: {  	_ = 	snop;
	(pc) =	sbr.rel .LBB2_3-.Ltmp7, $1  }
0x654: {  	_ =	sdelay $0x3  }
.LBB2_7:
0x655: {  	p2 =	slt.u32 s22, $0x2  }
.Ltmp8:
0x656: {  	_ = 	snop;
	(pc) =	sbr.rel @p2 .LBB2_25-.Ltmp8, $1  }
0x657: {  	_ =	sdelay $0x3  }
0x658: {  	s0 =	ssub.s32 $0x493E0, s23;
	p2 =	sgt.s32 s23, $0x492B0  }
0x659: {  	s1 =	smov.u32 s23;
	s2 =	sshra.s32 s23, $0x1F;
	p3 =	slt.s32 s0, $0x130  }
0x65a: {  	s1 =	simm.s32 @!p2 $0x492B0;
	s2 =	sand.u32 s2, s23;
	s0 =	simm.s32 @!p3 $0x130  }
0x65b: {  	s1 =	ssub.s32 s1, s2;
	s0 =	smul.u32 $0x140, s0  }
0x65c: {  	s1 =	sadd.s32 $0xFFFB6D50, s1  }
0x65d: {  	s25 =	simm.s32 $0x9;
	s12 =	sshll.u32 s1, $0x2;
	s0 =	sshrl.u32 s0, $0x2  }
0x65e: {  	p2 =	sgt.s32 s1, $0x12F;
	s24 =	ssub.s32 $0x4C0, s12;
	_ =	swait.ge [sflag:s25], s0  }
0x65f: {  	s0 =	ssub.s32 $0x0, s0;
	s1 =	sshrl.u32 s24, $0x2;
	[sflag:s25] =	ssyncset.done $0x0  }
0x660: {  	s1 =	simm.s32 @p2 $0x0;
	[sflag:s25] =	ssyncadd.s32 s0  }
0x661: {  	_ =	swait.ge [sflag:s5], s1  }
0x662: {  	s26 =	ssub.s32 $0x0, s1;
	[sflag:s5] =	ssyncset.done $0x0  }
0x663: {  	[sflag:s5] =	ssyncadd.s32 s26  }
0x664: {  	v1 =	vld [tilespmem:$0xBF48];
	_ =	sdelay $0x4  }
0x665: {  	(v2sf) =	vpush v1, $0x0  }
0x666: {  	(v2sf) =	vpush v1, $0x1  }
0x667: {  	(v2sf) =	vpush v1, $0x2;
	_ =	sdelay $0x3  }
0x668: {  	s0 =	sadd.s32 $0x130, s23  }
0x669: {  	p2 =	slt.s32 s10, s0;
	s1 =	ssub.s32 $0x927C0, s23  }
0x66a: {  	s0 =	smov.u32 @p2 s10;
	p2 =	sgt.s32 s1, $0x0  }
0x66b: {  	s0 =	ssub.s32 s0, s23;
	s1 =	simm.s32 @!p2 $0x0  }
0x66c: {  	p2 =	slt.s32 s1, s0  }
0x66d: {  	s0 =	smov.u32 @p2 s1  }
0x66e: {  	s26 =	simm.s32 $0x1;
	p2 =	slt.s32 s0, $0x1  }
.Ltmp9:
0x66f: {  	s26 =	simm.s32 @!p1 $0x0;
	(pc) =	sbr.rel @p2 .LBB2_12-.Ltmp9, $4  }
0x670: {  	s30 =	smul.u32 $0x4C0, s26  }
0x671: {  	s28 =	spop (v2sf)  }
0x672: {  	s31 =	sshrl.u32 s30, $0x2;
	s29 =	spop (v2sf)  }
0x673: {  	s24 =	sadd.s32 $0xCD18, s31;
	s23 =	spop (v2sf)  }
0x674: {  	s1 =	smin.u32 s0, $0x10  }
0x675: {  	v1 =	vmov s1  }
0x676: {  	p3 =	sgt.s32 s0, $0x10;
	vm1 =	vgt.u32 v1, v0  }
.Ltmp10:
0x677: {  	_ = 	snop;
	(pc) =	sbr.rel @!p3 .LBB2_11-.Ltmp10, $2  }
0x678: {  	_ =	sdelay $0x2  }
0x679: {  	s2 =	simm.s32 $0x10;
	s25 =	sadd.s32 $0xFFFFFFF0, s0;
	s1 =	smov.u32 s24;
	vm0 =	vmmov vm1  }
.LBB2_10:
0x67a: {  	s7 =	smin.u32 s25, $0x10;
	s2 =	sadd.s32 $0x10, s2;
	v1 =	vld.msk [tilespmem:s1+$0x0 ss:$0x1], vm1  }
0x67b: {  	v2 =	vmov s7;
	p3 =	slt.s32 s2, s0  }
0x67c: {  	vm1 =	vgt.u32 v2, v0  }
.Ltmp11:
0x67d: {  	(pc) =	sbr.rel @p3 .LBB2_10-.Ltmp11, $3  }
0x67e: {  	_ =	sdelay $0x1  }
0x67f: {  	v1 =	vshll.u32 v1, $0x4  }
0x680: {  	s25 =	sadd.s32 $0xFFFFFFF0, s25;
	[tilespmem:s1+$0x0] =	vst.msk vm0, v1;
	s1 =	sadd.s32 $0x10, s1;
	vm0 =	vmmov vm1  }
.LBB2_11:
0x681: {  	_ =	sdelay $0x4  }
0x682: {  	v1 =	vld.msk [tilespmem:s1+$0x0 ss:$0x1], vm1;
	_ =	sdelay $0x4  }
0x683: {  	v1 =	vshll.u32 v1, $0x4  }
0x684: {  	[tilespmem:s1+$0x0] =	vst.msk vm0, v1  }
.LBB2_12:
0x685: {  	s1 =	sand.u32 $0x1, s22  }
0x686: {  	s2 =	smul.u32 $0x9800, s1  }
0x687: {  	p3 =	sne.s32 s29, $0xFFFFFFFF  }
0x688: {  	v1 =	vld @!p3 [tilespmem:s2+$0xCF78];
	_ =	sdelay $0x2  }
0x689: {  	s1 =	smul.u32 $0x130, s1;
	_ =	sdelay $0x1  }
0x68a: {  	v2 =	vld.msk @!p3 [tilespmem:s1+$0xCD18], $0x1;
	[tilespmem:$0xA8] =	vst @!p3 v1  }
0x68b: {  	v1 =	vld @!p3 [tilespmem:s2+$0xCF88];
	_ =	sdelay $0x4  }
0x68c: {  	[tilespmem:$0xB8] =	vst @!p3 v1  }
0x68d: {  	(v2sf) =	vpush @!p3 v2, $0x0;
	v1 =	vld @!p3 [tilespmem:s2+$0xCF98];
	_ =	sdelay $0x4  }
0x68e: {  	[tilespmem:$0xC8] =	vst @!p3 v1  }
0x68f: {  	v1 =	vld @!p3 [tilespmem:s2+$0xCFA8];
	_ =	sdelay $0x4  }
0x690: {  	[tilespmem:$0xD8] =	vst @!p3 v1  }
0x691: {  	v1 =	vld @!p3 [tilespmem:s2+$0xCFB8]  }
.Ltmp12:
0x692: {  	_ = 	snop;
	(pc) =	sbr.rel @p2 .LBB2_23-.Ltmp12, $4  }
0x693: {  	_ = 	snop  }
0x694: {  	s30 =	spop @!p3 (v2sf)  }
0x695: {  	s23 =	simm.s32 @!p3 $0x0;
	s25 =	smov.u32 s30  }
0x696: {  	s30 =	smov.u32 @p3 s28;
	s25 =	smov.u32 @p3 s29;
	[tilespmem:$0xE8] =	vst @!p3 v1;
	[sflag:s19] =	ssyncpa.u1 $0x0  }
0x697: {  	v1 =	vld.msk [tilespmem:s24+$0x0], $0x1;
	_ =	sdelay $0x4  }
0x698: {  	(v2sf) =	vpush v1, $0x0;
	_ =	sdelay $0xd  }
0x699: {  	s2 =	smul.u32 $0x26000, s26  }
0x69a: {  	s26 =	ssub.s32 $0x0, s0;
	s28 =	simm.s32 $0x0;
	s1 =	spop (v2sf)  }
0x69b: {  	s8 =	smov.u32 s30;
	s0 =	sadd.s32 $0x1, s26;
	p2 =	seq.s32 s30, s1  }
0x69c: {  	p4 =	seq.s32 s0, $0x0;
	p3 =	sgt.s32 @!p2 s30, $0x0;
	s7 =	smul.u32 @!p2 $0x140, s28  }
.Ltmp13:
0x69d: {  	s2 =	sshrl.u32 s2, $0x2;
	p3 =	por !p3, p2;
	(pc) =	sbr.rel @p4 .LBB2_15-.Ltmp13, $4  }
0x69e: {  	s29 =	sadd.s32 $0xCF98, s2;
	s8 =	simm.s32 @p3 $0x0  }
0x69f: {  	s2 =	simm.s32 @!p2 $0x1;
	s7 =	sshra.s32 @!p2 s7, $0x2;
	s11 =	smin.u32 @!p2 s8, $0x1869F6  }
0x6a0: {  	s2 =	smov.u32 @p2 s28;
	s8 =	sadd.s32 @!p2 $0x5FF8, s7;
	s31 =	sand.u32 @!p2 $0x1FFFF8, s11  }
0x6a1: {  	s7 =	sand.u32 @!p2 $0x7, s11;
	s11 =	sadd.s32 @!p2 s6, s31;
	s31 =	sadd.s32 $0x1, s24  }
.LBB2_14:
0x6a2: {  	s12 =	smov.u32 s2  }
0x6a3: {  	[tilespmem:s8], [sflag:$0x2] =	stream.linear.gather @!p2 [hbm4b:s11+s7], $0x50, $0x38;
	[tilespmem:$0x1FF78] =	vst v63  }
0x6a4: {  	s0 =	sadd.s32 $0x1, s0;
	s7 =	smov.u32 s1;
	v1 =	vld.msk [tilespmem:s31+$0x0], $0x1  }
0x6a5: {  	p3 =	seq.s32 s0, $0x0;
	_ =	sdelay $0x3  }
0x6a6: {  	(v2sf) =	vpush v1, $0x0;
	_ =	sdelay $0xe  }
0x6a7: {  	s1 =	spop (v2sf)  }
0x6a8: {  	p2 =	seq.s32 s7, s1  }
0x6a9: {  	p4 =	sgt.s32 @!p2 s7, $0x0;
	s8 =	smul.u32 @!p2 $0x140, s2;
	s2 =	sadd.s32 @!p2 $0x1, s2  }
.Ltmp14:
0x6aa: {  	p4 =	por !p4, p2;
	s2 =	smov.u32 @p2 s12;
	(pc) =	sbr.rel @!p3 .LBB2_14-.Ltmp14, $4  }
0x6ab: {  	s7 =	simm.s32 @p4 $0x0;
	s8 =	sshra.s32 @!p2 s8, $0x2  }
0x6ac: {  	s7 =	smin.u32 @!p2 s7, $0x1869F6;
	s8 =	sadd.s32 @!p2 $0x5FF8, s8  }
0x6ad: {  	s11 =	sand.u32 @!p2 $0x1FFFF8, s7;
	s7 =	sand.u32 @!p2 $0x7, s7  }
0x6ae: {  	s31 =	sadd.s32 $0x1, s31;
	s11 =	sadd.s32 @!p2 s6, s11  }
.LBB2_15:
0x6af: {  	s0 =	smul.u32 $0x140, s2  }
0x6b0: {  	[tilespmem:s8], [sflag:$0x2] =	stream.linear.gather @!p2 [hbm4b:s11+s7], $0x50, $0x38;
	[tilespmem:$0x1FF78] =	vst v63  }
.Ltmp15:
0x6b1: {  	_ = 	snop;
	(pc) =	sbr.rel .LBB2_16-.Ltmp15, $4  }
0x6b2: {  	s1 =	simm.s32 $0x2;
	s0 =	sshrl.u32 s0, $0x2  }
0x6b3: {  	_ =	swait.ge [sflag:s1], s0  }
0x6b4: {  	s0 =	ssub.s32 $0x0, s0;
	[sflag:s1] =	ssyncset.done $0x0  }
0x6b5: {  	[sflag:s1] =	ssyncadd.s32 s0;
	s0 =	simm.s32 $0x0  }
.LBB2_17:
0x6b6: {  	v1 =	vld [tilespmem:s29+$0xFFFFFFE0]  }
0x6b7: {  	v2 =	vld [tilespmem:s1+$0xA8];
	_ =	sdelay $0x4  }
0x6b8: {  	v1 =	vmax.f32 v1, v2  }
0x6b9: {  	v2 =	vld [tilespmem:s1+$0xB8];
	[tilespmem:s1+$0xA8] =	vst v1  }
0x6ba: {  	v1 =	vld [tilespmem:s29+$0xFFFFFFF0];
	_ =	sdelay $0x4  }
0x6bb: {  	v1 =	vmax.f32 v1, v2  }
0x6bc: {  	v2 =	vld [tilespmem:s1+$0xC8];
	[tilespmem:s1+$0xB8] =	vst v1  }
0x6bd: {  	v1 =	vld [tilespmem:s29+$0x0];
	_ =	sdelay $0x4  }
0x6be: {  	v1 =	vmax.f32 v1, v2  }
0x6bf: {  	v2 =	vld [tilespmem:s1+$0xD8];
	[tilespmem:s1+$0xC8] =	vst v1  }
0x6c0: {  	v1 =	vld [tilespmem:s29+$0x10];
	_ =	sdelay $0x4  }
0x6c1: {  	v1 =	vmax.f32 v1, v2  }
0x6c2: {  	v2 =	vld [tilespmem:s1+$0xE8];
	[tilespmem:s1+$0xD8] =	vst v1  }
0x6c3: {  	v1 =	vld [tilespmem:s29+$0x20];
	_ =	sdelay $0x4  }
0x6c4: {  	v1 =	vmax.f32 v1, v2  }
0x6c5: {  	[tilespmem:s1+$0xE8] =	vst v1  }
.LBB2_21:
0x6c6: {  	s26 =	sadd.s32 $0x1, s26  }
0x6c7: {  	p2 =	seq.s32 s26, $0x0  }
.Ltmp16:
0x6c8: {  	_ = 	snop;
	(pc) =	sbr.rel @p2 .LBB2_22-.Ltmp16, $2  }
0x6c9: {  	_ =	sdelay $0x2  }
0x6ca: {  	s24 =	sadd.s32 $0x1, s24;
	s29 =	sadd.s32 $0x80, s29;
	s30 =	smov.u32 s31  }
.LBB2_16:
0x6cb: {  	v1 =	vld.msk [tilespmem:s24+$0x0], $0x1;
	_ =	sdelay $0x4  }
0x6cc: {  	(v2sf) =	vpush v1, $0x0;
	_ =	sdelay $0xe  }
0x6cd: {  	s31 =	spop (v2sf)  }
0x6ce: {  	p2 =	sne.s32 s30, s31  }
.Ltmp17:
0x6cf: {  	_ = 	snop;
	(pc) =	sbr.rel @!p2 .LBB2_17-.Ltmp17, $3  }
0x6d0: {  	_ = 	snop  }
0x6d1: {  	s1 =	smul.u32 $0x140, s23;
	_ =	sdelay $0x1  }
0x6d2: {  	s1 =	sshra.s32 s1, $0x2  }
0x6d3: {  	p2 =	seq.s32 s30, s25  }
.Ltmp18:
0x6d4: {  	_ = 	snop;
	(pc) =	sbr.rel @!p2 .LBB2_19-.Ltmp18, $1  }
0x6d5: {  	_ =	sdelay $0x3  }
.Ltmp19:
0x6d6: {  	s1 =	sadd.s32 $0xA8, s1;
	(pc) =	sbr.rel .LBB2_20-.Ltmp19, $4  }
0x6d7: {  	[spmem:s16] =	stream.linear.scatter [tilespmem:s1], [sflag:$0x1], $0x50, $0x38;
	[tilespmem:$0x1FF78] =	vst v63  }
0x6d8: {  	_ =	swait.ge [sflag:s3], $0x50  }
0x6d9: {  	[sflag:s3] =	ssyncset.done $0x0  }
0x6da: {  	[sflag:s3] =	ssyncadd.s32 $0xFFFFFFB0  }
.LBB2_19:
0x6db: {  	s2 =	smul.u32 $0x140, s28;
	_ =	sdelay $0x1  }
0x6dc: {  	v2 =	vld [tilespmem:s1+$0xA8];
	s2 =	sshra.s32 s2, $0x2  }
0x6dd: {  	v1 =	vld [tilespmem:s2+$0x5FF8];
	_ =	sdelay $0x4  }
0x6de: {  	v1 =	vmax.f32 v1, v2  }
0x6df: {  	v2 =	vld [tilespmem:s1+$0xB8];
	[tilespmem:s1+$0xA8] =	vst v1  }
0x6e0: {  	v1 =	vld [tilespmem:s2+$0x6008];
	_ =	sdelay $0x4  }
0x6e1: {  	v1 =	vmax.f32 v1, v2  }
0x6e2: {  	v2 =	vld [tilespmem:s1+$0xC8];
	[tilespmem:s1+$0xB8] =	vst v1  }
0x6e3: {  	v1 =	vld [tilespmem:s2+$0x6018];
	_ =	sdelay $0x4  }
0x6e4: {  	v1 =	vmax.f32 v1, v2  }
0x6e5: {  	v2 =	vld [tilespmem:s1+$0xD8];
	[tilespmem:s1+$0xC8] =	vst v1  }
0x6e6: {  	v1 =	vld [tilespmem:s2+$0x6028];
	_ =	sdelay $0x4  }
0x6e7: {  	v1 =	vmax.f32 v1, v2  }
0x6e8: {  	v2 =	vld [tilespmem:s1+$0xE8];
	[tilespmem:s1+$0xD8] =	vst v1  }
0x6e9: {  	v1 =	vld [tilespmem:s2+$0x6038];
	_ =	sdelay $0x3  }
0x6ea: {  	p2 =	sgt.u32 s30, $0x1869F6  }
0x6eb: {  	s2 =	sand.u32 @!p2 $0x1FFFF8, s30;
	v1 =	vmax.f32 v1, v2  }
0x6ec: {  	s7 =	sadd.s32 $0xA8, s1;
	[tilespmem:s1+$0xE8] =	vst v1;
	s1 =	sadd.s32 @!p2 s6, s2;
	s2 =	sand.u32 @!p2 $0x7, s30  }
0x6ed: {  	[hbm4b:s1+s2] =	stream.linear.scatter @!p2 [tilespmem:s7], [sflag:$0xC], $0x50, $0x38;
	[tilespmem:$0x1FF78] =	vst v63  }
0x6ee: {  	s1 =	simm.s32 $0x0  }
0x6ef: {  	s1 =	simm.s32 @!p2 $0x140  }
0x6f0: {  	s0 =	sadd.s32 s1, s0  }
.LBB2_20:
0x6f1: {  	s1 =	sadd.s32 $0x1, s23  }
0x6f2: {  	s2 =	sshrl.u32 s1, $0x4  }
0x6f3: {  	s2 =	smulhi.u32 $0xD79435F, s2;
	_ =	sdelay $0x1  }
0x6f4: {  	s2 =	smul.u32 $0x130, s2  }
0x6f5: {  	v1 =	vld [tilespmem:s29+$0xFFFFFFE0]  }
0x6f6: {  	s23 =	ssub.s32 s1, s2  }
0x6f7: {  	s1 =	smul.u32 $0x140, s23;
	_ =	sdelay $0x1  }
0x6f8: {  	s1 =	sshrl.u32 s1, $0x2  }
0x6f9: {  	[tilespmem:s1+$0xA8] =	vst v1  }
0x6fa: {  	v1 =	vld [tilespmem:s29+$0xFFFFFFF0];
	_ =	sdelay $0x4  }
0x6fb: {  	[tilespmem:s1+$0xB8] =	vst v1  }
0x6fc: {  	v1 =	vld [tilespmem:s29+$0x0];
	_ =	sdelay $0x4  }
0x6fd: {  	[tilespmem:s1+$0xC8] =	vst v1  }
0x6fe: {  	v1 =	vld [tilespmem:s29+$0x10];
	_ =	sdelay $0x4  }
0x6ff: {  	[tilespmem:s1+$0xD8] =	vst v1  }
0x700: {  	v1 =	vld [tilespmem:s29+$0x20]  }
.Ltmp20:
0x701: {  	_ = 	snop;
	(pc) =	sbr.rel .LBB2_21-.Ltmp20, $2  }
0x702: {  	_ =	sdelay $0x2  }
0x703: {  	s28 =	sadd.s32 $0x1, s28;
	[tilespmem:s1+$0xE8] =	vst v1  }
.LBB2_23:
.Ltmp21:
0x704: {  	(pc) =	sbr.rel .LBB2_24-.Ltmp21, $4  }
0x705: {  	_ = 	snop  }
0x706: {  	s0 =	simm.s32 $0x2  }
0x707: {  	_ =	swait.ge [sflag:s0], $0x0  }
0x708: {  	s31 =	smov.u32 s30;
	[sflag:s0] =	ssyncset.done $0x0;
	s0 =	simm.s32 $0x0  }
.LBB2_26:
0x709: {  	_ =	sfence.sel $0x180000  }
0x70a: {  	s0 =	simm.s32 $0x9;
	[bflag:$0x0] =	sbarrier.arrive $0xFFFF  }
0x70b: {  	s24 =	simm.s32 $0xA;
	[sflag:s0] =	ssyncpa.u1 $0x1  }
0x70c: {  	s25 =	simm.s32 $0xB;
	[sflag:s24] =	ssyncpa.u1 $0x1  }
0x70d: {  	s26 =	simm.s32 $0x2;
	[sflag:s25] =	ssyncpa.u1 $0x1  }
0x70e: {  	[sflag:s26] =	ssyncpa.u1 $0x1  }
0x70f: {  	v0 =	vld [tilespmem:$0xBF48];
	_ =	sdelay $0x4  }
0x710: {  	(v2sf) =	vpush v0, $0x0  }
0x711: {  	(v2sf) =	vpush v0, $0x1  }
0x712: {  	(v2sf) =	vpush v0, $0x2;
	_ =	sdelay $0xc  }
0x713: {  	s0 =	spop (v2sf)  }
0x714: {  	s1 =	spop (v2sf)  }
0x715: {  	s2 =	smov.u32 s0;
	p0 =	sne.s32 s0, s1;
	s3 =	spop (v2sf)  }
0x716: {  	s2 =	simm.s32 @!p0 $0xFFFFFFFF;
	p0 =	seq.s32 s3, $0xFFFFFFFF  }
0x717: {  	v2 =	vimm.s32 $0x1;
	v3 =	vlaneseq.u32;
	v1 =	vmov s2;
	p1 =	sne.s32 @!p0 s0, s1  }
0x718: {  	s14 =	stileid.u32;
	v0 =	vperm.xlane v0, v2;
	s0 =	simm.s32 @!p0 $0x1;
	v1 =	vperm.xlane v1, v3;
	p1 =	por !p1, p0  }
0x719: {  	vm0 =	vcmask $0x3F04;
	s2 =	sshll.u32 s14, $0x1;
	s1 =	smul.u32 @!p0 $0x140, s3;
	s0 =	simm.s32 @p1 $0x0  }
0x71a: {  	s5 =	simm.s32 $0xBF48;
	v0 =	vsel vm0, v1, v0;
	s0 =	sor.u32 @!p0 s0, s2  }
0x71b: {  	s4 =	sor.u32 $0xA00, s2;
	s1 =	sshra.s32 @!p0 s1, $0x2;
	[tilespmem:$0xBF48] =	vst v0;
	s0 =	smul.u32 @!p0 $0x140, s0  }
0x71c: {  	[spmem:s4] =	stream.linear.scatter [tilespmem:s5], [sflag:$0x1], $0x2, $0x38;
	[tilespmem:$0x1FF78] =	vst v63  }
0x71d: {  	s1 =	sadd.s32 @!p0 $0xA8, s1;
	s0 =	sshrl.u32 @!p0 s0, $0x2  }
0x71e: {  	[spmem:s0] =	stream.linear.scatter @!p0 [tilespmem:s1], [sflag:$0x1], $0x50, $0x38;
	[tilespmem:$0x1FF78] =	vst v63  }
0x71f: {  	s0 =	simm.s32 @!p0 $0x52  }
0x720: {  	s28 =	simm.s32 $0x1;
	s0 =	simm.s32 @p0 $0x2  }
0x721: {  	_ =	swait.ge [sflag:s28], s0  }
0x722: {  	s0 =	ssub.s32 $0x0, s0;
	[sflag:s28] =	ssyncset.done $0x0  }
0x723: {  	p0 =	sne.s32 s14, $0x0;
	[sflag:s28] =	ssyncadd.s32 s0  }
.Ltmp22:
0x724: {  	_ =	sfence.stream.spmem;
	(pc) =	sbr.rel @p0 .LBB2_43-.Ltmp22, $4  }
0x725: {  	s29 =	simm.s32 $0x3;
	[bflag:$0x0] =	sbarrier.arrive $0xFFFF  }
0x726: {  	s30 =	simm.s32 $0x4;
	[sflag:s29] =	ssyncpa.u1 $0x1  }
0x727: {  	s31 =	simm.s32 $0x3C;
	[sflag:s30] =	ssyncpa.u1 $0x1  }
0x728: {  	s15 =	rddreg [dreg:$0x5];
	[sflag:s31] =	ssyncpa.u1 $0x1  }
0x729: {  	_ =	sfence.stream.spmem;
	s0 =	simm.s32 $0x5  }
0x72a: {  	s1 =	simm.s32 $0xA00;
	s2 =	simm.s32 $0xBF58;
	[sflag:s0] =	ssyncpa.u1 $0x0  }
0x72b: {  	[tilespmem:s2], [sflag:$0x5] =	stream.linear.gather [spmem:s1], $0x20, $0x38;
	[tilespmem:$0x1FF78] =	vst v63  }
0x72c: {  	s26 =	simm.s32 $0x0;
	s28 =	simm.s32 $0xBF78  }
0x72d: {  	[tilespmem:s28], [sflag:$0x5] =	stream.linear.gather [spmem:s26], $0xA00, $0x38;
	[tilespmem:$0x1FF78] =	vst v63  }
0x72e: {  	_ =	swait.ge [sflag:s0], $0xA20  }
0x72f: {  	[sflag:s0] =	ssyncset.done $0x0  }
0x730: {  	s29 =	simm.s32 $0x0;
	[sflag:s0] =	ssyncadd.s32 $0xFFFFF5E0  }
0x731: {  	v0 =	vld.msk [tilespmem:s29+$0xBF58], $0x1;
	_ =	sdelay $0x1  }
0x732: {  	s30 =	simm.s32 $0x1  }
0x733: {  	v1 =	vld.msk [tilespmem:s30+$0xBF58], $0x1;
	_ =	sdelay $0x1  }
0x734: {  	(v2sf) =	vpush v0, $0x0;
	_ =	sdelay $0x2  }
0x735: {  	(v2sf) =	vpush v1, $0x0;
	_ =	sdelay $0x2  }
0x736: {  	s31 =	simm.s32 $0x2  }
0x737: {  	v0 =	vld.msk [tilespmem:s31+$0xBF58], $0x1;
	_ =	sdelay $0x2  }
0x738: {  	s1 =	simm.s32 $0xFFFFFFFF;
	s2 =	simm.s32 $0xFFFFFFFF;
	s0 =	simm.s32 $0xC  }
.LBB2_28:
0x739: {  	s3 =	smov.u32 s2;
	s4 =	smov.u32 s1  }
0x73a: {  	s1 =	sshra.s32 s0, $0x2;
	p1 =	sne.s32 s0, $0x7C;
	s0 =	sadd.s32 $0x4, s0;
	(v2sf) =	vpush v0, $0x0  }
0x73b: {  	v0 =	vld.msk [tilespmem:s1+$0xBF58], $0x1  }
.Ltmp23:
0x73c: {  	(pc) =	sbr.rel @p1 .LBB2_28-.Ltmp23, $4  }
0x73d: {  	s2 =	spop (v2sf)  }
0x73e: {  	p2 =	sne.s32 s4, $0xFFFFFFFF;
	s1 =	smov.u32 s2  }
0x73f: {  	p3 =	seq.s32 s2, $0xFFFFFFFF;
	s1 =	smov.u32 @p2 s4  }
0x740: {  	s2 =	smov.u32 @p3 s3;
	s1 =	smov.u32 @p3 s4  }
0x741: {  	(v2sf) =	vpush v0, $0x0;
	_ =	sdelay $0x8  }
0x742: {  	s0 =	spop (v2sf)  }
0x743: {  	p1 =	sne.s32 s1, $0xFFFFFFFF;
	s3 =	smov.u32 s0  }
0x744: {  	s9 =	simm.s32 $0x6;
	p2 =	seq.s32 s0, $0xFFFFFFFF;
	s3 =	smov.u32 @p1 s1  }
0x745: {  	s10 =	simm.s32 $0xBEF8;
	s3 =	smov.u32 @p2 s1;
	s1 =	spop (v2sf)  }
0x746: {  	s0 =	smov.u32 @p2 s2;
	p1 =	sne.s32 s3, $0xFFFFFFFF;
	s7 =	smov.u32 s1  }
.Ltmp24:
0x747: {  	p2 =	seq.s32 s1, $0xFFFFFFFF;
	s7 =	smov.u32 @p1 s3;
	(pc) =	sbr.rel .LBB2_30-.Ltmp24, $4  }
0x748: {  	s11 =	simm.s32 $0x0;
	s7 =	smov.u32 @p2 s3;
	s4 =	spop (v2sf)  }
0x749: {  	[sflag:s9] =	ssyncpa.u1 $0x0;
	p1 =	sne.s32 s7, $0xFFFFFFFF;
	s5 =	smov.u32 s4  }
0x74a: {  	s1 =	smov.u32 @p2 s0;
	p2 =	seq.s32 s4, $0xFFFFFFFF;
	s5 =	smov.u32 @p1 s7  }
0x74b: {  	s3 =	simm.s32 $0x0;
	s4 =	smov.u32 @p2 s1;
	s5 =	smov.u32 @p2 s7  }
.LBB2_36:
0x74c: {  	p1 =	sgt.u32 s0, $0x1869F6  }
0x74d: {  	p2 =	seq.s32 @!p1 s0, s5  }
0x74e: {  	p1 =	por p1, p2  }
0x74f: {  	p2 =	sne.s32 @!p1 s0, s4  }
0x750: {  	p1 =	por p1, !p2  }
0x751: {  	s0 =	smul.u32 @p1 $0x140, s11;
	_ =	sdelay $0x1  }
0x752: {  	s1 =	sand.u32 @!p1 $0x1FFFF8, s0  }
0x753: {  	s0 =	sand.u32 @!p1 $0x7, s0;
	s1 =	sadd.s32 @!p1 s6, s1  }
0x754: {  	[tilespmem:s10], [sflag:$0x6] =	stream.linear.gather @!p1 [hbm4b:s1+s0], $0x50, $0x38;
	[tilespmem:$0x1FF78] =	vst v63  }
0x755: {  	_ =	swait.ge @!p1 [sflag:s9], $0x50  }
0x756: {  	s0 =	smul.u32 @!p1 $0x140, s11;
	[sflag:s9] =	ssyncset.done @!p1 $0x0  }
0x757: {  	[sflag:s9] =	ssyncadd.s32 @!p1 $0xFFFFFFB0  }
0x758: {  	s1 =	sshra.s32 @!p1 s0, $0x2;
	v1 =	vld @!p1 [tilespmem:$0xBEF8]  }
0x759: {  	v2 =	vld @!p1 [tilespmem:s1+$0xBF78];
	_ =	sdelay $0x4  }
0x75a: {  	v1 =	vmax.f32 @!p1 v1, v2  }
0x75b: {  	v2 =	vld @!p1 [tilespmem:s1+$0xBF88];
	[tilespmem:s1+$0xBF78] =	vst @!p1 v1  }
0x75c: {  	v1 =	vld @!p1 [tilespmem:$0xBF08];
	_ =	sdelay $0x4  }
0x75d: {  	v1 =	vmax.f32 @!p1 v1, v2  }
0x75e: {  	v2 =	vld @!p1 [tilespmem:s1+$0xBF98];
	[tilespmem:s1+$0xBF88] =	vst @!p1 v1  }
0x75f: {  	v1 =	vld @!p1 [tilespmem:$0xBF18];
	_ =	sdelay $0x4  }
0x760: {  	v1 =	vmax.f32 @!p1 v1, v2  }
0x761: {  	v2 =	vld @!p1 [tilespmem:s1+$0xBFA8];
	[tilespmem:s1+$0xBF98] =	vst @!p1 v1  }
0x762: {  	v1 =	vld @!p1 [tilespmem:$0xBF28];
	_ =	sdelay $0x4  }
0x763: {  	v1 =	vmax.f32 @!p1 v1, v2  }
0x764: {  	v2 =	vld @!p1 [tilespmem:s1+$0xBFB8];
	[tilespmem:s1+$0xBFA8] =	vst @!p1 v1  }
0x765: {  	v1 =	vld @!p1 [tilespmem:$0xBF38];
	_ =	sdelay $0x4  }
0x766: {  	v1 =	vmax.f32 @!p1 v1, v2  }
0x767: {  	[tilespmem:s1+$0xBFB8] =	vst @!p1 v1  }
0x768: {  	s0 =	sshra.s32 s0, $0x2;
	[tilespmem:s3+$0xBF58] =	vst.msk $0x1, v0  }
0x769: {  	v0 =	vld [tilespmem:s0+$0xBF78];
	_ =	sdelay $0x1  }
0x76a: {  	s31 =	smul.u32 $0x140, s3;
	_ =	sdelay $0x1  }
0x76b: {  	s1 =	sshra.s32 s31, $0x2  }
0x76c: {  	[tilespmem:s1+$0xBF78] =	vst v0  }
0x76d: {  	v0 =	vld [tilespmem:s0+$0xBF88];
	_ =	sdelay $0x4  }
0x76e: {  	[tilespmem:s1+$0xBF88] =	vst v0  }
0x76f: {  	v0 =	vld [tilespmem:s0+$0xBF98];
	_ =	sdelay $0x4  }
0x770: {  	[tilespmem:s1+$0xBF98] =	vst v0  }
0x771: {  	v0 =	vld [tilespmem:s0+$0xBFA8];
	_ =	sdelay $0x4  }
0x772: {  	[tilespmem:s1+$0xBFA8] =	vst v0  }
0x773: {  	v0 =	vld [tilespmem:s0+$0xBFB8];
	_ =	sdelay $0x4  }
0x774: {  	s3 =	sadd.s32 $0x1, s3;
	[tilespmem:s1+$0xBFB8] =	vst v0  }
.LBB2_37:
0x775: {  	s11 =	sadd.s32 $0x1, s11  }
0x776: {  	p1 =	sne.s32 s11, $0x20  }
.Ltmp25:
0x777: {  	_ = 	snop;
	(pc) =	sbr.rel @!p1 .LBB2_38-.Ltmp25, $1  }
0x778: {  	_ =	sdelay $0x3  }
.LBB2_30:
0x779: {  	v0 =	vld.msk [tilespmem:s11+$0xBF58], $0x1;
	_ =	sdelay $0x4  }
0x77a: {  	(v2sf) =	vpush v0, $0x0;
	_ =	sdelay $0xe  }
0x77b: {  	s0 =	spop (v2sf)  }
0x77c: {  	p1 =	seq.s32 s0, $0xFFFFFFFF  }
.Ltmp26:
0x77d: {  	_ = 	snop;
	(pc) =	sbr.rel @p1 .LBB2_37-.Ltmp26, $1  }
0x77e: {  	_ =	sdelay $0x3  }
0x77f: {  	p1 =	slt.s32 s3, $0x1  }
.Ltmp27:
0x780: {  	_ = 	snop;
	(pc) =	sbr.rel @p1 .LBB2_36-.Ltmp27, $1  }
0x781: {  	_ =	sdelay $0x3  }
0x782: {  	s12 =	simm.s32 $0xBF58;
	p1 =	por $0x0, $0x0  }
0x783: {  	v1 =	vld.msk @!p1 [tilespmem:s12+$0x0], $0x1;
	_ =	sdelay $0x4  }
0x784: {  	(v2sf) =	vpush @!p1 v1, $0x0;
	_ =	sdelay $0xd  }
0x785: {  	p3 =	sne.s32 s3, $0x1  }
.Ltmp28:
0x786: {  	s1 =	spop @!p1 (v2sf);
	(pc) =	sbr.rel @!p3 .LBB2_34-.Ltmp28, $4  }
0x787: {  	p2 =	seq.s32 @!p1 s0, s1  }
0x788: {  	s1 =	simm.s32 $0x0;
	p2 =	por !p2, p1  }
0x789: {  	s2 =	simm.s32 $0xFFFFFFFF;
	s1 =	simm.s32 @p2 $0xFFFFFFFF  }
0x78a: {  	s13 =	simm.s32 $0x1;
	s1 =	smov.u32 @p1 s2  }
.LBB2_33:
0x78b: {  	s2 =	smov.u32 s1;
	p1 =	sne.s32 s1, $0xFFFFFFFF  }
0x78c: {  	s12 =	sadd.s32 $0x1, s12;
	s1 =	smov.u32 s13;
	s13 =	sadd.s32 $0x1, s13  }
0x78d: {  	p2 =	sne.s32 s3, s13;
	v1 =	vld.msk @!p1 [tilespmem:s12+$0x0], $0x1;
	_ =	sdelay $0x4  }
0x78e: {  	(v2sf) =	vpush @!p1 v1, $0x0;
	_ =	sdelay $0xe  }
.Ltmp29:
0x78f: {  	s7 =	spop @!p1 (v2sf);
	(pc) =	sbr.rel @p2 .LBB2_33-.Ltmp29, $4  }
0x790: {  	p3 =	seq.s32 @!p1 s0, s7  }
0x791: {  	p3 =	por !p3, p1  }
0x792: {  	s1 =	simm.s32 @p3 $0xFFFFFFFF  }
0x793: {  	s1 =	smov.u32 @p1 s2  }
.LBB2_34:
0x794: {  	p1 =	seq.s32 s1, $0xFFFFFFFF  }
.Ltmp30:
0x795: {  	_ = 	snop;
	(pc) =	sbr.rel @p1 .LBB2_36-.Ltmp30, $1  }
0x796: {  	_ =	sdelay $0x3  }
0x797: {  	s0 =	smul.u32 $0x140, s11  }
0x798: {  	s1 =	smul.u32 $0x140, s1  }
0x799: {  	s0 =	sshra.s32 s0, $0x2  }
0x79a: {  	s1 =	sshra.s32 s1, $0x2;
	v0 =	vld [tilespmem:s0+$0xBF78]  }
0x79b: {  	v1 =	vld [tilespmem:s1+$0xBF78];
	_ =	sdelay $0x4  }
0x79c: {  	v0 =	vmax.f32 v0, v1  }
0x79d: {  	v60 =	vld [tilespmem:s1+$0xBF88];
	[tilespmem:s1+$0xBF78] =	vst v0  }
0x79e: {  	v0 =	vld [tilespmem:s0+$0xBF88];
	_ =	sdelay $0x4  }
0x79f: {  	v0 =	vmax.f32 v0, v60  }
0x7a0: {  	v61 =	vld [tilespmem:s1+$0xBF98];
	[tilespmem:s1+$0xBF88] =	vst v0  }
0x7a1: {  	v0 =	vld [tilespmem:s0+$0xBF98];
	_ =	sdelay $0x4  }
0x7a2: {  	v0 =	vmax.f32 v0, v61  }
0x7a3: {  	v62 =	vld [tilespmem:s1+$0xBFA8];
	[tilespmem:s1+$0xBF98] =	vst v0  }
0x7a4: {  	v0 =	vld [tilespmem:s0+$0xBFA8];
	_ =	sdelay $0x4  }
0x7a5: {  	v0 =	vmax.f32 v0, v62  }
0x7a6: {  	v63 =	vld [tilespmem:s1+$0xBFB8];
	[tilespmem:s1+$0xBFA8] =	vst v0  }
0x7a7: {  	v0 =	vld [tilespmem:s0+$0xBFB8];
	_ =	sdelay $0x1  }
.Ltmp31:
0x7a8: {  	_ = 	snop;
	(pc) =	sbr.rel .LBB2_37-.Ltmp31, $3  }
0x7a9: {  	_ =	sdelay $0x1  }
0x7aa: {  	v0 =	vmax.f32 v0, v63  }
0x7ab: {  	[tilespmem:s1+$0xBFB8] =	vst v0  }
.LBB2_38:
0x7ac: {  	s0 =	simm.s32 $0x6;
	p1 =	seq.s32 s3, $0x0  }
0x7ad: {  	[sflag:s0] =	ssyncpa.u1 $0x1;
	v0 =	vimm.s32 @p1 $0xFFFFFFFF  }
0x7ae: {  	s0 =	sadd.s32 $0xFFFFFFFF, s3;
	[tilespmem:$0xC978] =	vst @p1 v0  }
0x7af: {  	v0 =	vld.msk @!p1 [tilespmem:s0+$0xBF58], $0x1;
	_ =	sdelay $0x1  }
0x7b0: {  	v1 =	vld.msk @!p1 [tilespmem:$0xBF58], $0x1;
	_ =	sdelay $0x2  }
0x7b1: {  	p2 =	seq.s32 @!p1 s0, $0x0;
	v0 =	vbroadcast @!p1 v0, $0x0  }
0x7b2: {  	vm0 =	vmmov @!p1 $0x1;
	p3 =	por !p2, p1  }
0x7b3: {  	p2 =	sne.s32 @!p1 s5, s4;
	v1 =	vnsel @!p1 vm0, $0xFFFFFFFF, v1;
	vm0 =	vcmask @!p1 $0x308;
	v0 =	vpsel !p3, $0xFFFFFFFF, v0  }
0x7b4: {  	p3 =	por !p2, p1;
	v0 =	vsel @!p1 vm0, v1, v0  }
0x7b5: {  	s1 =	simm.s32 @!p1 $0xBF78;
	s2 =	simm.s32 @!p1 $0x0;
	s4 =	smul.u32 @!p3 $0x140, s0;
	[tilespmem:$0xC978] =	vst @!p1 v0  }
0x7b6: {  	[spmem:s2] =	stream.linear.scatter @!p1 [tilespmem:s1], [sflag:$0x1], $0x50, $0x38;
	[tilespmem:$0x1FF78] =	vst v63  }
0x7b7: {  	s1 =	sshra.s32 @!p3 s4, $0x2  }
0x7b8: {  	s2 =	simm.s32 @!p3 $0x50;
	s1 =	sadd.s32 @!p3 $0xBF78, s1  }
0x7b9: {  	[spmem:s2] =	stream.linear.scatter @!p3 [tilespmem:s1], [sflag:$0x1], $0x50, $0x38;
	[tilespmem:$0x1FF78] =	vst v63  }
0x7ba: {  	s1 =	simm.s32 @!p3 $0x1  }
0x7bb: {  	_ =	swait.ge @!p3 [sflag:s1], $0xA0  }
0x7bc: {  	p1 =	por p2, p1;
	[sflag:s1] =	ssyncset.done @!p3 $0x0  }
0x7bd: {  	[sflag:s1] =	ssyncadd.s32 @!p3 $0xFFFFFF60;
	s1 =	simm.s32 @!p1 $0x1  }
0x7be: {  	_ =	swait.ge @!p1 [sflag:s1], $0x50  }
0x7bf: {  	s29 =	simm.s32 $0xC978;
	[sflag:s1] =	ssyncset.done @!p1 $0x0  }
0x7c0: {  	s30 =	simm.s32 $0xA00;
	s31 =	simm.s32 $0x1;
	[sflag:s1] =	ssyncadd.s32 @!p1 $0xFFFFFFB0  }
0x7c1: {  	[spmem:s30] =	stream.linear.scatter [tilespmem:s29], [sflag:$0x1], $0x10, $0x38;
	[tilespmem:$0x1FF78] =	vst v63  }
0x7c2: {  	_ =	swait.ge [sflag:s31], $0x10  }
0x7c3: {  	[sflag:s31] =	ssyncset.done $0x0  }
0x7c4: {  	p1 =	seq.s32 s15, $0x0;
	s9 =	rddreg [dreg:$0x2];
	[sflag:s31] =	ssyncadd.s32 $0xFFFFFFF0  }
0x7c5: {  	s2 =	sshll.u32 @p1 s9, $0xE;
	s8 =	rddreg [dreg:$0x3]  }
0x7c6: {  	s1 =	sadd.s32 @p1 $0x15C3C, s2;
	s2 =	sshll.u32 @p1 s8, $0x11  }
0x7c7: {  	_ =	sfence.stream.spmem;
	s1 =	sor.u32 @p1 s2, s1  }
0x7c8: {  	[sflag:s1] =	ssyncadd.remote.s32 @p1 $0x1;
	s1 =	simm.s32 @p1 $0x4  }
0x7c9: {  	s4 =	simm.s32 @!p1 $0x3C;
	s2 =	sand.u32 $0xFFFFFFFE, s9;
	_ =	swait.ge @p1 [sflag:s1], $0x16  }
0x7ca: {  	s5 =	simm.s32 @!p1 $0x0;
	s2 =	sadd.s32 @!p1 $0x4, s2;
	[sflag:s1] =	ssyncset.done @p1 $0x0  }
0x7cb: {  	s7 =	simm.s32 @!p1 $0xA0;
	[sflag:s1] =	ssyncadd.s32 @p1 $0xFFFFFFEA;
	s1 =	sshll.u32 @!p1 s2, $0x1A  }
0x7cc: {  	s2 =	sshll.u32 @!p1 s2, $0xD;
	s1 =	sor.u32 @!p1 s1, s8;
	_ =	swait.eq @!p1 [sflag:s4], $0x1  }
0x7cd: {  	s2 =	sor.u32 @!p1 $0x1C04, s2;
	s4 =	simm.s32 @!p1 $0x1C03;
	s1 =	sor.u32 @!p1 $0x80004000, s1  }
0x7ce: {  	[spmem:s7], [sflag:s2] =	dma.general @!p1 [spmem:s5], [sflag:s4], length:$0x14, [dreg:$0x0], stride_count:$0x0, ici_dest:s1, dma_misc:DstOpCode:WRITE  }
0x7cf: {  	p2 =	slt.s32 s0, $0x2;
	s5 =	simm.s32 @!p1 $0x140;
	s7 =	simm.s32 @!p1 $0x142  }
0x7d0: {  	[spmem:s7], [sflag:s2] =	dma.general @!p1 [spmem:s5], [sflag:s4], length:$0x2, [dreg:$0x0], stride_count:$0x0, ici_dest:s1, dma_misc:DstOpCode:WRITE  }
.Ltmp32:
0x7d1: {  	s1 =	simm.s32 @!p1 $0x3;
	(pc) =	sbr.rel @p2 .LBB2_42-.Ltmp32, $4  }
0x7d2: {  	s2 =	sshll.u32 @!p1 s9, $0xE;
	_ =	swait.ge @!p1 [sflag:s1], $0x16  }
0x7d3: {  	s4 =	sshll.u32 @!p1 s8, $0x11;
	s2 =	sadd.s32 @!p1 $0x11C3C, s2;
	[sflag:s1] =	ssyncset.done @!p1 $0x0  }
0x7d4: {  	[sflag:s1] =	ssyncadd.s32 @!p1 $0xFFFFFFEA;
	s1 =	sor.u32 @!p1 s4, s2  }
0x7d5: {  	s0 =	simm.s32 $0x0;
	[sflag:s1] =	ssyncadd.remote.s32 @!p1 $0xFFFFFFFF  }
0x7d6: {  	s0 =	simm.s32 $0xBF59  }
0x7d7: {  	v0 =	vld.msk [tilespmem:s0+$0x0], $0x1;
	_ =	sdelay $0x4  }
0x7d8: {  	(v2sf) =	vpush v0, $0x0;
	_ =	sdelay $0xc  }
0x7d9: {  	s1 =	sadd.s32 $0xFFFFFFFE, s3  }
0x7da: {  	s1 =	sadd.s32 $0xFFFFFFFF, s1  }
0x7db: {  	p2 =	sne.s32 s1, $0x0;
	s2 =	spop (v2sf)  }
.Ltmp33:
0x7dc: {  	p1 =	sgt.u32 s2, $0x1869F6;
	(pc) =	sbr.rel @!p2 .LBB2_41-.Ltmp33, $4  }
0x7dd: {  	s4 =	simm.s32 $0x0;
	s3 =	sand.u32 @!p1 $0x1FFFF8, s2  }
0x7de: {  	s0 =	simm.s32 $0xBFC8;
	s2 =	sand.u32 @!p1 $0x7, s2;
	s3 =	sadd.s32 @!p1 s6, s3  }
0x7df: {  	[hbm4b:s3+s2] =	stream.linear.scatter @!p1 [tilespmem:s0], [sflag:$0x5], $0x50, $0x38;
	[tilespmem:$0x1FF78] =	vst v63  }
0x7e0: {  	s4 =	simm.s32 @!p1 $0x140;
	s2 =	simm.s32 $0x0;
	s3 =	simm.s32 $0xBF5A  }
.LBB2_40:
0x7e1: {  	v0 =	vld.msk [tilespmem:s3+$0x0], $0x1;
	s1 =	sadd.s32 $0xFFFFFFFF, s1;
	s2 =	sadd.s32 s2, s4  }
0x7e2: {  	p1 =	sne.s32 s1, $0x0;
	_ =	sdelay $0x3  }
0x7e3: {  	(v2sf) =	vpush v0, $0x0;
	_ =	sdelay $0xe  }
.Ltmp34:
0x7e4: {  	s5 =	spop (v2sf);
	(pc) =	sbr.rel @p1 .LBB2_40-.Ltmp34, $4  }
0x7e5: {  	s4 =	simm.s32 $0x0;
	p2 =	sgt.u32 s5, $0x1869F6  }
0x7e6: {  	s0 =	sadd.s32 $0x50, s0;
	s4 =	simm.s32 @!p2 $0x140;
	s7 =	sand.u32 @!p2 $0x1FFFF8, s5  }
0x7e7: {  	s3 =	sadd.s32 $0x1, s3;
	s5 =	sand.u32 @!p2 $0x7, s5;
	s7 =	sadd.s32 @!p2 s6, s7  }
0x7e8: {  	[hbm4b:s7+s5] =	stream.linear.scatter @!p2 [tilespmem:s0], [sflag:$0x5], $0x50, $0x38;
	[tilespmem:$0x1FF78] =	vst v63  }
.LBB2_41:
0x7e9: {  	s0 =	sadd.s32 s2, s4  }
0x7ea: {  	s0 =	sshrl.u32 s0, $0x2  }
.LBB2_42:
0x7eb: {  	s1 =	simm.s32 $0x5  }
0x7ec: {  	_ =	swait.ge [sflag:s1], s0  }
0x7ed: {  	s31 =	ssub.s32 $0x0, s0;
	[sflag:s1] =	ssyncset.done $0x0  }
0x7ee: {  	[sflag:s1] =	ssyncadd.s32 s31  }
0x7ef: {  	[sflag:s1] =	ssyncpa.u1 $0x1  }
.LBB2_43:
0x7f0: {  	s0 =	sor.u32 s15, s14  }
0x7f1: {  	p1 =	sne.s32 s0, $0x0  }
.Ltmp35:
0x7f2: {  	_ = 	snop;
	(pc) =	sbr.rel @p1 .LBB2_58-.Ltmp35, $3  }
0x7f3: {  	_ =	sdelay $0x1  }
0x7f4: {  	[bflag:$0x0] =	sbarrier.arrive $0xFFFF  }
0x7f5: {  	_ =	sfence  }
0x7f6: {  	s0 =	simm.s32 $0x7  }
0x7f7: {  	s1 =	simm.s32 $0xA00;
	s2 =	simm.s32 $0xBF58;
	[sflag:s0] =	ssyncpa.u1 $0x0  }
0x7f8: {  	[tilespmem:s2], [sflag:$0x7] =	stream.linear.gather [spmem:s1], $0x20, $0x38;
	[tilespmem:$0x1FF78] =	vst v63  }
0x7f9: {  	s30 =	simm.s32 $0xBF78;
	s1 =	simm.s32 $0x0  }
0x7fa: {  	[tilespmem:s30], [sflag:$0x7] =	stream.linear.gather [spmem:s1], $0xA00, $0x38;
	[tilespmem:$0x1FF78] =	vst v63  }
.Ltmp36:
0x7fb: {  	_ = 	snop;
	(pc) =	sbr.rel .LBB2_45-.Ltmp36, $4  }
0x7fc: {  	_ =	swait.ge [sflag:s0], $0xA20  }
0x7fd: {  	[sflag:s0] =	ssyncset.done $0x0  }
0x7fe: {  	s31 =	simm.s32 $0x8;
	[sflag:s0] =	ssyncadd.s32 $0xFFFFF5E0  }
0x7ff: {  	s2 =	simm.s32 $0x0;
	[sflag:s31] =	ssyncpa.u1 $0x0  }
.LBB2_51:
0x800: {  	p1 =	slt.u32 s0, $0x1869F7  }
0x801: {  	s3 =	sand.u32 @p1 $0x1FFFF8, s0  }
0x802: {  	s0 =	sand.u32 @p1 $0x7, s0;
	s4 =	simm.s32 @p1 $0xBEF8;
	s3 =	sadd.s32 @p1 s6, s3  }
0x803: {  	[tilespmem:s4], [sflag:$0x8] =	stream.linear.gather @p1 [hbm4b:s3+s0], $0x50, $0x38;
	[tilespmem:$0x1FF78] =	vst v63  }
0x804: {  	s0 =	simm.s32 @p1 $0x8  }
0x805: {  	_ =	swait.ge @p1 [sflag:s0], $0x50  }
0x806: {  	s3 =	smul.u32 @p1 $0x140, s2;
	[sflag:s0] =	ssyncset.done @p1 $0x0  }
0x807: {  	[sflag:s0] =	ssyncadd.s32 @p1 $0xFFFFFFB0  }
0x808: {  	s0 =	sshra.s32 @p1 s3, $0x2;
	v1 =	vld @p1 [tilespmem:$0xBEF8]  }
0x809: {  	v2 =	vld @p1 [tilespmem:s0+$0xBF78];
	_ =	sdelay $0x4  }
0x80a: {  	v1 =	vmax.f32 @p1 v1, v2  }
0x80b: {  	v2 =	vld @p1 [tilespmem:s0+$0xBF88];
	[tilespmem:s0+$0xBF78] =	vst @p1 v1  }
0x80c: {  	v1 =	vld @p1 [tilespmem:$0xBF08];
	_ =	sdelay $0x4  }
0x80d: {  	v1 =	vmax.f32 @p1 v1, v2  }
0x80e: {  	v2 =	vld @p1 [tilespmem:s0+$0xBF98];
	[tilespmem:s0+$0xBF88] =	vst @p1 v1  }
0x80f: {  	v1 =	vld @p1 [tilespmem:$0xBF18];
	_ =	sdelay $0x4  }
0x810: {  	v1 =	vmax.f32 @p1 v1, v2  }
0x811: {  	v2 =	vld @p1 [tilespmem:s0+$0xBFA8];
	[tilespmem:s0+$0xBF98] =	vst @p1 v1  }
0x812: {  	v1 =	vld @p1 [tilespmem:$0xBF28];
	_ =	sdelay $0x4  }
0x813: {  	v1 =	vmax.f32 @p1 v1, v2  }
0x814: {  	v2 =	vld @p1 [tilespmem:s0+$0xBFB8];
	[tilespmem:s0+$0xBFA8] =	vst @p1 v1  }
0x815: {  	v1 =	vld @p1 [tilespmem:$0xBF38];
	_ =	sdelay $0x3  }
0x816: {  	s4 =	smul.u32 @!p1 $0x140, s2  }
0x817: {  	v1 =	vmax.f32 @p1 v1, v2  }
0x818: {  	s4 =	smov.u32 @p1 s3;
	[tilespmem:s0+$0xBFB8] =	vst @p1 v1  }
0x819: {  	s30 =	sshra.s32 s4, $0x2;
	[tilespmem:s1+$0xBF58] =	vst.msk $0x1, v0  }
0x81a: {  	v0 =	vld [tilespmem:s30+$0xBF78];
	_ =	sdelay $0x1  }
0x81b: {  	s31 =	smul.u32 $0x140, s1;
	_ =	sdelay $0x1  }
0x81c: {  	s3 =	sshra.s32 s31, $0x2  }
0x81d: {  	[tilespmem:s3+$0xBF78] =	vst v0  }
0x81e: {  	v0 =	vld [tilespmem:s30+$0xBF88];
	_ =	sdelay $0x4  }
0x81f: {  	[tilespmem:s3+$0xBF88] =	vst v0  }
0x820: {  	v0 =	vld [tilespmem:s30+$0xBF98];
	_ =	sdelay $0x4  }
0x821: {  	[tilespmem:s3+$0xBF98] =	vst v0  }
0x822: {  	v0 =	vld [tilespmem:s30+$0xBFA8];
	_ =	sdelay $0x4  }
0x823: {  	[tilespmem:s3+$0xBFA8] =	vst v0  }
0x824: {  	v0 =	vld [tilespmem:s30+$0xBFB8];
	_ =	sdelay $0x4  }
0x825: {  	s1 =	sadd.s32 $0x1, s1;
	[tilespmem:s3+$0xBFB8] =	vst v0  }
.LBB2_52:
0x826: {  	s2 =	sadd.s32 $0x1, s2  }
0x827: {  	p1 =	sne.s32 s2, $0x20  }
.Ltmp37:
0x828: {  	_ = 	snop;
	(pc) =	sbr.rel @!p1 .LBB2_53-.Ltmp37, $1  }
0x829: {  	_ =	sdelay $0x3  }
.LBB2_45:
0x82a: {  	v0 =	vld.msk [tilespmem:s2+$0xBF58], $0x1;
	_ =	sdelay $0x4  }
0x82b: {  	(v2sf) =	vpush v0, $0x0;
	_ =	sdelay $0xe  }
0x82c: {  	s0 =	spop (v2sf)  }
0x82d: {  	p1 =	seq.s32 s0, $0xFFFFFFFF  }
.Ltmp38:
0x82e: {  	_ = 	snop;
	(pc) =	sbr.rel @p1 .LBB2_52-.Ltmp38, $1  }
0x82f: {  	_ =	sdelay $0x3  }
0x830: {  	p1 =	slt.s32 s1, $0x1  }
.Ltmp39:
0x831: {  	_ = 	snop;
	(pc) =	sbr.rel @p1 .LBB2_51-.Ltmp39, $1  }
0x832: {  	_ =	sdelay $0x3  }
0x833: {  	s3 =	simm.s32 $0xBF58;
	p1 =	por $0x0, $0x0  }
0x834: {  	v1 =	vld.msk @!p1 [tilespmem:s3+$0x0], $0x1;
	_ =	sdelay $0x4  }
0x835: {  	(v2sf) =	vpush @!p1 v1, $0x0;
	_ =	sdelay $0xd  }
0x836: {  	p3 =	sne.s32 s1, $0x1  }
.Ltmp40:
0x837: {  	s4 =	spop @!p1 (v2sf);
	(pc) =	sbr.rel @!p3 .LBB2_49-.Ltmp40, $4  }
0x838: {  	p2 =	seq.s32 @!p1 s0, s4  }
0x839: {  	s4 =	simm.s32 $0x0;
	p2 =	por !p2, p1  }
0x83a: {  	s7 =	simm.s32 $0xFFFFFFFF;
	s4 =	simm.s32 @p2 $0xFFFFFFFF  }
0x83b: {  	s5 =	simm.s32 $0x1;
	s4 =	smov.u32 @p1 s7  }
.LBB2_48:
0x83c: {  	s7 =	smov.u32 s4;
	p1 =	sne.s32 s4, $0xFFFFFFFF  }
0x83d: {  	s3 =	sadd.s32 $0x1, s3;
	s4 =	smov.u32 s5;
	s5 =	sadd.s32 $0x1, s5  }
0x83e: {  	p2 =	sne.s32 s1, s5;
	v1 =	vld.msk @!p1 [tilespmem:s3+$0x0], $0x1;
	_ =	sdelay $0x4  }
0x83f: {  	(v2sf) =	vpush @!p1 v1, $0x0;
	_ =	sdelay $0xe  }
.Ltmp41:
0x840: {  	s8 =	spop @!p1 (v2sf);
	(pc) =	sbr.rel @p2 .LBB2_48-.Ltmp41, $4  }
0x841: {  	p3 =	seq.s32 @!p1 s0, s8  }
0x842: {  	p3 =	por !p3, p1  }
0x843: {  	s4 =	simm.s32 @p3 $0xFFFFFFFF  }
0x844: {  	s4 =	smov.u32 @p1 s7  }
.LBB2_49:
0x845: {  	p1 =	seq.s32 s4, $0xFFFFFFFF  }
.Ltmp42:
0x846: {  	_ = 	snop;
	(pc) =	sbr.rel @p1 .LBB2_51-.Ltmp42, $1  }
0x847: {  	_ =	sdelay $0x3  }
0x848: {  	s0 =	smul.u32 $0x140, s2  }
0x849: {  	s3 =	smul.u32 $0x140, s4  }
0x84a: {  	s0 =	sshra.s32 s0, $0x2  }
0x84b: {  	s3 =	sshra.s32 s3, $0x2;
	v0 =	vld [tilespmem:s0+$0xBF78]  }
0x84c: {  	v1 =	vld [tilespmem:s3+$0xBF78];
	_ =	sdelay $0x4  }
0x84d: {  	v0 =	vmax.f32 v0, v1  }
0x84e: {  	v60 =	vld [tilespmem:s3+$0xBF88];
	[tilespmem:s3+$0xBF78] =	vst v0  }
0x84f: {  	v0 =	vld [tilespmem:s0+$0xBF88];
	_ =	sdelay $0x4  }
0x850: {  	v0 =	vmax.f32 v0, v60  }
0x851: {  	v61 =	vld [tilespmem:s3+$0xBF98];
	[tilespmem:s3+$0xBF88] =	vst v0  }
0x852: {  	v0 =	vld [tilespmem:s0+$0xBF98];
	_ =	sdelay $0x4  }
0x853: {  	v0 =	vmax.f32 v0, v61  }
0x854: {  	v62 =	vld [tilespmem:s3+$0xBFA8];
	[tilespmem:s3+$0xBF98] =	vst v0  }
0x855: {  	v0 =	vld [tilespmem:s0+$0xBFA8];
	_ =	sdelay $0x4  }
0x856: {  	v0 =	vmax.f32 v0, v62  }
0x857: {  	v63 =	vld [tilespmem:s3+$0xBFB8];
	[tilespmem:s3+$0xBFA8] =	vst v0  }
0x858: {  	v0 =	vld [tilespmem:s0+$0xBFB8];
	_ =	sdelay $0x1  }
.Ltmp43:
0x859: {  	_ = 	snop;
	(pc) =	sbr.rel .LBB2_52-.Ltmp43, $3  }
0x85a: {  	_ =	sdelay $0x1  }
0x85b: {  	v0 =	vmax.f32 v0, v63  }
0x85c: {  	[tilespmem:s3+$0xBFB8] =	vst v0  }
.LBB2_53:
0x85d: {  	p1 =	slt.s32 s1, $0x1  }
.Ltmp44:
0x85e: {  	_ = 	snop;
	(pc) =	sbr.rel @p1 .LBB2_57-.Ltmp44, $3  }
0x85f: {  	_ =	sdelay $0x1  }
0x860: {  	s0 =	simm.s32 $0x8  }
0x861: {  	[sflag:s0] =	ssyncpa.u1 $0x1;
	s0 =	simm.s32 $0x0  }
0x862: {  	s2 =	simm.s32 $0xBF58  }
0x863: {  	v0 =	vld.msk [tilespmem:s2+$0x0], $0x1;
	_ =	sdelay $0x4  }
0x864: {  	(v2sf) =	vpush v0, $0x0;
	_ =	sdelay $0xe  }
0x865: {  	s1 =	sadd.s32 $0xFFFFFFFF, s1;
	s3 =	spop (v2sf)  }
0x866: {  	p2 =	sne.s32 s1, $0x0;
	p1 =	sgt.u32 s3, $0x1869F6  }
.Ltmp45:
0x867: {  	s4 =	sand.u32 @!p1 $0x1FFFF8, s3;
	(pc) =	sbr.rel @!p2 .LBB2_56-.Ltmp45, $4  }
0x868: {  	s2 =	simm.s32 $0xBF78;
	s3 =	sand.u32 @!p1 $0x7, s3;
	s4 =	sadd.s32 @!p1 s6, s4  }
0x869: {  	[hbm4b:s4+s3] =	stream.linear.scatter @!p1 [tilespmem:s2], [sflag:$0x7], $0x50, $0x38;
	[tilespmem:$0x1FF78] =	vst v63  }
0x86a: {  	s4 =	simm.s32 $0x0  }
0x86b: {  	s3 =	simm.s32 $0xBF59;
	s4 =	simm.s32 @!p1 $0x140  }
.LBB2_55:
0x86c: {  	v0 =	vld.msk [tilespmem:s3+$0x0], $0x1;
	s1 =	sadd.s32 $0xFFFFFFFF, s1;
	s0 =	sadd.s32 s0, s4  }
0x86d: {  	p1 =	sne.s32 s1, $0x0;
	_ =	sdelay $0x3  }
0x86e: {  	(v2sf) =	vpush v0, $0x0;
	_ =	sdelay $0xe  }
.Ltmp46:
0x86f: {  	s5 =	spop (v2sf);
	(pc) =	sbr.rel @p1 .LBB2_55-.Ltmp46, $4  }
0x870: {  	s4 =	simm.s32 $0x0;
	p2 =	sgt.u32 s5, $0x1869F6  }
0x871: {  	s2 =	sadd.s32 $0x50, s2;
	s4 =	simm.s32 @!p2 $0x140;
	s7 =	sand.u32 @!p2 $0x1FFFF8, s5  }
0x872: {  	s3 =	sadd.s32 $0x1, s3;
	s5 =	sand.u32 @!p2 $0x7, s5;
	s7 =	sadd.s32 @!p2 s6, s7  }
0x873: {  	[hbm4b:s7+s5] =	stream.linear.scatter @!p2 [tilespmem:s2], [sflag:$0x7], $0x50, $0x38;
	[tilespmem:$0x1FF78] =	vst v63  }
.LBB2_56:
0x874: {  	s0 =	sadd.s32 s0, s4  }
0x875: {  	s0 =	sshrl.u32 s0, $0x2  }
.LBB2_57:
0x876: {  	s1 =	simm.s32 $0x7  }
0x877: {  	_ =	swait.ge [sflag:s1], s0  }
0x878: {  	s31 =	ssub.s32 $0x0, s0;
	[sflag:s1] =	ssyncset.done $0x0  }
0x879: {  	[sflag:s1] =	ssyncadd.s32 s31  }
0x87a: {  	[sflag:s1] =	ssyncpa.u1 $0x1  }
.LBB2_58:
0x87b: {  	_ =	sfence;
	s0 =	simm.s32 $0x1  }
0x87c: {  	[sflag:s0] =	ssyncpa.u1 $0x1  }
0x87d: {  	_ =	strace $0x90000047  }
0x87e: {  	[bflag:$0x2] =	sbarrier.arrive $0xFFFF  }
0x87f: {  	s0 =	rddreg [dreg:$0x4]  }
0x880: {  	s0 =	sadd.s32 @!p0 $0x100000, s0  }
0x881: {  	[sflag:s0] =	ssyncadd.tile.s32 @!p0 $0x1;
	_ =	shalt  }
.Lfunc_end2:
_tile_overlayer_lowered:
.L_overlay_start_2:
0x882: {  	(tag) =	ssettag $0x2  }
0x883: {  	s0 =	rddreg [dreg:$0x0];
	s2 =	stileid.u32  }
0x884: {  	s1 =	rddreg [dreg:$0x1];
	p0 =	sne.s32 s2, $0x0  }
0x885: {  	s3 =	rddreg [dreg:$0x2];
	[bflag:$0x3] =	sbarrier.arrive $0xFFFF;
	s2 =	simm.s32 @!p0 $0x1C01  }
0x886: {  	[timem:s3], [sflag:s2] =	dma.local @!p0 [hbm:s0], s1  }
0x887: {  	s0 =	simm.s32 @!p0 $0x1  }
0x888: {  	_ =	swait.ge @!p0 [sflag:s0], s1  }
0x889: {  	s1 =	ssub.s32 @!p0 $0x0, s1;
	[sflag:s0] =	ssyncset.done @!p0 $0x0  }
0x88a: {  	[sflag:s0] =	ssyncadd.s32 @!p0 s1  }
0x88b: {  	[bflag:$0x3] =	sbarrier.arrive $0xFFFF  }
0x88c: {  	_ =	shalt  }

</sc_bundles>
